<compile_context>
chip_gen: v7x
topology: tpu7x:2x2x1
jax: 0.10.2.dev20260603
libtpu: 0.0.44.dev20260713+nightly
codegen_flags: <defaults>
</compile_context>

<pallas_src>
import functools

import jax
import jax.numpy as jnp
import numpy as np
from jax import lax
from jax.experimental import pallas as pl
from jax.experimental.pallas import tpu as pltpu
from jax.experimental.pallas import tpu_sc as plsc

N = 10000
E = 320000
D = 128
H = 32
OUT = 128

NC, NS, L = 2, 16, 16
NW = NC * NS
EB = 1280
NBLK = E // EB
KMAX = -(-NBLK // NW)
GS = 128
NBG = EB // GS

ACCN = 10240
SPLITF = 4
NQ = NW // (H // SPLITF)
EQ = E // NQ
EB3 = 3200
NB3 = EQ // EB3

NEG = -3.0e38


@functools.lru_cache(maxsize=None)
def _sc_mesh():
    return plsc.VectorSubcoreMesh(core_axis_name="c", subcore_axis_name="s")


def _f32(shape):
    return jax.ShapeDtypeStruct(shape, jnp.float32)


NPAD = 10240


def _a2_body(x_ref, w_ref, c_ref, o_ref):
    o_ref[:, :] = (
        lax.dot_general(
            w_ref[:, :], x_ref[:, :], (((0,), (1,)), ((), ())),
            preferred_element_type=jnp.float32,
        )
        + c_ref[:, :]
    )


def _node_fold(xp, w1s, cvect):
    return pl.pallas_call(
        _a2_body,
        grid=(10,),
        in_specs=[
            pl.BlockSpec((1024, D), lambda i: (i, 0)),
            pl.BlockSpec((D, H), lambda i: (0, 0)),
            pl.BlockSpec((H, 1), lambda i: (0, 0)),
        ],
        out_specs=pl.BlockSpec((H, 1024), lambda i: (0, i)),
        out_shape=_f32((H, NPAD)),
    )(xp, w1s, cvect)


SB = 6400
NSB = E // SB


@functools.lru_cache(maxsize=None)
def _edge_front_kernel():
    return pl.kernel(
        _edge_front_body,
        mesh=_sc_mesh(),
        out_type=(_f32((6 * E,)), _f32((NW * E,))),
        scratch_types=[
            pltpu.VMEM((6 * N,), jnp.float32),
            pltpu.VMEM((EB,), jnp.int32),
            pltpu.VMEM((EB,), jnp.int32),
            pltpu.VMEM((6 * EB,), jnp.float32),
            pltpu.VMEM((NPAD,), jnp.float32),
            pltpu.VMEM((SB,), jnp.int32),
            pltpu.VMEM((SB,), jnp.int32),
            pltpu.VMEM((SB,), jnp.float32),
            pltpu.VMEM((SB,), jnp.float32),
            pltpu.SemaphoreType.DMA,
            pltpu.SemaphoreType.DMA,
            pltpu.SemaphoreType.DMA,
            pltpu.SemaphoreType.DMA,
            pltpu.SemaphoreType.DMA,
        ],
        compiler_params=pltpu.CompilerParams(needs_layout_passes=False),
    )


def _edge_front_body(t6_hbm, src_hbm, dst_hbm, a2t_hbm,
                     dots_out, a2g_out, t6v, srcv, dstv, dotsv,
                     tabv, sbufA, sbufB, obufA, obufB,
                     semD, semIA, semIB, semOA, semOB):
    wid = lax.axis_index("s") * NC + lax.axis_index("c")
    pltpu.sync_copy(t6_hbm, t6v)

    def dots_drain():
        for f in range(6):
            pltpu.make_async_copy(
                dotsv.at[pl.ds(f * EB, EB)],
                dots_out.at[pl.ds(f * E, EB)], semD,
            ).wait()

    def block(k, carry):
        blk = wid + NW * k

        @pl.when(blk < NBLK)
        def _():
            base = blk * EB
            pltpu.sync_copy(src_hbm.at[pl.ds(base, EB)], srcv)
            pltpu.sync_copy(dst_hbm.at[pl.ds(base, EB)], dstv)

            @pl.when(k > 0)
            def _():
                dots_drain()

            def vec(j, c2):
                s16 = srcv[pl.ds(j * 16, 16)]
                d16 = dstv[pl.ds(j * 16, 16)]
                pjx = plsc.load_gather(t6v, [s16])
                pjy = plsc.load_gather(t6v, [s16 + N])
                pjz = plsc.load_gather(t6v, [s16 + 2 * N])
                njx = plsc.load_gather(t6v, [s16 + 3 * N])
                njy = plsc.load_gather(t6v, [s16 + 4 * N])
                njz = plsc.load_gather(t6v, [s16 + 5 * N])
                pix = plsc.load_gather(t6v, [d16])
                piy = plsc.load_gather(t6v, [d16 + N])
                piz = plsc.load_gather(t6v, [d16 + 2 * N])
                nix = plsc.load_gather(t6v, [d16 + 3 * N])
                niy = plsc.load_gather(t6v, [d16 + 4 * N])
                niz = plsc.load_gather(t6v, [d16 + 5 * N])
                psx = pjx - pix
                psy = pjy - piy
                psz = pjz - piz
                dd = psx * psx + psy * psy + psz * psz
                nips = nix * psx + niy * psy + niz * psz
                njps = njx * psx + njy * psy + njz * psz
                ninj = nix * njx + niy * njy + niz * njz
                nini = nix * nix + niy * niy + niz * niz
                njnj = njx * njx + njy * njy + njz * njz
                for f, v in enumerate((dd, nips, njps, ninj, nini, njnj)):
                    dotsv[pl.ds(f * EB + j * 16, 16)] = v
                return c2

            lax.fori_loop(0, EB // 16, vec, 0)
            for f in range(6):
                pltpu.async_copy(
                    dotsv.at[pl.ds(f * EB, EB)],
                    dots_out.at[pl.ds(f * E + base, EB)], semD,
                )

        return carry

    lax.fori_loop(0, KMAX, block, 0)
    dots_drain()

    pltpu.sync_copy(a2t_hbm.at[pl.ds(wid * NPAD, NPAD)], tabv)

    def start_in(b, sbuf, sem):
        pltpu.async_copy(src_hbm.at[pl.ds(b * SB, SB)], sbuf, sem)

    def drain_in(sbuf, sem):
        pltpu.make_async_copy(src_hbm.at[pl.ds(0, SB)], sbuf, sem).wait()

    def start_out(b, obuf, sem):
        pltpu.async_copy(obuf, a2g_out.at[pl.ds(wid * E + b * SB, SB)], sem)

    def drain_out(obuf, sem):
        pltpu.make_async_copy(
            obuf, a2g_out.at[pl.ds(wid * E, SB)], sem
        ).wait()

    def gather(sbuf, obuf):
        def gvec(j, c2):
            obuf[pl.ds(j * 16, 16)] = plsc.load_gather(
                tabv, [sbuf[pl.ds(j * 16, 16)]]
            )
            return c2

        lax.fori_loop(0, SB // 16, gvec, 0)

    start_in(0, sbufA, semIA)

    def gpair(p, carry):
        start_in(2 * p + 1, sbufB, semIB)
        drain_in(sbufA, semIA)

        @pl.when(p > 0)
        def _():
            drain_out(obufA, semOA)

        gather(sbufA, obufA)
        start_out(2 * p, obufA, semOA)

        @pl.when(p < NSB // 2 - 1)
        def _():
            start_in(2 * p + 2, sbufA, semIA)

        drain_in(sbufB, semIB)

        @pl.when(p > 0)
        def _():
            drain_out(obufB, semOB)

        gather(sbufB, obufB)
        start_out(2 * p + 1, obufB, semOB)
        return carry

    lax.fori_loop(0, NSB // 2, gpair, 0)
    drain_out(obufA, semOA)
    drain_out(obufB, semOB)


def _atan2_poly(y, x):
    ax = jnp.abs(x)
    hi = jnp.maximum(y, ax)
    lo = jnp.minimum(y, ax)
    r = lo / jnp.maximum(hi, jnp.float32(1e-37))
    s = r * r
    p = jnp.float32(2.90188402868554315e-03)
    p = p * s - jnp.float32(1.62980136087791103e-02)
    p = p * s + jnp.float32(4.30512745506233115e-02)
    p = p * s - jnp.float32(7.53037674892936771e-02)
    p = p * s + jnp.float32(1.06554379229240167e-01)
    p = p * s - jnp.float32(1.42077862045390988e-01)
    p = p * s + jnp.float32(1.99926389418588319e-01)
    p = p * s - jnp.float32(3.33331017604993073e-01)
    a = r + r * s * p
    a = jnp.where(y > ax, jnp.float32(np.pi / 2) - a, a)
    a = jnp.where(x < 0, jnp.float32(np.pi) - a, a)
    return jnp.where((y == 0) & (x == 0), jnp.float32(0.0), a)


EB2 = 6400


def _edge_mlp_body(a2gt_ref, dots_ref, w1pp_ref, w2_ref, o_ref):
    dots = dots_ref[:, :]
    dd = dots[0:1, :]
    nips = dots[1:2, :]
    njps = dots[2:3, :]
    ninj = dots[3:4, :]
    nini = dots[4:5, :]
    njnj = dots[5:6, :]
    relu = lambda v: jnp.maximum(v, jnp.float32(0.0))
    d = jnp.sqrt(dd)
    a1 = _atan2_poly(jnp.sqrt(relu(nini * dd - nips * nips)), nips)
    a2 = _atan2_poly(jnp.sqrt(relu(njnj * dd - njps * njps)), njps)
    a3 = _atan2_poly(jnp.sqrt(relu(nini * njnj - ninj * ninj)), ninj)
    ppf = jnp.concatenate([d, a1, a2, a3], axis=0)
    pre = a2gt_ref[:, :] + lax.dot_general(
        w1pp_ref[:, :], ppf, (((0,), (0,)), ((), ())),
        preferred_element_type=jnp.float32,
    )
    t = relu(pre)
    o_ref[:, :] = lax.dot_general(
        w2_ref[:, :], t, (((0,), (0,)), ((), ())),
        preferred_element_type=jnp.float32,
    )


def _edge_mlp(a2gt, dots, w1pp, w2):
    return pl.pallas_call(
        _edge_mlp_body,
        grid=(E // EB2,),
        in_specs=[
            pl.BlockSpec((H, EB2), lambda i: (0, i)),
            pl.BlockSpec((6, EB2), lambda i: (0, i)),
            pl.BlockSpec((4, H), lambda i: (0, 0)),
            pl.BlockSpec((H, H), lambda i: (0, 0)),
        ],
        out_specs=pl.BlockSpec((H, EB2), lambda i: (0, i)),
        out_shape=_f32((H, E)),
    )(a2gt, dots, w1pp, w2)


@functools.lru_cache(maxsize=None)
def _segment_max_kernel():
    return pl.kernel(
        _segment_max_body,
        mesh=_sc_mesh(),
        out_type=_f32((NQ * NW * ACCN,)),
        scratch_types=[
            [pltpu.VMEM((ACCN,), jnp.float32) for _ in range(SPLITF)],
            pltpu.VMEM((ACCN,), jnp.int32),
            pltpu.VMEM((EB3,), jnp.int32),
            [pltpu.VMEM((EB3,), jnp.float32) for _ in range(SPLITF)],
            pltpu.VMEM((EB3,), jnp.int32),
            [pltpu.VMEM((EB3,), jnp.float32) for _ in range(SPLITF)],
            pltpu.SemaphoreType.DMA,
            pltpu.SemaphoreType.DMA,
        ],
        compiler_params=pltpu.CompilerParams(needs_layout_passes=False),
    )


def _segment_max_body(dst_hbm, ht_hbm, m_out, accs, mk, dA, vAs, dB, vBs,
                      semA, semB):
    wid = lax.axis_index("s") * NC + lax.axis_index("c")
    q = wid // (H // SPLITF)
    cp = wid % (H // SPLITF)
    ebase = q * EQ
    lane = lax.iota(jnp.int32, 16)
    negv = jnp.full((16,), NEG, jnp.float32)

    def init(i, c):
        for ac in accs:
            ac[pl.ds(i * 16, 16)] = negv
        return c

    lax.fori_loop(0, ACCN // 16, init, 0)

    def start(k, dref, vrefs, sem):
        pltpu.async_copy(dst_hbm.at[pl.ds(ebase + k * EB3, EB3)], dref, sem)
        for j, vr in enumerate(vrefs):
            pltpu.async_copy(
                ht_hbm.at[pl.ds((cp * SPLITF + j) * E + ebase + k * EB3, EB3)],
                vr, sem,
            )

    def drain(dref, vrefs, sem):
        pltpu.make_async_copy(dst_hbm.at[pl.ds(0, EB3)], dref, sem).wait()
        for vr in vrefs:
            pltpu.make_async_copy(ht_hbm.at[pl.ds(0, EB3)], vr, sem).wait()

    def process(dref, vrefs):
        def vec(j, c2):
            idx = dref[pl.ds(j * 16, 16)]
            plsc.store_scatter(mk, [idx], lane)
            g = plsc.load_gather(mk, [idx])
            win = g == lane
            vals = []
            for vr, ac in zip(vrefs, accs):
                val = vr[pl.ds(j * 16, 16)]
                vals.append(val)
                a = plsc.load_gather(ac, [idx])
                plsc.store_scatter(ac, [idx], jnp.maximum(a, val), mask=win)

            def cond(pend):
                return jnp.any(pend)

            def body(pend):
                plsc.store_scatter(mk, [idx], lane, mask=pend)
                g2 = plsc.load_gather(mk, [idx])
                w2 = pend & (g2 == lane)
                for val, ac in zip(vals, accs):
                    a2 = plsc.load_gather(ac, [idx])
                    plsc.store_scatter(
                        ac, [idx], jnp.maximum(a2, val), mask=w2
                    )
                return pend & jnp.logical_not(w2)

            lax.while_loop(cond, body, jnp.logical_not(win))
            return c2

        lax.fori_loop(0, EB3 // 16, vec, 0)

    start(0, dA, vAs, semA)

    def pair(p, carry):
        start(2 * p + 1, dB, vBs, semB)
        drain(dA, vAs, semA)
        process(dA, vAs)
        start(2 * p + 2, dA, vAs, semA)
        drain(dB, vBs, semB)
        process(dB, vBs)
        return carry

    lax.fori_loop(0, NB3 // 2, pair, 0)
    drain(dA, vAs, semA)
    process(dA, vAs)
    for j, ac in enumerate(accs):
        pltpu.sync_copy(
            ac, m_out.at[pl.ds((wid * SPLITF + j) * ACCN, ACCN)]
        )


CB = 1024


def _out_mlp_body(mt_ref, b2_ref, w3_ref, b3_ref, g2_ref, be2_ref,
                  w4_ref, b4_ref, z_ref, st_ref, sc):
    i = pl.program_id(0)
    relu = lambda v: jnp.maximum(v, jnp.float32(0.0))
    m = jnp.max(mt_ref[:, :, :], axis=0).T
    aggr = jnp.where(m > jnp.float32(-1e38), m + b2_ref[:, :], jnp.float32(0.0))
    z1 = relu(
        (jnp.dot(aggr, w3_ref[:, :], preferred_element_type=jnp.float32)
         + b3_ref[:, :]) * g2_ref[:, :] + be2_ref[:, :]
    )
    z = relu(
        jnp.dot(z1, w4_ref[:, :], preferred_element_type=jnp.float32)
        + b4_ref[:, :]
    )
    rows = i * CB + lax.broadcasted_iota(jnp.int32, (CB, 1), 0)
    mask = rows < N
    bm = jnp.max(jnp.where(mask, z, jnp.float32(NEG)))

    @pl.when(i == 0)
    def _():
        sc[0] = jnp.float32(NEG)
        sc[1] = jnp.float32(0.0)

    mold = sc[0]
    mn = jnp.maximum(mold, bm)
    s = sc[1] * jnp.exp(mold - mn) + jnp.sum(
        jnp.where(mask, jnp.exp(z - mn), jnp.float32(0.0))
    )
    sc[0] = mn
    sc[1] = s

    @pl.when(i == (ACCN // CB) - 1)
    def _():
        st_ref[:, :] = jnp.concatenate(
            [jnp.broadcast_to(mn, (1, 1)), jnp.broadcast_to(s, (1, 1))], axis=1
        )

    z_ref[:, :] = z


def _out_mlp(mt, b2, w3, b3, g2v, be2, w4, b4):
    return pl.pallas_call(
        _out_mlp_body,
        grid=(ACCN // CB,),
        in_specs=[
            pl.BlockSpec((NQ, H, CB), lambda i: (0, 0, i)),
            pl.BlockSpec((1, H), lambda i: (0, 0)),
            pl.BlockSpec((H, H), lambda i: (0, 0)),
            pl.BlockSpec((1, H), lambda i: (0, 0)),
            pl.BlockSpec((1, H), lambda i: (0, 0)),
            pl.BlockSpec((1, H), lambda i: (0, 0)),
            pl.BlockSpec((H, OUT), lambda i: (0, 0)),
            pl.BlockSpec((1, OUT), lambda i: (0, 0)),
        ],
        out_specs=[
            pl.BlockSpec((CB, OUT), lambda i: (i, 0)),
            pl.BlockSpec((1, 2), lambda i: (0, 0)),
        ],
        out_shape=[_f32((ACCN, OUT)), _f32((1, 2))],
        scratch_shapes=[pltpu.SMEM((2,), jnp.float32)],
    )(mt, b2, w3, b3, g2v, be2, w4, b4)


def _norm_body(z_ref, st_ref, y_ref):
    st = st_ref[:, :]
    y_ref[:, :] = jnp.exp(z_ref[:, :] - st[0:1, 0:1]) * (
        jnp.float32(1.0) / st[0:1, 1:2]
    )


def _normalize(z10, stats):
    return pl.pallas_call(
        _norm_body,
        grid=(25,),
        in_specs=[
            pl.BlockSpec((400, OUT), lambda i: (i, 0)),
            pl.BlockSpec((1, 2), lambda i: (0, 0)),
        ],
        out_specs=pl.BlockSpec((400, OUT), lambda i: (i, 0)),
        out_shape=_f32((N, OUT)),
    )(z10, stats)


def kernel(x, pos, norm, edge_index, W1, b1, g1, be1, W2, b2, W3, b3, g2,
           be2, W4, b4):
    src = edge_index[0]
    dst = edge_index[1]
    w1s = W1[:D] * g1[None, :]
    cvect = (g1 * b1 + be1)[:, None]
    w1pp = W1[D:] * g1[None, :]

    t6 = jnp.concatenate(
        [pos[:, 0], pos[:, 1], pos[:, 2], norm[:, 0], norm[:, 1], norm[:, 2]]
    )
    xp = jnp.pad(x, ((0, NPAD - N), (0, 0)))
    a2t = _node_fold(xp, w1s, cvect)
    dotsf, a2gf = _edge_front_kernel()(t6, src, dst, a2t.reshape(-1))
    ht = _edge_mlp(a2gf.reshape(NW, E), dotsf.reshape(6, E), w1pp, W2)
    mflat = _segment_max_kernel()(dst, ht.reshape(-1))
    mt = mflat.reshape(NQ, H, ACCN)
    z, stats = _out_mlp(mt, b2[None, :], W3, b3[None, :], g2[None, :],
                        be2[None, :], W4, b4[None, :])
    y = _normalize(z[:N], stats)
    return y.reshape(-1)

# --- scband reference (transcript-rebuilt; emitter-appended) ---
"""Pipeline reference for scband-shallow-gnn-23029614641652 (READ-ONLY COPY).

The authoritative reference and input builder live on the scoring server;
editing this copy changes nothing except your own understanding.
"""

import jax, jax.numpy as jnp
import numpy as np


def _get_angle(v1, v2):
    cross = jnp.cross(v1, v2)
    return jnp.arctan2(jnp.linalg.norm(cross, axis=-1), jnp.sum(v1 * v2, axis=-1))


def setup_inputs(seed: int = 0) -> dict:
    key = jax.random.key(seed)
    ks = jax.random.split(key, 12)
    N, E, D, OUT, H = 10000, 320000, 128, 128, 32
    inp = {}
    inp['x'] = jax.random.normal(ks[0], (N, D), dtype=jnp.float32)
    inp['pos'] = jax.random.normal(ks[1], (N, 3), dtype=jnp.float32)
    inp['norm'] = jax.random.normal(ks[2], (N, 3), dtype=jnp.float32)
    inp['edge_index'] = jax.random.randint(ks[3], (2, E), 0, N, dtype=jnp.int32)
    # local_nn = MLP([132, 32, 32]): Linear -> BN(eval) -> ReLU -> Linear (plain_last)
    inp['W1'] = jax.random.normal(ks[4], (D + 4, H), dtype=jnp.float32) * 0.05
    inp['b1'] = jnp.zeros((H,), dtype=jnp.float32)
    inp['g1'] = jnp.ones((H,), dtype=jnp.float32)
    inp['be1'] = jnp.zeros((H,), dtype=jnp.float32)
    inp['W2'] = jax.random.normal(ks[5], (H, H), dtype=jnp.float32) * 0.05
    inp['b2'] = jnp.zeros((H,), dtype=jnp.float32)
    # global_nn = MLP([32, 32, 128])
    inp['W3'] = jax.random.normal(ks[6], (H, H), dtype=jnp.float32) * 0.05
    inp['b3'] = jnp.zeros((H,), dtype=jnp.float32)
    inp['g2'] = jnp.ones((H,), dtype=jnp.float32)
    inp['be2'] = jnp.zeros((H,), dtype=jnp.float32)
    inp['W4'] = jax.random.normal(ks[7], (H, OUT), dtype=jnp.float32) * 0.05
    inp['b4'] = jnp.zeros((OUT,), dtype=jnp.float32)
    return inp


def reference(x, pos, norm, edge_index, W1, b1, g1, be1, W2, b2, W3, b3, g2, be2, W4, b4):
    src = edge_index[0]
    dst = edge_index[1]
    N = x.shape[0]
    # PPFConv message: point pair features for edge j->i
    pos_i = pos[dst]
    pos_j = pos[src]
    n_i = norm[dst]
    n_j = norm[src]
    x_j = x[src]
    pseudo = pos_j - pos_i
    ppf = jnp.stack([
        jnp.linalg.norm(pseudo, axis=-1),
        _get_angle(n_i, pseudo),
        _get_angle(n_j, pseudo),
        _get_angle(n_i, n_j),
    ], axis=1)
    msg = jnp.concatenate([x_j, ppf], axis=1)
    # local_nn (BN in eval mode with running_mean=0, running_var=1)
    h = msg @ W1 + b1
    h = g1 * h + be1
    h = jax.nn.relu(h)
    h = h @ W2 + b2
    # max aggregation over incoming edges
    aggr = jax.ops.segment_max(h, dst, num_segments=N)
    aggr = jnp.where(jnp.isfinite(aggr), aggr, 0.0)
    # global_nn
    out = aggr @ W3 + b3
    out = g2 * out + be2
    out = jax.nn.relu(out)
    out = out @ W4 + b4
    out = jax.nn.relu(out)
    return jax.nn.softmax(out.reshape(-1), axis=0)

if __name__ == "__main__":
    import jax
    _d = setup_inputs()
    print(jax.jit(kernel)(*tuple(_d.values())))

</pallas_src>

<mosaic_0001>
#map = affine_map<(d0, d1) -> (0)>
module attributes {stable_mosaic.version = 14 : i64} {
  func.func @_edge_front_body(%arg0: i32, %arg1: i32, %arg2: memref<60000xf32, #tpu.memory_space<hbm>>, %arg3: memref<320000xi32, #tpu.memory_space<hbm>>, %arg4: memref<320000xi32, #tpu.memory_space<hbm>>, %arg5: memref<327680xf32, #tpu.memory_space<hbm>>, %arg6: memref<1920000xf32, #tpu.memory_space<hbm>>, %arg7: memref<10240000xf32, #tpu.memory_space<hbm>>, %arg8: memref<60000xf32, #tpu.memory_space<vmem>>, %arg9: memref<1280xi32, #tpu.memory_space<vmem>>, %arg10: memref<1280xi32, #tpu.memory_space<vmem>>, %arg11: memref<7680xf32, #tpu.memory_space<vmem>>, %arg12: memref<10240xf32, #tpu.memory_space<vmem>>, %arg13: memref<6400xi32, #tpu.memory_space<vmem>>, %arg14: memref<6400xi32, #tpu.memory_space<vmem>>, %arg15: memref<6400xf32, #tpu.memory_space<vmem>>, %arg16: memref<6400xf32, #tpu.memory_space<vmem>>, %arg17: memref<!tpu.dma_semaphore, #tpu.memory_space<semaphore_mem>>, %arg18: memref<!tpu.dma_semaphore, #tpu.memory_space<semaphore_mem>>, %arg19: memref<!tpu.dma_semaphore, #tpu.memory_space<semaphore_mem>>, %arg20: memref<!tpu.dma_semaphore, #tpu.memory_space<semaphore_mem>>, %arg21: memref<!tpu.dma_semaphore, #tpu.memory_space<semaphore_mem>>) attributes {dimension_semantics = [#tpu.dimension_semantics<core_parallel>, #tpu.dimension_semantics<subcore_parallel>], iteration_bounds = array<i64: 2, 16>, scalar_prefetch = 0 : i64, scratch_operands = 14 : i64, tpu.core_type = #tpu.core_type<sc_vector_subcore>, window_params = [{transform_indices = #map}, {transform_indices = #map}, {transform_indices = #map}, {transform_indices = #map}, {transform_indices = #map}, {transform_indices = #map}]} {
    %mul3A = arith.constant 2 : i32
    %mul3A_0 = arith.muli %arg1, %mul3A : i32
    %add3A = arith.addi %mul3A_0, %arg0 : i32
    "tpu.region"() ({
      %run_scoped3A = tpu.sem_alloc : memref<!tpu.dma_semaphore, #tpu.memory_space<semaphore_mem>>
      tpu.enqueue_dma source(%arg2 : memref<60000xf32, #tpu.memory_space<hbm>>) target(%arg8 : memref<60000xf32, #tpu.memory_space<vmem>>) target_semaphore(%run_scoped3A : memref<!tpu.dma_semaphore, #tpu.memory_space<semaphore_mem>>)
      tpu.wait_dma2 semaphore(%run_scoped3A : memref<!tpu.dma_semaphore, #tpu.memory_space<semaphore_mem>>) src(%arg2 : memref<60000xf32, #tpu.memory_space<hbm>>) dst(%arg8 : memref<60000xf32, #tpu.memory_space<vmem>>)
      tpu.yield
    }) : () -> ()
    %scan3A = arith.constant 0 : i32
    %scan3A_1 = arith.constant 0 : i32
    %scan3A_2 = arith.constant 8 : i32
    %scan3A_3 = arith.addi %scan3A_1, %scan3A_2 : i32
    %scan3A_4 = arith.constant 1 : i32
    scf.for %scan3A_72 = %scan3A_1 to %scan3A_3 step %scan3A_4  : i32 {
      %mul3A_73 = arith.constant 32 : i32
      %mul3A_74 = arith.muli %mul3A_73, %scan3A_72 : i32
      %add3A_75 = arith.addi %add3A, %mul3A_74 : i32
      %lt3A = arith.constant 250 : i32
      %lt3A_76 = arith.cmpi slt, %add3A_75, %lt3A : i32
      %convert_element_type3A = arith.extui %lt3A_76 : i1 to i32
      %cond3A = arith.constant 0 : i32
      %cond3A_77 = arith.cmpi ne, %convert_element_type3A, %cond3A : i32
      scf.if %cond3A_77 {
        %mul3A_78 = arith.constant 1280 : i32
        %mul3A_79 = arith.muli %add3A_75, %mul3A_78 : i32
        "tpu.region"() ({
          %run_scoped3A = tpu.sem_alloc : memref<!tpu.dma_semaphore, #tpu.memory_space<semaphore_mem>>
          %dma_start3A_138 = tpu.memref_slice %arg3[%mul3A_79] : memref<320000xi32, #tpu.memory_space<hbm>> -> memref<1280xi32, #tpu.memory_space<hbm>>
          %dma_start3A_139 = tpu.memref_slice %arg3[%mul3A_79] : memref<320000xi32, #tpu.memory_space<hbm>> -> memref<1280xi32, #tpu.memory_space<hbm>>
          tpu.enqueue_dma source(%dma_start3A_139 : memref<1280xi32, #tpu.memory_space<hbm>>) target(%arg9 : memref<1280xi32, #tpu.memory_space<vmem>>) target_semaphore(%run_scoped3A : memref<!tpu.dma_semaphore, #tpu.memory_space<semaphore_mem>>)
          %dma_wait3A_140 = tpu.memref_slice %arg3[%mul3A_79] : memref<320000xi32, #tpu.memory_space<hbm>> -> memref<1280xi32, #tpu.memory_space<hbm>>
          %dma_wait3A_141 = tpu.memref_slice %arg3[%mul3A_79] : memref<320000xi32, #tpu.memory_space<hbm>> -> memref<1280xi32, #tpu.memory_space<hbm>>
          tpu.wait_dma2 semaphore(%run_scoped3A : memref<!tpu.dma_semaphore, #tpu.memory_space<semaphore_mem>>) src(%dma_wait3A_141 : memref<1280xi32, #tpu.memory_space<hbm>>) dst(%arg9 : memref<1280xi32, #tpu.memory_space<vmem>>)
          tpu.yield
        }) : () -> ()
        "tpu.region"() ({
          %run_scoped3A = tpu.sem_alloc : memref<!tpu.dma_semaphore, #tpu.memory_space<semaphore_mem>>
          %dma_start3A_138 = tpu.memref_slice %arg4[%mul3A_79] : memref<320000xi32, #tpu.memory_space<hbm>> -> memref<1280xi32, #tpu.memory_space<hbm>>
          %dma_start3A_139 = tpu.memref_slice %arg4[%mul3A_79] : memref<320000xi32, #tpu.memory_space<hbm>> -> memref<1280xi32, #tpu.memory_space<hbm>>
          tpu.enqueue_dma source(%dma_start3A_139 : memref<1280xi32, #tpu.memory_space<hbm>>) target(%arg10 : memref<1280xi32, #tpu.memory_space<vmem>>) target_semaphore(%run_scoped3A : memref<!tpu.dma_semaphore, #tpu.memory_space<semaphore_mem>>)
          %dma_wait3A_140 = tpu.memref_slice %arg4[%mul3A_79] : memref<320000xi32, #tpu.memory_space<hbm>> -> memref<1280xi32, #tpu.memory_space<hbm>>
          %dma_wait3A_141 = tpu.memref_slice %arg4[%mul3A_79] : memref<320000xi32, #tpu.memory_space<hbm>> -> memref<1280xi32, #tpu.memory_space<hbm>>
          tpu.wait_dma2 semaphore(%run_scoped3A : memref<!tpu.dma_semaphore, #tpu.memory_space<semaphore_mem>>) src(%dma_wait3A_141 : memref<1280xi32, #tpu.memory_space<hbm>>) dst(%arg10 : memref<1280xi32, #tpu.memory_space<vmem>>)
          tpu.yield
        }) : () -> ()
        %gt3A = arith.constant 0 : i32
        %gt3A_80 = arith.cmpi sgt, %scan3A_72, %gt3A : i32
        %convert_element_type3A_81 = arith.extui %gt3A_80 : i1 to i32
        %cond3A_82 = arith.constant 0 : i32
        %cond3A_83 = arith.cmpi ne, %convert_element_type3A_81, %cond3A_82 : i32
        scf.if %cond3A_83 {
          %dma_wait3A_138 = arith.constant 0 : i32
          %dma_wait3A_139 = tpu.memref_slice %arg11[%dma_wait3A_138] : memref<7680xf32, #tpu.memory_space<vmem>> -> memref<1280xf32, #tpu.memory_space<vmem>>
          %dma_wait3A_140 = arith.constant 0 : i32
          %dma_wait3A_141 = tpu.memref_slice %arg6[%dma_wait3A_140] : memref<1920000xf32, #tpu.memory_space<hbm>> -> memref<1280xf32, #tpu.memory_space<hbm>>
          %dma_wait3A_142 = arith.constant 0 : i32
          %dma_wait3A_143 = tpu.memref_slice %arg6[%dma_wait3A_142] : memref<1920000xf32, #tpu.memory_space<hbm>> -> memref<1280xf32, #tpu.memory_space<hbm>>
          %dma_wait3A_144 = arith.constant 0 : i32
          %dma_wait3A_145 = tpu.memref_slice %arg11[%dma_wait3A_144] : memref<7680xf32, #tpu.memory_space<vmem>> -> memref<1280xf32, #tpu.memory_space<vmem>>
          tpu.wait_dma2 semaphore(%arg17 : memref<!tpu.dma_semaphore, #tpu.memory_space<semaphore_mem>>) src(%dma_wait3A_145 : memref<1280xf32, #tpu.memory_space<vmem>>) dst(%dma_wait3A_143 : memref<1280xf32, #tpu.memory_space<hbm>>)
          %dma_wait3A_146 = arith.constant 1280 : i32
          %dma_wait3A_147 = tpu.memref_slice %arg11[%dma_wait3A_146] : memref<7680xf32, #tpu.memory_space<vmem>> -> memref<1280xf32, #tpu.memory_space<vmem>>
          %dma_wait3A_148 = arith.constant 320000 : i32
          %dma_wait3A_149 = tpu.memref_slice %arg6[%dma_wait3A_148] : memref<1920000xf32, #tpu.memory_space<hbm>> -> memref<1280xf32, #tpu.memory_space<hbm>>
          %dma_wait3A_150 = arith.constant 320000 : i32
          %dma_wait3A_151 = tpu.memref_slice %arg6[%dma_wait3A_150] : memref<1920000xf32, #tpu.memory_space<hbm>> -> memref<1280xf32, #tpu.memory_space<hbm>>
          %dma_wait3A_152 = arith.constant 1280 : i32
          %dma_wait3A_153 = tpu.memref_slice %arg11[%dma_wait3A_152] : memref<7680xf32, #tpu.memory_space<vmem>> -> memref<1280xf32, #tpu.memory_space<vmem>>
          tpu.wait_dma2 semaphore(%arg17 : memref<!tpu.dma_semaphore, #tpu.memory_space<semaphore_mem>>) src(%dma_wait3A_153 : memref<1280xf32, #tpu.memory_space<vmem>>) dst(%dma_wait3A_151 : memref<1280xf32, #tpu.memory_space<hbm>>)
          %dma_wait3A_154 = arith.constant 2560 : i32
          %dma_wait3A_155 = tpu.memref_slice %arg11[%dma_wait3A_154] : memref<7680xf32, #tpu.memory_space<vmem>> -> memref<1280xf32, #tpu.memory_space<vmem>>
          %dma_wait3A_156 = arith.constant 640000 : i32
          %dma_wait3A_157 = tpu.memref_slice %arg6[%dma_wait3A_156] : memref<1920000xf32, #tpu.memory_space<hbm>> -> memref<1280xf32, #tpu.memory_space<hbm>>
          %dma_wait3A_158 = arith.constant 640000 : i32
          %dma_wait3A_159 = tpu.memref_slice %arg6[%dma_wait3A_158] : memref<1920000xf32, #tpu.memory_space<hbm>> -> memref<1280xf32, #tpu.memory_space<hbm>>
          %dma_wait3A_160 = arith.constant 2560 : i32
          %dma_wait3A_161 = tpu.memref_slice %arg11[%dma_wait3A_160] : memref<7680xf32, #tpu.memory_space<vmem>> -> memref<1280xf32, #tpu.memory_space<vmem>>
          tpu.wait_dma2 semaphore(%arg17 : memref<!tpu.dma_semaphore, #tpu.memory_space<semaphore_mem>>) src(%dma_wait3A_161 : memref<1280xf32, #tpu.memory_space<vmem>>) dst(%dma_wait3A_159 : memref<1280xf32, #tpu.memory_space<hbm>>)
          %dma_wait3A_162 = arith.constant 3840 : i32
          %dma_wait3A_163 = tpu.memref_slice %arg11[%dma_wait3A_162] : memref<7680xf32, #tpu.memory_space<vmem>> -> memref<1280xf32, #tpu.memory_space<vmem>>
          %dma_wait3A_164 = arith.constant 960000 : i32
          %dma_wait3A_165 = tpu.memref_slice %arg6[%dma_wait3A_164] : memref<1920000xf32, #tpu.memory_space<hbm>> -> memref<1280xf32, #tpu.memory_space<hbm>>
          %dma_wait3A_166 = arith.constant 960000 : i32
          %dma_wait3A_167 = tpu.memref_slice %arg6[%dma_wait3A_166] : memref<1920000xf32, #tpu.memory_space<hbm>> -> memref<1280xf32, #tpu.memory_space<hbm>>
          %dma_wait3A_168 = arith.constant 3840 : i32
          %dma_wait3A_169 = tpu.memref_slice %arg11[%dma_wait3A_168] : memref<7680xf32, #tpu.memory_space<vmem>> -> memref<1280xf32, #tpu.memory_space<vmem>>
          tpu.wait_dma2 semaphore(%arg17 : memref<!tpu.dma_semaphore, #tpu.memory_space<semaphore_mem>>) src(%dma_wait3A_169 : memref<1280xf32, #tpu.memory_space<vmem>>) dst(%dma_wait3A_167 : memref<1280xf32, #tpu.memory_space<hbm>>)
          %dma_wait3A_170 = arith.constant 5120 : i32
          %dma_wait3A_171 = tpu.memref_slice %arg11[%dma_wait3A_170] : memref<7680xf32, #tpu.memory_space<vmem>> -> memref<1280xf32, #tpu.memory_space<vmem>>
          %dma_wait3A_172 = arith.constant 1280000 : i32
          %dma_wait3A_173 = tpu.memref_slice %arg6[%dma_wait3A_172] : memref<1920000xf32, #tpu.memory_space<hbm>> -> memref<1280xf32, #tpu.memory_space<hbm>>
          %dma_wait3A_174 = arith.constant 1280000 : i32
          %dma_wait3A_175 = tpu.memref_slice %arg6[%dma_wait3A_174] : memref<1920000xf32, #tpu.memory_space<hbm>> -> memref<1280xf32, #tpu.memory_space<hbm>>
          %dma_wait3A_176 = arith.constant 5120 : i32
          %dma_wait3A_177 = tpu.memref_slice %arg11[%dma_wait3A_176] : memref<7680xf32, #tpu.memory_space<vmem>> -> memref<1280xf32, #tpu.memory_space<vmem>>
          tpu.wait_dma2 semaphore(%arg17 : memref<!tpu.dma_semaphore, #tpu.memory_space<semaphore_mem>>) src(%dma_wait3A_177 : memref<1280xf32, #tpu.memory_space<vmem>>) dst(%dma_wait3A_175 : memref<1280xf32, #tpu.memory_space<hbm>>)
          %dma_wait3A_178 = arith.constant 6400 : i32
          %dma_wait3A_179 = tpu.memref_slice %arg11[%dma_wait3A_178] : memref<7680xf32, #tpu.memory_space<vmem>> -> memref<1280xf32, #tpu.memory_space<vmem>>
          %dma_wait3A_180 = arith.constant 1600000 : i32
          %dma_wait3A_181 = tpu.memref_slice %arg6[%dma_wait3A_180] : memref<1920000xf32, #tpu.memory_space<hbm>> -> memref<1280xf32, #tpu.memory_space<hbm>>
          %dma_wait3A_182 = arith.constant 1600000 : i32
          %dma_wait3A_183 = tpu.memref_slice %arg6[%dma_wait3A_182] : memref<1920000xf32, #tpu.memory_space<hbm>> -> memref<1280xf32, #tpu.memory_space<hbm>>
          %dma_wait3A_184 = arith.constant 6400 : i32
          %dma_wait3A_185 = tpu.memref_slice %arg11[%dma_wait3A_184] : memref<7680xf32, #tpu.memory_space<vmem>> -> memref<1280xf32, #tpu.memory_space<vmem>>
          tpu.wait_dma2 semaphore(%arg17 : memref<!tpu.dma_semaphore, #tpu.memory_space<semaphore_mem>>) src(%dma_wait3A_185 : memref<1280xf32, #tpu.memory_space<vmem>>) dst(%dma_wait3A_183 : memref<1280xf32, #tpu.memory_space<hbm>>)
        } else {
        }
        %scan3A_84 = arith.constant 0 : i32
        %scan3A_85 = arith.constant 0 : i32
        %scan3A_86 = arith.constant 80 : i32
        %scan3A_87 = arith.addi %scan3A_85, %scan3A_86 : i32
        %scan3A_88 = arith.constant 1 : i32
        scf.for %scan3A_138 = %scan3A_85 to %scan3A_87 step %scan3A_88  : i32 {
          %mul3A_139 = arith.constant 16 : i32
          %mul3A_140 = arith.muli %scan3A_138, %mul3A_139 : i32
          %get3A = arith.index_cast %mul3A_140 : i32 to index
          %get3A_141 = tpu.vector_load %arg9[%get3A] {strides = array<i32>} : memref<1280xi32, #tpu.memory_space<vmem>>, vector<16xi32>,
          %mul3A_142 = arith.constant 16 : i32
          %mul3A_143 = arith.muli %scan3A_138, %mul3A_142 : i32
          %get3A_144 = arith.index_cast %mul3A_143 : i32 to index
          %get3A_145 = tpu.vector_load %arg10[%get3A_144] {strides = array<i32>} : memref<1280xi32, #tpu.memory_space<vmem>>, vector<16xi32>,
          %gather3A = tpu.vector_load_idx %arg8[%get3A_141] : memref<60000xf32, #tpu.memory_space<vmem>>[vector<16xi32>], vector<16xf32>,
          %add3A_146 = arith.constant 10000 : i32
          %add3A_147 = vector.broadcast %add3A_146 : i32 to vector<16xi32>
          %add3A_148 = arith.addi %get3A_141, %add3A_147 : vector<16xi32>
          %gather3A_149 = tpu.vector_load_idx %arg8[%add3A_148] : memref<60000xf32, #tpu.memory_space<vmem>>[vector<16xi32>], vector<16xf32>,
          %add3A_150 = arith.constant 20000 : i32
          %add3A_151 = vector.broadcast %add3A_150 : i32 to vector<16xi32>
          %add3A_152 = arith.addi %get3A_141, %add3A_151 : vector<16xi32>
          %gather3A_153 = tpu.vector_load_idx %arg8[%add3A_152] : memref<60000xf32, #tpu.memory_space<vmem>>[vector<16xi32>], vector<16xf32>,
          %add3A_154 = arith.constant 30000 : i32
          %add3A_155 = vector.broadcast %add3A_154 : i32 to vector<16xi32>
          %add3A_156 = arith.addi %get3A_141, %add3A_155 : vector<16xi32>
          %gather3A_157 = tpu.vector_load_idx %arg8[%add3A_156] : memref<60000xf32, #tpu.memory_space<vmem>>[vector<16xi32>], vector<16xf32>,
          %add3A_158 = arith.constant 40000 : i32
          %add3A_159 = vector.broadcast %add3A_158 : i32 to vector<16xi32>
          %add3A_160 = arith.addi %get3A_141, %add3A_159 : vector<16xi32>
          %gather3A_161 = tpu.vector_load_idx %arg8[%add3A_160] : memref<60000xf32, #tpu.memory_space<vmem>>[vector<16xi32>], vector<16xf32>,
          %add3A_162 = arith.constant 50000 : i32
          %add3A_163 = vector.broadcast %add3A_162 : i32 to vector<16xi32>
          %add3A_164 = arith.addi %get3A_141, %add3A_163 : vector<16xi32>
          %gather3A_165 = tpu.vector_load_idx %arg8[%add3A_164] : memref<60000xf32, #tpu.memory_space<vmem>>[vector<16xi32>], vector<16xf32>,
          %gather3A_166 = tpu.vector_load_idx %arg8[%get3A_145] : memref<60000xf32, #tpu.memory_space<vmem>>[vector<16xi32>], vector<16xf32>,
          %add3A_167 = arith.constant 10000 : i32
          %add3A_168 = vector.broadcast %add3A_167 : i32 to vector<16xi32>
          %add3A_169 = arith.addi %get3A_145, %add3A_168 : vector<16xi32>
          %gather3A_170 = tpu.vector_load_idx %arg8[%add3A_169] : memref<60000xf32, #tpu.memory_space<vmem>>[vector<16xi32>], vector<16xf32>,
          %add3A_171 = arith.constant 20000 : i32
          %add3A_172 = vector.broadcast %add3A_171 : i32 to vector<16xi32>
          %add3A_173 = arith.addi %get3A_145, %add3A_172 : vector<16xi32>
          %gather3A_174 = tpu.vector_load_idx %arg8[%add3A_173] : memref<60000xf32, #tpu.memory_space<vmem>>[vector<16xi32>], vector<16xf32>,
          %add3A_175 = arith.constant 30000 : i32
          %add3A_176 = vector.broadcast %add3A_175 : i32 to vector<16xi32>
          %add3A_177 = arith.addi %get3A_145, %add3A_176 : vector<16xi32>
          %gather3A_178 = tpu.vector_load_idx %arg8[%add3A_177] : memref<60000xf32, #tpu.memory_space<vmem>>[vector<16xi32>], vector<16xf32>,
          %add3A_179 = arith.constant 40000 : i32
          %add3A_180 = vector.broadcast %add3A_179 : i32 to vector<16xi32>
          %add3A_181 = arith.addi %get3A_145, %add3A_180 : vector<16xi32>
          %gather3A_182 = tpu.vector_load_idx %arg8[%add3A_181] : memref<60000xf32, #tpu.memory_space<vmem>>[vector<16xi32>], vector<16xf32>,
          %add3A_183 = arith.constant 50000 : i32
          %add3A_184 = vector.broadcast %add3A_183 : i32 to vector<16xi32>
          %add3A_185 = arith.addi %get3A_145, %add3A_184 : vector<16xi32>
          %gather3A_186 = tpu.vector_load_idx %arg8[%add3A_185] : memref<60000xf32, #tpu.memory_space<vmem>>[vector<16xi32>], vector<16xf32>,
          %sub3A = arith.subf %gather3A, %gather3A_166 : vector<16xf32>
          %sub3A_187 = arith.subf %gather3A_149, %gather3A_170 : vector<16xf32>
          %sub3A_188 = arith.subf %gather3A_153, %gather3A_174 : vector<16xf32>
          %mul3A_189 = arith.mulf %sub3A, %sub3A : vector<16xf32>
          %mul3A_190 = arith.mulf %sub3A_187, %sub3A_187 : vector<16xf32>
          %add3A_191 = arith.addf %mul3A_189, %mul3A_190 : vector<16xf32>
          %mul3A_192 = arith.mulf %sub3A_188, %sub3A_188 : vector<16xf32>
          %add3A_193 = arith.addf %add3A_191, %mul3A_192 : vector<16xf32>
          %mul3A_194 = arith.mulf %gather3A_178, %sub3A : vector<16xf32>
          %mul3A_195 = arith.mulf %gather3A_182, %sub3A_187 : vector<16xf32>
          %add3A_196 = arith.addf %mul3A_194, %mul3A_195 : vector<16xf32>
          %mul3A_197 = arith.mulf %gather3A_186, %sub3A_188 : vector<16xf32>
          %add3A_198 = arith.addf %add3A_196, %mul3A_197 : vector<16xf32>
          %mul3A_199 = arith.mulf %gather3A_157, %sub3A : vector<16xf32>
          %mul3A_200 = arith.mulf %gather3A_161, %sub3A_187 : vector<16xf32>
          %add3A_201 = arith.addf %mul3A_199, %mul3A_200 : vector<16xf32>
          %mul3A_202 = arith.mulf %gather3A_165, %sub3A_188 : vector<16xf32>
          %add3A_203 = arith.addf %add3A_201, %mul3A_202 : vector<16xf32>
          %mul3A_204 = arith.mulf %gather3A_178, %gather3A_157 : vector<16xf32>
          %mul3A_205 = arith.mulf %gather3A_182, %gather3A_161 : vector<16xf32>
          %add3A_206 = arith.addf %mul3A_204, %mul3A_205 : vector<16xf32>
          %mul3A_207 = arith.mulf %gather3A_186, %gather3A_165 : vector<16xf32>
          %add3A_208 = arith.addf %add3A_206, %mul3A_207 : vector<16xf32>
          %mul3A_209 = arith.mulf %gather3A_178, %gather3A_178 : vector<16xf32>
          %mul3A_210 = arith.mulf %gather3A_182, %gather3A_182 : vector<16xf32>
          %add3A_211 = arith.addf %mul3A_209, %mul3A_210 : vector<16xf32>
          %mul3A_212 = arith.mulf %gather3A_186, %gather3A_186 : vector<16xf32>
          %add3A_213 = arith.addf %add3A_211, %mul3A_212 : vector<16xf32>
          %mul3A_214 = arith.mulf %gather3A_157, %gather3A_157 : vector<16xf32>
          %mul3A_215 = arith.mulf %gather3A_161, %gather3A_161 : vector<16xf32>
          %add3A_216 = arith.addf %mul3A_214, %mul3A_215 : vector<16xf32>
          %mul3A_217 = arith.mulf %gather3A_165, %gather3A_165 : vector<16xf32>
          %add3A_218 = arith.addf %add3A_216, %mul3A_217 : vector<16xf32>
          %mul3A_219 = arith.constant 16 : i32
          %mul3A_220 = arith.muli %scan3A_138, %mul3A_219 : i32
          %add3A_221 = arith.constant 0 : i32
          %add3A_222 = arith.addi %add3A_221, %mul3A_220 : i32
          %swap3A = arith.index_cast %add3A_222 : i32 to index
          %swap3A_223 = tpu.vector_load %arg11[%swap3A] {strides = array<i32>} : memref<7680xf32, #tpu.memory_space<vmem>>, vector<16xf32>,
          tpu.vector_store %arg11[%swap3A], %add3A_193 {strides = array<i32>} : memref<7680xf32, #tpu.memory_space<vmem>>, vector<16xf32>,
          %mul3A_224 = arith.constant 16 : i32
          %mul3A_225 = arith.muli %scan3A_138, %mul3A_224 : i32
          %add3A_226 = arith.constant 1280 : i32
          %add3A_227 = arith.addi %add3A_226, %mul3A_225 : i32
          %swap3A_228 = arith.index_cast %add3A_227 : i32 to index
          %swap3A_229 = tpu.vector_load %arg11[%swap3A_228] {strides = array<i32>} : memref<7680xf32, #tpu.memory_space<vmem>>, vector<16xf32>,
          tpu.vector_store %arg11[%swap3A_228], %add3A_198 {strides = array<i32>} : memref<7680xf32, #tpu.memory_space<vmem>>, vector<16xf32>,
          %mul3A_230 = arith.constant 16 : i32
          %mul3A_231 = arith.muli %scan3A_138, %mul3A_230 : i32
          %add3A_232 = arith.constant 2560 : i32
          %add3A_233 = arith.addi %add3A_232, %mul3A_231 : i32
          %swap3A_234 = arith.index_cast %add3A_233 : i32 to index
          %swap3A_235 = tpu.vector_load %arg11[%swap3A_234] {strides = array<i32>} : memref<7680xf32, #tpu.memory_space<vmem>>, vector<16xf32>,
          tpu.vector_store %arg11[%swap3A_234], %add3A_203 {strides = array<i32>} : memref<7680xf32, #tpu.memory_space<vmem>>, vector<16xf32>,
          %mul3A_236 = arith.constant 16 : i32
          %mul3A_237 = arith.muli %scan3A_138, %mul3A_236 : i32
          %add3A_238 = arith.constant 3840 : i32
          %add3A_239 = arith.addi %add3A_238, %mul3A_237 : i32
          %swap3A_240 = arith.index_cast %add3A_239 : i32 to index
          %swap3A_241 = tpu.vector_load %arg11[%swap3A_240] {strides = array<i32>} : memref<7680xf32, #tpu.memory_space<vmem>>, vector<16xf32>,
          tpu.vector_store %arg11[%swap3A_240], %add3A_208 {strides = array<i32>} : memref<7680xf32, #tpu.memory_space<vmem>>, vector<16xf32>,
          %mul3A_242 = arith.constant 16 : i32
          %mul3A_243 = arith.muli %scan3A_138, %mul3A_242 : i32
          %add3A_244 = arith.constant 5120 : i32
          %add3A_245 = arith.addi %add3A_244, %mul3A_243 : i32
          %swap3A_246 = arith.index_cast %add3A_245 : i32 to index
          %swap3A_247 = tpu.vector_load %arg11[%swap3A_246] {strides = array<i32>} : memref<7680xf32, #tpu.memory_space<vmem>>, vector<16xf32>,
          tpu.vector_store %arg11[%swap3A_246], %add3A_213 {strides = array<i32>} : memref<7680xf32, #tpu.memory_space<vmem>>, vector<16xf32>,
          %mul3A_248 = arith.constant 16 : i32
          %mul3A_249 = arith.muli %scan3A_138, %mul3A_248 : i32
          %add3A_250 = arith.constant 6400 : i32
          %add3A_251 = arith.addi %add3A_250, %mul3A_249 : i32
          %swap3A_252 = arith.index_cast %add3A_251 : i32 to index
          %swap3A_253 = tpu.vector_load %arg11[%swap3A_252] {strides = array<i32>} : memref<7680xf32, #tpu.memory_space<vmem>>, vector<16xf32>,
          tpu.vector_store %arg11[%swap3A_252], %add3A_218 {strides = array<i32>} : memref<7680xf32, #tpu.memory_space<vmem>>, vector<16xf32>,
        }
        %scan3A_89 = arith.constant 80 : i32
        %add3A_90 = arith.constant 0 : i32
        %add3A_91 = arith.addi %add3A_90, %mul3A_79 : i32
        %dma_start3A_92 = arith.constant 0 : i32
        %dma_start3A_93 = tpu.memref_slice %arg11[%dma_start3A_92] : memref<7680xf32, #tpu.memory_space<vmem>> -> memref<1280xf32, #tpu.memory_space<vmem>>
        %dma_start3A_94 = tpu.memref_slice %arg6[%add3A_91] : memref<1920000xf32, #tpu.memory_space<hbm>> -> memref<1280xf32, #tpu.memory_space<hbm>>
        %dma_start3A_95 = tpu.memref_slice %arg6[%add3A_91] : memref<1920000xf32, #tpu.memory_space<hbm>> -> memref<1280xf32, #tpu.memory_space<hbm>>
        %dma_start3A_96 = arith.constant 0 : i32
        %dma_start3A_97 = tpu.memref_slice %arg11[%dma_start3A_96] : memref<7680xf32, #tpu.memory_space<vmem>> -> memref<1280xf32, #tpu.memory_space<vmem>>
        tpu.enqueue_dma source(%dma_start3A_97 : memref<1280xf32, #tpu.memory_space<vmem>>) target(%dma_start3A_95 : memref<1280xf32, #tpu.memory_space<hbm>>) target_semaphore(%arg17 : memref<!tpu.dma_semaphore, #tpu.memory_space<semaphore_mem>>)
        %add3A_98 = arith.constant 320000 : i32
        %add3A_99 = arith.addi %add3A_98, %mul3A_79 : i32
        %dma_start3A_100 = arith.constant 1280 : i32
        %dma_start3A_101 = tpu.memref_slice %arg11[%dma_start3A_100] : memref<7680xf32, #tpu.memory_space<vmem>> -> memref<1280xf32, #tpu.memory_space<vmem>>
        %dma_start3A_102 = tpu.memref_slice %arg6[%add3A_99] : memref<1920000xf32, #tpu.memory_space<hbm>> -> memref<1280xf32, #tpu.memory_space<hbm>>
        %dma_start3A_103 = tpu.memref_slice %arg6[%add3A_99] : memref<1920000xf32, #tpu.memory_space<hbm>> -> memref<1280xf32, #tpu.memory_space<hbm>>
        %dma_start3A_104 = arith.constant 1280 : i32
        %dma_start3A_105 = tpu.memref_slice %arg11[%dma_start3A_104] : memref<7680xf32, #tpu.memory_space<vmem>> -> memref<1280xf32, #tpu.memory_space<vmem>>
        tpu.enqueue_dma source(%dma_start3A_105 : memref<1280xf32, #tpu.memory_space<vmem>>) target(%dma_start3A_103 : memref<1280xf32, #tpu.memory_space<hbm>>) target_semaphore(%arg17 : memref<!tpu.dma_semaphore, #tpu.memory_space<semaphore_mem>>)
        %add3A_106 = arith.constant 640000 : i32
        %add3A_107 = arith.addi %add3A_106, %mul3A_79 : i32
        %dma_start3A_108 = arith.constant 2560 : i32
        %dma_start3A_109 = tpu.memref_slice %arg11[%dma_start3A_108] : memref<7680xf32, #tpu.memory_space<vmem>> -> memref<1280xf32, #tpu.memory_space<vmem>>
        %dma_start3A_110 = tpu.memref_slice %arg6[%add3A_107] : memref<1920000xf32, #tpu.memory_space<hbm>> -> memref<1280xf32, #tpu.memory_space<hbm>>
        %dma_start3A_111 = tpu.memref_slice %arg6[%add3A_107] : memref<1920000xf32, #tpu.memory_space<hbm>> -> memref<1280xf32, #tpu.memory_space<hbm>>
        %dma_start3A_112 = arith.constant 2560 : i32
        %dma_start3A_113 = tpu.memref_slice %arg11[%dma_start3A_112] : memref<7680xf32, #tpu.memory_space<vmem>> -> memref<1280xf32, #tpu.memory_space<vmem>>
        tpu.enqueue_dma source(%dma_start3A_113 : memref<1280xf32, #tpu.memory_space<vmem>>) target(%dma_start3A_111 : memref<1280xf32, #tpu.memory_space<hbm>>) target_semaphore(%arg17 : memref<!tpu.dma_semaphore, #tpu.memory_space<semaphore_mem>>)
        %add3A_114 = arith.constant 960000 : i32
        %add3A_115 = arith.addi %add3A_114, %mul3A_79 : i32
        %dma_start3A_116 = arith.constant 3840 : i32
        %dma_start3A_117 = tpu.memref_slice %arg11[%dma_start3A_116] : memref<7680xf32, #tpu.memory_space<vmem>> -> memref<1280xf32, #tpu.memory_space<vmem>>
        %dma_start3A_118 = tpu.memref_slice %arg6[%add3A_115] : memref<1920000xf32, #tpu.memory_space<hbm>> -> memref<1280xf32, #tpu.memory_space<hbm>>
        %dma_start3A_119 = tpu.memref_slice %arg6[%add3A_115] : memref<1920000xf32, #tpu.memory_space<hbm>> -> memref<1280xf32, #tpu.memory_space<hbm>>
        %dma_start3A_120 = arith.constant 3840 : i32
        %dma_start3A_121 = tpu.memref_slice %arg11[%dma_start3A_120] : memref<7680xf32, #tpu.memory_space<vmem>> -> memref<1280xf32, #tpu.memory_space<vmem>>
        tpu.enqueue_dma source(%dma_start3A_121 : memref<1280xf32, #tpu.memory_space<vmem>>) target(%dma_start3A_119 : memref<1280xf32, #tpu.memory_space<hbm>>) target_semaphore(%arg17 : memref<!tpu.dma_semaphore, #tpu.memory_space<semaphore_mem>>)
        %add3A_122 = arith.constant 1280000 : i32
        %add3A_123 = arith.addi %add3A_122, %mul3A_79 : i32
        %dma_start3A_124 = arith.constant 5120 : i32
        %dma_start3A_125 = tpu.memref_slice %arg11[%dma_start3A_124] : memref<7680xf32, #tpu.memory_space<vmem>> -> memref<1280xf32, #tpu.memory_space<vmem>>
        %dma_start3A_126 = tpu.memref_slice %arg6[%add3A_123] : memref<1920000xf32, #tpu.memory_space<hbm>> -> memref<1280xf32, #tpu.memory_space<hbm>>
        %dma_start3A_127 = tpu.memref_slice %arg6[%add3A_123] : memref<1920000xf32, #tpu.memory_space<hbm>> -> memref<1280xf32, #tpu.memory_space<hbm>>
        %dma_start3A_128 = arith.constant 5120 : i32
        %dma_start3A_129 = tpu.memref_slice %arg11[%dma_start3A_128] : memref<7680xf32, #tpu.memory_space<vmem>> -> memref<1280xf32, #tpu.memory_space<vmem>>
        tpu.enqueue_dma source(%dma_start3A_129 : memref<1280xf32, #tpu.memory_space<vmem>>) target(%dma_start3A_127 : memref<1280xf32, #tpu.memory_space<hbm>>) target_semaphore(%arg17 : memref<!tpu.dma_semaphore, #tpu.memory_space<semaphore_mem>>)
        %add3A_130 = arith.constant 1600000 : i32
        %add3A_131 = arith.addi %add3A_130, %mul3A_79 : i32
        %dma_start3A_132 = arith.constant 6400 : i32
        %dma_start3A_133 = tpu.memref_slice %arg11[%dma_start3A_132] : memref<7680xf32, #tpu.memory_space<vmem>> -> memref<1280xf32, #tpu.memory_space<vmem>>
        %dma_start3A_134 = tpu.memref_slice %arg6[%add3A_131] : memref<1920000xf32, #tpu.memory_space<hbm>> -> memref<1280xf32, #tpu.memory_space<hbm>>
        %dma_start3A_135 = tpu.memref_slice %arg6[%add3A_131] : memref<1920000xf32, #tpu.memory_space<hbm>> -> memref<1280xf32, #tpu.memory_space<hbm>>
        %dma_start3A_136 = arith.constant 6400 : i32
        %dma_start3A_137 = tpu.memref_slice %arg11[%dma_start3A_136] : memref<7680xf32, #tpu.memory_space<vmem>> -> memref<1280xf32, #tpu.memory_space<vmem>>
        tpu.enqueue_dma source(%dma_start3A_137 : memref<1280xf32, #tpu.memory_space<vmem>>) target(%dma_start3A_135 : memref<1280xf32, #tpu.memory_space<hbm>>) target_semaphore(%arg17 : memref<!tpu.dma_semaphore, #tpu.memory_space<semaphore_mem>>)
      } else {
      }
    }
    %scan3A_5 = arith.constant 8 : i32
    %dma_wait3A = arith.constant 0 : i32
    %dma_wait3A_6 = tpu.memref_slice %arg11[%dma_wait3A] : memref<7680xf32, #tpu.memory_space<vmem>> -> memref<1280xf32, #tpu.memory_space<vmem>>
    %dma_wait3A_7 = arith.constant 0 : i32
    %dma_wait3A_8 = tpu.memref_slice %arg6[%dma_wait3A_7] : memref<1920000xf32, #tpu.memory_space<hbm>> -> memref<1280xf32, #tpu.memory_space<hbm>>
    %dma_wait3A_9 = arith.constant 0 : i32
    %dma_wait3A_10 = tpu.memref_slice %arg6[%dma_wait3A_9] : memref<1920000xf32, #tpu.memory_space<hbm>> -> memref<1280xf32, #tpu.memory_space<hbm>>
    %dma_wait3A_11 = arith.constant 0 : i32
    %dma_wait3A_12 = tpu.memref_slice %arg11[%dma_wait3A_11] : memref<7680xf32, #tpu.memory_space<vmem>> -> memref<1280xf32, #tpu.memory_space<vmem>>
    tpu.wait_dma2 semaphore(%arg17 : memref<!tpu.dma_semaphore, #tpu.memory_space<semaphore_mem>>) src(%dma_wait3A_12 : memref<1280xf32, #tpu.memory_space<vmem>>) dst(%dma_wait3A_10 : memref<1280xf32, #tpu.memory_space<hbm>>)
    %dma_wait3A_13 = arith.constant 1280 : i32
    %dma_wait3A_14 = tpu.memref_slice %arg11[%dma_wait3A_13] : memref<7680xf32, #tpu.memory_space<vmem>> -> memref<1280xf32, #tpu.memory_space<vmem>>
    %dma_wait3A_15 = arith.constant 320000 : i32
    %dma_wait3A_16 = tpu.memref_slice %arg6[%dma_wait3A_15] : memref<1920000xf32, #tpu.memory_space<hbm>> -> memref<1280xf32, #tpu.memory_space<hbm>>
    %dma_wait3A_17 = arith.constant 320000 : i32
    %dma_wait3A_18 = tpu.memref_slice %arg6[%dma_wait3A_17] : memref<1920000xf32, #tpu.memory_space<hbm>> -> memref<1280xf32, #tpu.memory_space<hbm>>
    %dma_wait3A_19 = arith.constant 1280 : i32
    %dma_wait3A_20 = tpu.memref_slice %arg11[%dma_wait3A_19] : memref<7680xf32, #tpu.memory_space<vmem>> -> memref<1280xf32, #tpu.memory_space<vmem>>
    tpu.wait_dma2 semaphore(%arg17 : memref<!tpu.dma_semaphore, #tpu.memory_space<semaphore_mem>>) src(%dma_wait3A_20 : memref<1280xf32, #tpu.memory_space<vmem>>) dst(%dma_wait3A_18 : memref<1280xf32, #tpu.memory_space<hbm>>)
    %dma_wait3A_21 = arith.constant 2560 : i32
    %dma_wait3A_22 = tpu.memref_slice %arg11[%dma_wait3A_21] : memref<7680xf32, #tpu.memory_space<vmem>> -> memref<1280xf32, #tpu.memory_space<vmem>>
    %dma_wait3A_23 = arith.constant 640000 : i32
    %dma_wait3A_24 = tpu.memref_slice %arg6[%dma_wait3A_23] : memref<1920000xf32, #tpu.memory_space<hbm>> -> memref<1280xf32, #tpu.memory_space<hbm>>
    %dma_wait3A_25 = arith.constant 640000 : i32
    %dma_wait3A_26 = tpu.memref_slice %arg6[%dma_wait3A_25] : memref<1920000xf32, #tpu.memory_space<hbm>> -> memref<1280xf32, #tpu.memory_space<hbm>>
    %dma_wait3A_27 = arith.constant 2560 : i32
    %dma_wait3A_28 = tpu.memref_slice %arg11[%dma_wait3A_27] : memref<7680xf32, #tpu.memory_space<vmem>> -> memref<1280xf32, #tpu.memory_space<vmem>>
    tpu.wait_dma2 semaphore(%arg17 : memref<!tpu.dma_semaphore, #tpu.memory_space<semaphore_mem>>) src(%dma_wait3A_28 : memref<1280xf32, #tpu.memory_space<vmem>>) dst(%dma_wait3A_26 : memref<1280xf32, #tpu.memory_space<hbm>>)
    %dma_wait3A_29 = arith.constant 3840 : i32
    %dma_wait3A_30 = tpu.memref_slice %arg11[%dma_wait3A_29] : memref<7680xf32, #tpu.memory_space<vmem>> -> memref<1280xf32, #tpu.memory_space<vmem>>
    %dma_wait3A_31 = arith.constant 960000 : i32
    %dma_wait3A_32 = tpu.memref_slice %arg6[%dma_wait3A_31] : memref<1920000xf32, #tpu.memory_space<hbm>> -> memref<1280xf32, #tpu.memory_space<hbm>>
    %dma_wait3A_33 = arith.constant 960000 : i32
    %dma_wait3A_34 = tpu.memref_slice %arg6[%dma_wait3A_33] : memref<1920000xf32, #tpu.memory_space<hbm>> -> memref<1280xf32, #tpu.memory_space<hbm>>
    %dma_wait3A_35 = arith.constant 3840 : i32
    %dma_wait3A_36 = tpu.memref_slice %arg11[%dma_wait3A_35] : memref<7680xf32, #tpu.memory_space<vmem>> -> memref<1280xf32, #tpu.memory_space<vmem>>
    tpu.wait_dma2 semaphore(%arg17 : memref<!tpu.dma_semaphore, #tpu.memory_space<semaphore_mem>>) src(%dma_wait3A_36 : memref<1280xf32, #tpu.memory_space<vmem>>) dst(%dma_wait3A_34 : memref<1280xf32, #tpu.memory_space<hbm>>)
    %dma_wait3A_37 = arith.constant 5120 : i32
    %dma_wait3A_38 = tpu.memref_slice %arg11[%dma_wait3A_37] : memref<7680xf32, #tpu.memory_space<vmem>> -> memref<1280xf32, #tpu.memory_space<vmem>>
    %dma_wait3A_39 = arith.constant 1280000 : i32
    %dma_wait3A_40 = tpu.memref_slice %arg6[%dma_wait3A_39] : memref<1920000xf32, #tpu.memory_space<hbm>> -> memref<1280xf32, #tpu.memory_space<hbm>>
    %dma_wait3A_41 = arith.constant 1280000 : i32
    %dma_wait3A_42 = tpu.memref_slice %arg6[%dma_wait3A_41] : memref<1920000xf32, #tpu.memory_space<hbm>> -> memref<1280xf32, #tpu.memory_space<hbm>>
    %dma_wait3A_43 = arith.constant 5120 : i32
    %dma_wait3A_44 = tpu.memref_slice %arg11[%dma_wait3A_43] : memref<7680xf32, #tpu.memory_space<vmem>> -> memref<1280xf32, #tpu.memory_space<vmem>>
    tpu.wait_dma2 semaphore(%arg17 : memref<!tpu.dma_semaphore, #tpu.memory_space<semaphore_mem>>) src(%dma_wait3A_44 : memref<1280xf32, #tpu.memory_space<vmem>>) dst(%dma_wait3A_42 : memref<1280xf32, #tpu.memory_space<hbm>>)
    %dma_wait3A_45 = arith.constant 6400 : i32
    %dma_wait3A_46 = tpu.memref_slice %arg11[%dma_wait3A_45] : memref<7680xf32, #tpu.memory_space<vmem>> -> memref<1280xf32, #tpu.memory_space<vmem>>
    %dma_wait3A_47 = arith.constant 1600000 : i32
    %dma_wait3A_48 = tpu.memref_slice %arg6[%dma_wait3A_47] : memref<1920000xf32, #tpu.memory_space<hbm>> -> memref<1280xf32, #tpu.memory_space<hbm>>
    %dma_wait3A_49 = arith.constant 1600000 : i32
    %dma_wait3A_50 = tpu.memref_slice %arg6[%dma_wait3A_49] : memref<1920000xf32, #tpu.memory_space<hbm>> -> memref<1280xf32, #tpu.memory_space<hbm>>
    %dma_wait3A_51 = arith.constant 6400 : i32
    %dma_wait3A_52 = tpu.memref_slice %arg11[%dma_wait3A_51] : memref<7680xf32, #tpu.memory_space<vmem>> -> memref<1280xf32, #tpu.memory_space<vmem>>
    tpu.wait_dma2 semaphore(%arg17 : memref<!tpu.dma_semaphore, #tpu.memory_space<semaphore_mem>>) src(%dma_wait3A_52 : memref<1280xf32, #tpu.memory_space<vmem>>) dst(%dma_wait3A_50 : memref<1280xf32, #tpu.memory_space<hbm>>)
    %mul3A_53 = arith.constant 10240 : i32
    %mul3A_54 = arith.muli %add3A, %mul3A_53 : i32
    "tpu.region"() ({
      %run_scoped3A = tpu.sem_alloc : memref<!tpu.dma_semaphore, #tpu.memory_space<semaphore_mem>>
      %dma_start3A_72 = tpu.memref_slice %arg5[%mul3A_54] : memref<327680xf32, #tpu.memory_space<hbm>> -> memref<10240xf32, #tpu.memory_space<hbm>>
      %dma_start3A_73 = tpu.memref_slice %arg5[%mul3A_54] : memref<327680xf32, #tpu.memory_space<hbm>> -> memref<10240xf32, #tpu.memory_space<hbm>>
      tpu.enqueue_dma source(%dma_start3A_73 : memref<10240xf32, #tpu.memory_space<hbm>>) target(%arg12 : memref<10240xf32, #tpu.memory_space<vmem>>) target_semaphore(%run_scoped3A : memref<!tpu.dma_semaphore, #tpu.memory_space<semaphore_mem>>)
      %dma_wait3A_74 = tpu.memref_slice %arg5[%mul3A_54] : memref<327680xf32, #tpu.memory_space<hbm>> -> memref<10240xf32, #tpu.memory_space<hbm>>
      %dma_wait3A_75 = tpu.memref_slice %arg5[%mul3A_54] : memref<327680xf32, #tpu.memory_space<hbm>> -> memref<10240xf32, #tpu.memory_space<hbm>>
      tpu.wait_dma2 semaphore(%run_scoped3A : memref<!tpu.dma_semaphore, #tpu.memory_space<semaphore_mem>>) src(%dma_wait3A_75 : memref<10240xf32, #tpu.memory_space<hbm>>) dst(%arg12 : memref<10240xf32, #tpu.memory_space<vmem>>)
      tpu.yield
    }) : () -> ()
    %dma_start3A = arith.constant 0 : i32
    %dma_start3A_55 = tpu.memref_slice %arg3[%dma_start3A] : memref<320000xi32, #tpu.memory_space<hbm>> -> memref<6400xi32, #tpu.memory_space<hbm>>
    %dma_start3A_56 = arith.constant 0 : i32
    %dma_start3A_57 = tpu.memref_slice %arg3[%dma_start3A_56] : memref<320000xi32, #tpu.memory_space<hbm>> -> memref<6400xi32, #tpu.memory_space<hbm>>
    tpu.enqueue_dma source(%dma_start3A_57 : memref<6400xi32, #tpu.memory_space<hbm>>) target(%arg13 : memref<6400xi32, #tpu.memory_space<vmem>>) target_semaphore(%arg18 : memref<!tpu.dma_semaphore, #tpu.memory_space<semaphore_mem>>)
    %scan3A_58 = arith.constant 0 : i32
    %scan3A_59 = arith.constant 0 : i32
    %scan3A_60 = arith.constant 25 : i32
    %scan3A_61 = arith.addi %scan3A_59, %scan3A_60 : i32
    %scan3A_62 = arith.constant 1 : i32
    scf.for %scan3A_72 = %scan3A_59 to %scan3A_61 step %scan3A_62  : i32 {
      %mul3A_73 = arith.constant 2 : i32
      %mul3A_74 = arith.muli %mul3A_73, %scan3A_72 : i32
      %add3A_75 = arith.constant 1 : i32
      %add3A_76 = arith.addi %mul3A_74, %add3A_75 : i32
      %mul3A_77 = arith.constant 6400 : i32
      %mul3A_78 = arith.muli %add3A_76, %mul3A_77 : i32
      %dma_start3A_79 = tpu.memref_slice %arg3[%mul3A_78] : memref<320000xi32, #tpu.memory_space<hbm>> -> memref<6400xi32, #tpu.memory_space<hbm>>
      %dma_start3A_80 = tpu.memref_slice %arg3[%mul3A_78] : memref<320000xi32, #tpu.memory_space<hbm>> -> memref<6400xi32, #tpu.memory_space<hbm>>
      tpu.enqueue_dma source(%dma_start3A_80 : memref<6400xi32, #tpu.memory_space<hbm>>) target(%arg14 : memref<6400xi32, #tpu.memory_space<vmem>>) target_semaphore(%arg19 : memref<!tpu.dma_semaphore, #tpu.memory_space<semaphore_mem>>)
      %dma_wait3A_81 = arith.constant 0 : i32
      %dma_wait3A_82 = tpu.memref_slice %arg3[%dma_wait3A_81] : memref<320000xi32, #tpu.memory_space<hbm>> -> memref<6400xi32, #tpu.memory_space<hbm>>
      %dma_wait3A_83 = arith.constant 0 : i32
      %dma_wait3A_84 = tpu.memref_slice %arg3[%dma_wait3A_83] : memref<320000xi32, #tpu.memory_space<hbm>> -> memref<6400xi32, #tpu.memory_space<hbm>>
      tpu.wait_dma2 semaphore(%arg18 : memref<!tpu.dma_semaphore, #tpu.memory_space<semaphore_mem>>) src(%dma_wait3A_84 : memref<6400xi32, #tpu.memory_space<hbm>>) dst(%arg13 : memref<6400xi32, #tpu.memory_space<vmem>>)
      %gt3A = arith.constant 0 : i32
      %gt3A_85 = arith.cmpi sgt, %scan3A_72, %gt3A : i32
      %convert_element_type3A = arith.extui %gt3A_85 : i1 to i32
      %cond3A = arith.constant 0 : i32
      %cond3A_86 = arith.cmpi ne, %convert_element_type3A, %cond3A : i32
      scf.if %cond3A_86 {
        %mul3A_132 = arith.constant 320000 : i32
        %mul3A_133 = arith.muli %add3A, %mul3A_132 : i32
        %dma_wait3A_134 = tpu.memref_slice %arg7[%mul3A_133] : memref<10240000xf32, #tpu.memory_space<hbm>> -> memref<6400xf32, #tpu.memory_space<hbm>>
        %dma_wait3A_135 = tpu.memref_slice %arg7[%mul3A_133] : memref<10240000xf32, #tpu.memory_space<hbm>> -> memref<6400xf32, #tpu.memory_space<hbm>>
        tpu.wait_dma2 semaphore(%arg20 : memref<!tpu.dma_semaphore, #tpu.memory_space<semaphore_mem>>) src(%arg15 : memref<6400xf32, #tpu.memory_space<vmem>>) dst(%dma_wait3A_135 : memref<6400xf32, #tpu.memory_space<hbm>>)
      } else {
      }
      %scan3A_87 = arith.constant 0 : i32
      %scan3A_88 = arith.constant 0 : i32
      %scan3A_89 = arith.constant 400 : i32
      %scan3A_90 = arith.addi %scan3A_88, %scan3A_89 : i32
      %scan3A_91 = arith.constant 1 : i32
      scf.for %scan3A_132 = %scan3A_88 to %scan3A_90 step %scan3A_91  : i32 {
        %mul3A_133 = arith.constant 16 : i32
        %mul3A_134 = arith.muli %scan3A_132, %mul3A_133 : i32
        %get3A = arith.index_cast %mul3A_134 : i32 to index
        %get3A_135 = tpu.vector_load %arg13[%get3A] {strides = array<i32>} : memref<6400xi32, #tpu.memory_space<vmem>>, vector<16xi32>,
        %gather3A = tpu.vector_load_idx %arg12[%get3A_135] : memref<10240xf32, #tpu.memory_space<vmem>>[vector<16xi32>], vector<16xf32>,
        %mul3A_136 = arith.constant 16 : i32
        %mul3A_137 = arith.muli %scan3A_132, %mul3A_136 : i32
        %swap3A = arith.index_cast %mul3A_137 : i32 to index
        %swap3A_138 = tpu.vector_load %arg15[%swap3A] {strides = array<i32>} : memref<6400xf32, #tpu.memory_space<vmem>>, vector<16xf32>,
        tpu.vector_store %arg15[%swap3A], %gather3A {strides = array<i32>} : memref<6400xf32, #tpu.memory_space<vmem>>, vector<16xf32>,
      }
      %scan3A_92 = arith.constant 400 : i32
      %mul3A_93 = arith.constant 2 : i32
      %mul3A_94 = arith.muli %mul3A_93, %scan3A_72 : i32
      %mul3A_95 = arith.constant 320000 : i32
      %mul3A_96 = arith.muli %add3A, %mul3A_95 : i32
      %mul3A_97 = arith.constant 6400 : i32
      %mul3A_98 = arith.muli %mul3A_94, %mul3A_97 : i32
      %add3A_99 = arith.addi %mul3A_96, %mul3A_98 : i32
      %dma_start3A_100 = tpu.memref_slice %arg7[%add3A_99] : memref<10240000xf32, #tpu.memory_space<hbm>> -> memref<6400xf32, #tpu.memory_space<hbm>>
      %dma_start3A_101 = tpu.memref_slice %arg7[%add3A_99] : memref<10240000xf32, #tpu.memory_space<hbm>> -> memref<6400xf32, #tpu.memory_space<hbm>>
      tpu.enqueue_dma source(%arg15 : memref<6400xf32, #tpu.memory_space<vmem>>) target(%dma_start3A_101 : memref<6400xf32, #tpu.memory_space<hbm>>) target_semaphore(%arg20 : memref<!tpu.dma_semaphore, #tpu.memory_space<semaphore_mem>>)
      %lt3A = arith.constant 24 : i32
      %lt3A_102 = arith.cmpi slt, %scan3A_72, %lt3A : i32
      %convert_element_type3A_103 = arith.extui %lt3A_102 : i1 to i32
      %cond3A_104 = arith.constant 0 : i32
      %cond3A_105 = arith.cmpi ne, %convert_element_type3A_103, %cond3A_104 : i32
      scf.if %cond3A_105 {
        %mul3A_132 = arith.constant 2 : i32
        %mul3A_133 = arith.muli %mul3A_132, %scan3A_72 : i32
        %add3A_134 = arith.constant 2 : i32
        %add3A_135 = arith.addi %mul3A_133, %add3A_134 : i32
        %mul3A_136 = arith.constant 6400 : i32
        %mul3A_137 = arith.muli %add3A_135, %mul3A_136 : i32
        %dma_start3A_138 = tpu.memref_slice %arg3[%mul3A_137] : memref<320000xi32, #tpu.memory_space<hbm>> -> memref<6400xi32, #tpu.memory_space<hbm>>
        %dma_start3A_139 = tpu.memref_slice %arg3[%mul3A_137] : memref<320000xi32, #tpu.memory_space<hbm>> -> memref<6400xi32, #tpu.memory_space<hbm>>
        tpu.enqueue_dma source(%dma_start3A_139 : memref<6400xi32, #tpu.memory_space<hbm>>) target(%arg13 : memref<6400xi32, #tpu.memory_space<vmem>>) target_semaphore(%arg18 : memref<!tpu.dma_semaphore, #tpu.memory_space<semaphore_mem>>)
      } else {
      }
      %dma_wait3A_106 = arith.constant 0 : i32
      %dma_wait3A_107 = tpu.memref_slice %arg3[%dma_wait3A_106] : memref<320000xi32, #tpu.memory_space<hbm>> -> memref<6400xi32, #tpu.memory_space<hbm>>
      %dma_wait3A_108 = arith.constant 0 : i32
      %dma_wait3A_109 = tpu.memref_slice %arg3[%dma_wait3A_108] : memref<320000xi32, #tpu.memory_space<hbm>> -> memref<6400xi32, #tpu.memory_space<hbm>>
      tpu.wait_dma2 semaphore(%arg19 : memref<!tpu.dma_semaphore, #tpu.memory_space<semaphore_mem>>) src(%dma_wait3A_109 : memref<6400xi32, #tpu.memory_space<hbm>>) dst(%arg14 : memref<6400xi32, #tpu.memory_space<vmem>>)
      %gt3A_110 = arith.constant 0 : i32
      %gt3A_111 = arith.cmpi sgt, %scan3A_72, %gt3A_110 : i32
      %convert_element_type3A_112 = arith.extui %gt3A_111 : i1 to i32
      %cond3A_113 = arith.constant 0 : i32
      %cond3A_114 = arith.cmpi ne, %convert_element_type3A_112, %cond3A_113 : i32
      scf.if %cond3A_114 {
        %mul3A_132 = arith.constant 320000 : i32
        %mul3A_133 = arith.muli %add3A, %mul3A_132 : i32
        %dma_wait3A_134 = tpu.memref_slice %arg7[%mul3A_133] : memref<10240000xf32, #tpu.memory_space<hbm>> -> memref<6400xf32, #tpu.memory_space<hbm>>
        %dma_wait3A_135 = tpu.memref_slice %arg7[%mul3A_133] : memref<10240000xf32, #tpu.memory_space<hbm>> -> memref<6400xf32, #tpu.memory_space<hbm>>
        tpu.wait_dma2 semaphore(%arg21 : memref<!tpu.dma_semaphore, #tpu.memory_space<semaphore_mem>>) src(%arg16 : memref<6400xf32, #tpu.memory_space<vmem>>) dst(%dma_wait3A_135 : memref<6400xf32, #tpu.memory_space<hbm>>)
      } else {
      }
      %scan3A_115 = arith.constant 0 : i32
      %scan3A_116 = arith.constant 0 : i32
      %scan3A_117 = arith.constant 400 : i32
      %scan3A_118 = arith.addi %scan3A_116, %scan3A_117 : i32
      %scan3A_119 = arith.constant 1 : i32
      scf.for %scan3A_132 = %scan3A_116 to %scan3A_118 step %scan3A_119  : i32 {
        %mul3A_133 = arith.constant 16 : i32
        %mul3A_134 = arith.muli %scan3A_132, %mul3A_133 : i32
        %get3A = arith.index_cast %mul3A_134 : i32 to index
        %get3A_135 = tpu.vector_load %arg14[%get3A] {strides = array<i32>} : memref<6400xi32, #tpu.memory_space<vmem>>, vector<16xi32>,
        %gather3A = tpu.vector_load_idx %arg12[%get3A_135] : memref<10240xf32, #tpu.memory_space<vmem>>[vector<16xi32>], vector<16xf32>,
        %mul3A_136 = arith.constant 16 : i32
        %mul3A_137 = arith.muli %scan3A_132, %mul3A_136 : i32
        %swap3A = arith.index_cast %mul3A_137 : i32 to index
        %swap3A_138 = tpu.vector_load %arg16[%swap3A] {strides = array<i32>} : memref<6400xf32, #tpu.memory_space<vmem>>, vector<16xf32>,
        tpu.vector_store %arg16[%swap3A], %gather3A {strides = array<i32>} : memref<6400xf32, #tpu.memory_space<vmem>>, vector<16xf32>,
      }
      %scan3A_120 = arith.constant 400 : i32
      %mul3A_121 = arith.constant 2 : i32
      %mul3A_122 = arith.muli %mul3A_121, %scan3A_72 : i32
      %add3A_123 = arith.constant 1 : i32
      %add3A_124 = arith.addi %mul3A_122, %add3A_123 : i32
      %mul3A_125 = arith.constant 320000 : i32
      %mul3A_126 = arith.muli %add3A, %mul3A_125 : i32
      %mul3A_127 = arith.constant 6400 : i32
      %mul3A_128 = arith.muli %add3A_124, %mul3A_127 : i32
      %add3A_129 = arith.addi %mul3A_126, %mul3A_128 : i32
      %dma_start3A_130 = tpu.memref_slice %arg7[%add3A_129] : memref<10240000xf32, #tpu.memory_space<hbm>> -> memref<6400xf32, #tpu.memory_space<hbm>>
      %dma_start3A_131 = tpu.memref_slice %arg7[%add3A_129] : memref<10240000xf32, #tpu.memory_space<hbm>> -> memref<6400xf32, #tpu.memory_space<hbm>>
      tpu.enqueue_dma source(%arg16 : memref<6400xf32, #tpu.memory_space<vmem>>) target(%dma_start3A_131 : memref<6400xf32, #tpu.memory_space<hbm>>) target_semaphore(%arg21 : memref<!tpu.dma_semaphore, #tpu.memory_space<semaphore_mem>>)
    }
    %scan3A_63 = arith.constant 25 : i32
    %mul3A_64 = arith.constant 320000 : i32
    %mul3A_65 = arith.muli %add3A, %mul3A_64 : i32
    %dma_wait3A_66 = tpu.memref_slice %arg7[%mul3A_65] : memref<10240000xf32, #tpu.memory_space<hbm>> -> memref<6400xf32, #tpu.memory_space<hbm>>
    %dma_wait3A_67 = tpu.memref_slice %arg7[%mul3A_65] : memref<10240000xf32, #tpu.memory_space<hbm>> -> memref<6400xf32, #tpu.memory_space<hbm>>
    tpu.wait_dma2 semaphore(%arg20 : memref<!tpu.dma_semaphore, #tpu.memory_space<semaphore_mem>>) src(%arg15 : memref<6400xf32, #tpu.memory_space<vmem>>) dst(%dma_wait3A_67 : memref<6400xf32, #tpu.memory_space<hbm>>)
    %mul3A_68 = arith.constant 320000 : i32
    %mul3A_69 = arith.muli %add3A, %mul3A_68 : i32
    %dma_wait3A_70 = tpu.memref_slice %arg7[%mul3A_69] : memref<10240000xf32, #tpu.memory_space<hbm>> -> memref<6400xf32, #tpu.memory_space<hbm>>
    %dma_wait3A_71 = tpu.memref_slice %arg7[%mul3A_69] : memref<10240000xf32, #tpu.memory_space<hbm>> -> memref<6400xf32, #tpu.memory_space<hbm>>
    tpu.wait_dma2 semaphore(%arg21 : memref<!tpu.dma_semaphore, #tpu.memory_space<semaphore_mem>>) src(%arg16 : memref<6400xf32, #tpu.memory_space<vmem>>) dst(%dma_wait3A_71 : memref<6400xf32, #tpu.memory_space<hbm>>)
    return
  }
}

#map = affine_map<(d0, d1) -> (0)>
module attributes {stable_mosaic.version = 14 : i64} {
  func.func @_segment_max_body(%arg0: i32, %arg1: i32, %arg2: memref<320000xi32, #tpu.memory_space<hbm>>, %arg3: memref<10240000xf32, #tpu.memory_space<hbm>>, %arg4: memref<1310720xf32, #tpu.memory_space<hbm>>, %arg5: memref<10240xf32, #tpu.memory_space<vmem>>, %arg6: memref<10240xf32, #tpu.memory_space<vmem>>, %arg7: memref<10240xf32, #tpu.memory_space<vmem>>, %arg8: memref<10240xf32, #tpu.memory_space<vmem>>, %arg9: memref<10240xi32, #tpu.memory_space<vmem>>, %arg10: memref<3200xi32, #tpu.memory_space<vmem>>, %arg11: memref<3200xf32, #tpu.memory_space<vmem>>, %arg12: memref<3200xf32, #tpu.memory_space<vmem>>, %arg13: memref<3200xf32, #tpu.memory_space<vmem>>, %arg14: memref<3200xf32, #tpu.memory_space<vmem>>, %arg15: memref<3200xi32, #tpu.memory_space<vmem>>, %arg16: memref<3200xf32, #tpu.memory_space<vmem>>, %arg17: memref<3200xf32, #tpu.memory_space<vmem>>, %arg18: memref<3200xf32, #tpu.memory_space<vmem>>, %arg19: memref<3200xf32, #tpu.memory_space<vmem>>, %arg20: memref<!tpu.dma_semaphore, #tpu.memory_space<semaphore_mem>>, %arg21: memref<!tpu.dma_semaphore, #tpu.memory_space<semaphore_mem>>) attributes {dimension_semantics = [#tpu.dimension_semantics<core_parallel>, #tpu.dimension_semantics<subcore_parallel>], iteration_bounds = array<i64: 2, 16>, scalar_prefetch = 0 : i64, scratch_operands = 17 : i64, tpu.core_type = #tpu.core_type<sc_vector_subcore>, window_params = [{transform_indices = #map}, {transform_indices = #map}, {transform_indices = #map}]} {
    %mul3A = arith.constant 2 : i32
    %mul3A_0 = arith.muli %arg1, %mul3A : i32
    %add3A = arith.addi %mul3A_0, %arg0 : i32
    %jit3A = arith.constant 8 : i32
    %div3A = arith.divsi %add3A, %jit3A : i32
    %sign3A = arith.constant 0 : i32
    %sign3A_1 = arith.cmpi sgt, %add3A, %sign3A : i32
    %sign3A_2 = arith.extui %sign3A_1 : i1 to i32
    %sign3A_3 = arith.constant 0 : i32
    %sign3A_4 = arith.cmpi slt, %add3A, %sign3A_3 : i32
    %sign3A_5 = arith.extui %sign3A_4 : i1 to i32
    %sign3A_6 = arith.subi %sign3A_2, %sign3A_5 : i32
    %sign3A_7 = arith.constant 0 : i32
    %sign3A_8 = arith.cmpi sgt, %jit3A, %sign3A_7 : i32
    %sign3A_9 = arith.extui %sign3A_8 : i1 to i32
    %sign3A_10 = arith.constant 0 : i32
    %sign3A_11 = arith.cmpi slt, %jit3A, %sign3A_10 : i32
    %sign3A_12 = arith.extui %sign3A_11 : i1 to i32
    %sign3A_13 = arith.subi %sign3A_9, %sign3A_12 : i32
    %ne3A = arith.cmpi ne, %sign3A_6, %sign3A_13 : i32
    %rem3A = arith.remsi %add3A, %jit3A : i32
    %ne3A_14 = arith.constant 0 : i32
    %ne3A_15 = arith.cmpi ne, %rem3A, %ne3A_14 : i32
    %and3A = arith.andi %ne3A, %ne3A_15 : i1
    %sub3A = arith.constant 1 : i32
    %sub3A_16 = arith.subi %div3A, %sub3A : i32
    %select_n3A = arith.select %and3A, %sub3A_16, %div3A : i32
    %jit3A_17 = arith.constant 8 : i32
    %eq3A = arith.constant 0 : i32
    %eq3A_18 = arith.cmpi eq, %jit3A_17, %eq3A : i32
    %jit3A_19 = arith.constant 1 : i32
    %select_n3A_20 = arith.select %eq3A_18, %jit3A_19, %jit3A_17 : i32
    %rem3A_21 = arith.remsi %add3A, %select_n3A_20 : i32
    %ne3A_22 = arith.constant 0 : i32
    %ne3A_23 = arith.cmpi ne, %rem3A_21, %ne3A_22 : i32
    %lt3A = arith.constant 0 : i32
    %lt3A_24 = arith.cmpi slt, %rem3A_21, %lt3A : i32
    %lt3A_25 = arith.constant 0 : i32
    %lt3A_26 = arith.cmpi slt, %select_n3A_20, %lt3A_25 : i32
    %ne3A_27 = arith.xori %lt3A_24, %lt3A_26 : i1
    %and3A_28 = arith.andi %ne3A_27, %ne3A_23 : i1
    %add3A_29 = arith.addi %rem3A_21, %select_n3A_20 : i32
    %select_n3A_30 = arith.select %and3A_28, %add3A_29, %rem3A_21 : i32
    %mul3A_31 = arith.constant 80000 : i32
    %mul3A_32 = arith.muli %select_n3A, %mul3A_31 : i32
    %iota3A = tpu.iota {dimensions = array<i32: 0>} : vector<16xi32>
    %broadcast_in_dim3A = arith.constant -3.000000e+38 : f32
    %broadcast_in_dim3A_33 = vector.broadcast %broadcast_in_dim3A : f32 to vector<16xf32>
    %scan3A = arith.constant 0 : i32
    %scan3A_34 = arith.constant 0 : i32
    %scan3A_35 = arith.constant 640 : i32
    %scan3A_36 = arith.addi %scan3A_34, %scan3A_35 : i32
    %scan3A_37 = arith.constant 1 : i32
    scf.for %scan3A_141 = %scan3A_34 to %scan3A_36 step %scan3A_37  : i32 {
      %mul3A_142 = arith.constant 16 : i32
      %mul3A_143 = arith.muli %scan3A_141, %mul3A_142 : i32
      %swap3A = arith.index_cast %mul3A_143 : i32 to index
      %swap3A_144 = tpu.vector_load %arg5[%swap3A] {strides = array<i32>} : memref<10240xf32, #tpu.memory_space<vmem>>, vector<16xf32>,
      tpu.vector_store %arg5[%swap3A], %broadcast_in_dim3A_33 {strides = array<i32>} : memref<10240xf32, #tpu.memory_space<vmem>>, vector<16xf32>,
      %mul3A_145 = arith.constant 16 : i32
      %mul3A_146 = arith.muli %scan3A_141, %mul3A_145 : i32
      %swap3A_147 = arith.index_cast %mul3A_146 : i32 to index
      %swap3A_148 = tpu.vector_load %arg6[%swap3A_147] {strides = array<i32>} : memref<10240xf32, #tpu.memory_space<vmem>>, vector<16xf32>,
      tpu.vector_store %arg6[%swap3A_147], %broadcast_in_dim3A_33 {strides = array<i32>} : memref<10240xf32, #tpu.memory_space<vmem>>, vector<16xf32>,
      %mul3A_149 = arith.constant 16 : i32
      %mul3A_150 = arith.muli %scan3A_141, %mul3A_149 : i32
      %swap3A_151 = arith.index_cast %mul3A_150 : i32 to index
      %swap3A_152 = tpu.vector_load %arg7[%swap3A_151] {strides = array<i32>} : memref<10240xf32, #tpu.memory_space<vmem>>, vector<16xf32>,
      tpu.vector_store %arg7[%swap3A_151], %broadcast_in_dim3A_33 {strides = array<i32>} : memref<10240xf32, #tpu.memory_space<vmem>>, vector<16xf32>,
      %mul3A_153 = arith.constant 16 : i32
      %mul3A_154 = arith.muli %scan3A_141, %mul3A_153 : i32
      %swap3A_155 = arith.index_cast %mul3A_154 : i32 to index
      %swap3A_156 = tpu.vector_load %arg8[%swap3A_155] {strides = array<i32>} : memref<10240xf32, #tpu.memory_space<vmem>>, vector<16xf32>,
      tpu.vector_store %arg8[%swap3A_155], %broadcast_in_dim3A_33 {strides = array<i32>} : memref<10240xf32, #tpu.memory_space<vmem>>, vector<16xf32>,
    }
    %scan3A_38 = arith.constant 640 : i32
    %add3A_39 = arith.constant 0 : i32
    %add3A_40 = arith.addi %mul3A_32, %add3A_39 : i32
    %dma_start3A = tpu.memref_slice %arg2[%add3A_40] : memref<320000xi32, #tpu.memory_space<hbm>> -> memref<3200xi32, #tpu.memory_space<hbm>>
    %dma_start3A_41 = tpu.memref_slice %arg2[%add3A_40] : memref<320000xi32, #tpu.memory_space<hbm>> -> memref<3200xi32, #tpu.memory_space<hbm>>
    tpu.enqueue_dma source(%dma_start3A_41 : memref<3200xi32, #tpu.memory_space<hbm>>) target(%arg10 : memref<3200xi32, #tpu.memory_space<vmem>>) target_semaphore(%arg20 : memref<!tpu.dma_semaphore, #tpu.memory_space<semaphore_mem>>)
    %mul3A_42 = arith.constant 4 : i32
    %mul3A_43 = arith.muli %select_n3A_30, %mul3A_42 : i32
    %add3A_44 = arith.constant 0 : i32
    %add3A_45 = arith.addi %mul3A_43, %add3A_44 : i32
    %mul3A_46 = arith.constant 320000 : i32
    %mul3A_47 = arith.muli %add3A_45, %mul3A_46 : i32
    %add3A_48 = arith.addi %mul3A_47, %mul3A_32 : i32
    %add3A_49 = arith.constant 0 : i32
    %add3A_50 = arith.addi %add3A_48, %add3A_49 : i32
    %dma_start3A_51 = tpu.memref_slice %arg3[%add3A_50] : memref<10240000xf32, #tpu.memory_space<hbm>> -> memref<3200xf32, #tpu.memory_space<hbm>>
    %dma_start3A_52 = tpu.memref_slice %arg3[%add3A_50] : memref<10240000xf32, #tpu.memory_space<hbm>> -> memref<3200xf32, #tpu.memory_space<hbm>>
    tpu.enqueue_dma source(%dma_start3A_52 : memref<3200xf32, #tpu.memory_space<hbm>>) target(%arg11 : memref<3200xf32, #tpu.memory_space<vmem>>) target_semaphore(%arg20 : memref<!tpu.dma_semaphore, #tpu.memory_space<semaphore_mem>>)
    %mul3A_53 = arith.constant 4 : i32
    %mul3A_54 = arith.muli %select_n3A_30, %mul3A_53 : i32
    %add3A_55 = arith.constant 1 : i32
    %add3A_56 = arith.addi %mul3A_54, %add3A_55 : i32
    %mul3A_57 = arith.constant 320000 : i32
    %mul3A_58 = arith.muli %add3A_56, %mul3A_57 : i32
    %add3A_59 = arith.addi %mul3A_58, %mul3A_32 : i32
    %add3A_60 = arith.constant 0 : i32
    %add3A_61 = arith.addi %add3A_59, %add3A_60 : i32
    %dma_start3A_62 = tpu.memref_slice %arg3[%add3A_61] : memref<10240000xf32, #tpu.memory_space<hbm>> -> memref<3200xf32, #tpu.memory_space<hbm>>
    %dma_start3A_63 = tpu.memref_slice %arg3[%add3A_61] : memref<10240000xf32, #tpu.memory_space<hbm>> -> memref<3200xf32, #tpu.memory_space<hbm>>
    tpu.enqueue_dma source(%dma_start3A_63 : memref<3200xf32, #tpu.memory_space<hbm>>) target(%arg12 : memref<3200xf32, #tpu.memory_space<vmem>>) target_semaphore(%arg20 : memref<!tpu.dma_semaphore, #tpu.memory_space<semaphore_mem>>)
    %mul3A_64 = arith.constant 4 : i32
    %mul3A_65 = arith.muli %select_n3A_30, %mul3A_64 : i32
    %add3A_66 = arith.constant 2 : i32
    %add3A_67 = arith.addi %mul3A_65, %add3A_66 : i32
    %mul3A_68 = arith.constant 320000 : i32
    %mul3A_69 = arith.muli %add3A_67, %mul3A_68 : i32
    %add3A_70 = arith.addi %mul3A_69, %mul3A_32 : i32
    %add3A_71 = arith.constant 0 : i32
    %add3A_72 = arith.addi %add3A_70, %add3A_71 : i32
    %dma_start3A_73 = tpu.memref_slice %arg3[%add3A_72] : memref<10240000xf32, #tpu.memory_space<hbm>> -> memref<3200xf32, #tpu.memory_space<hbm>>
    %dma_start3A_74 = tpu.memref_slice %arg3[%add3A_72] : memref<10240000xf32, #tpu.memory_space<hbm>> -> memref<3200xf32, #tpu.memory_space<hbm>>
    tpu.enqueue_dma source(%dma_start3A_74 : memref<3200xf32, #tpu.memory_space<hbm>>) target(%arg13 : memref<3200xf32, #tpu.memory_space<vmem>>) target_semaphore(%arg20 : memref<!tpu.dma_semaphore, #tpu.memory_space<semaphore_mem>>)
    %mul3A_75 = arith.constant 4 : i32
    %mul3A_76 = arith.muli %select_n3A_30, %mul3A_75 : i32
    %add3A_77 = arith.constant 3 : i32
    %add3A_78 = arith.addi %mul3A_76, %add3A_77 : i32
    %mul3A_79 = arith.constant 320000 : i32
    %mul3A_80 = arith.muli %add3A_78, %mul3A_79 : i32
    %add3A_81 = arith.addi %mul3A_80, %mul3A_32 : i32
    %add3A_82 = arith.constant 0 : i32
    %add3A_83 = arith.addi %add3A_81, %add3A_82 : i32
    %dma_start3A_84 = tpu.memref_slice %arg3[%add3A_83] : memref<10240000xf32, #tpu.memory_space<hbm>> -> memref<3200xf32, #tpu.memory_space<hbm>>
    %dma_start3A_85 = tpu.memref_slice %arg3[%add3A_83] : memref<10240000xf32, #tpu.memory_space<hbm>> -> memref<3200xf32, #tpu.memory_space<hbm>>
    tpu.enqueue_dma source(%dma_start3A_85 : memref<3200xf32, #tpu.memory_space<hbm>>) target(%arg14 : memref<3200xf32, #tpu.memory_space<vmem>>) target_semaphore(%arg20 : memref<!tpu.dma_semaphore, #tpu.memory_space<semaphore_mem>>)
    %scan3A_86 = arith.constant 0 : i32
    %scan3A_87 = arith.constant 0 : i32
    %scan3A_88 = arith.constant 12 : i32
    %scan3A_89 = arith.addi %scan3A_87, %scan3A_88 : i32
    %scan3A_90 = arith.constant 1 : i32
    scf.for %scan3A_141 = %scan3A_87 to %scan3A_89 step %scan3A_90  : i32 {
      %mul3A_142 = arith.constant 2 : i32
      %mul3A_143 = arith.muli %mul3A_142, %scan3A_141 : i32
      %add3A_144 = arith.constant 1 : i32
      %add3A_145 = arith.addi %mul3A_143, %add3A_144 : i32
      %mul3A_146 = arith.constant 3200 : i32
      %mul3A_147 = arith.muli %add3A_145, %mul3A_146 : i32
      %add3A_148 = arith.addi %mul3A_32, %mul3A_147 : i32
      %dma_start3A_149 = tpu.memref_slice %arg2[%add3A_148] : memref<320000xi32, #tpu.memory_space<hbm>> -> memref<3200xi32, #tpu.memory_space<hbm>>
      %dma_start3A_150 = tpu.memref_slice %arg2[%add3A_148] : memref<320000xi32, #tpu.memory_space<hbm>> -> memref<3200xi32, #tpu.memory_space<hbm>>
      tpu.enqueue_dma source(%dma_start3A_150 : memref<3200xi32, #tpu.memory_space<hbm>>) target(%arg15 : memref<3200xi32, #tpu.memory_space<vmem>>) target_semaphore(%arg21 : memref<!tpu.dma_semaphore, #tpu.memory_space<semaphore_mem>>)
      %mul3A_151 = arith.constant 4 : i32
      %mul3A_152 = arith.muli %select_n3A_30, %mul3A_151 : i32
      %add3A_153 = arith.constant 0 : i32
      %add3A_154 = arith.addi %mul3A_152, %add3A_153 : i32
      %mul3A_155 = arith.constant 320000 : i32
      %mul3A_156 = arith.muli %add3A_154, %mul3A_155 : i32
      %add3A_157 = arith.addi %mul3A_156, %mul3A_32 : i32
      %mul3A_158 = arith.constant 3200 : i32
      %mul3A_159 = arith.muli %add3A_145, %mul3A_158 : i32
      %add3A_160 = arith.addi %add3A_157, %mul3A_159 : i32
      %dma_start3A_161 = tpu.memref_slice %arg3[%add3A_160] : memref<10240000xf32, #tpu.memory_space<hbm>> -> memref<3200xf32, #tpu.memory_space<hbm>>
      %dma_start3A_162 = tpu.memref_slice %arg3[%add3A_160] : memref<10240000xf32, #tpu.memory_space<hbm>> -> memref<3200xf32, #tpu.memory_space<hbm>>
      tpu.enqueue_dma source(%dma_start3A_162 : memref<3200xf32, #tpu.memory_space<hbm>>) target(%arg16 : memref<3200xf32, #tpu.memory_space<vmem>>) target_semaphore(%arg21 : memref<!tpu.dma_semaphore, #tpu.memory_space<semaphore_mem>>)
      %mul3A_163 = arith.constant 4 : i32
      %mul3A_164 = arith.muli %select_n3A_30, %mul3A_163 : i32
      %add3A_165 = arith.constant 1 : i32
      %add3A_166 = arith.addi %mul3A_164, %add3A_165 : i32
      %mul3A_167 = arith.constant 320000 : i32
      %mul3A_168 = arith.muli %add3A_166, %mul3A_167 : i32
      %add3A_169 = arith.addi %mul3A_168, %mul3A_32 : i32
      %mul3A_170 = arith.constant 3200 : i32
      %mul3A_171 = arith.muli %add3A_145, %mul3A_170 : i32
      %add3A_172 = arith.addi %add3A_169, %mul3A_171 : i32
      %dma_start3A_173 = tpu.memref_slice %arg3[%add3A_172] : memref<10240000xf32, #tpu.memory_space<hbm>> -> memref<3200xf32, #tpu.memory_space<hbm>>
      %dma_start3A_174 = tpu.memref_slice %arg3[%add3A_172] : memref<10240000xf32, #tpu.memory_space<hbm>> -> memref<3200xf32, #tpu.memory_space<hbm>>
      tpu.enqueue_dma source(%dma_start3A_174 : memref<3200xf32, #tpu.memory_space<hbm>>) target(%arg17 : memref<3200xf32, #tpu.memory_space<vmem>>) target_semaphore(%arg21 : memref<!tpu.dma_semaphore, #tpu.memory_space<semaphore_mem>>)
      %mul3A_175 = arith.constant 4 : i32
      %mul3A_176 = arith.muli %select_n3A_30, %mul3A_175 : i32
      %add3A_177 = arith.constant 2 : i32
      %add3A_178 = arith.addi %mul3A_176, %add3A_177 : i32
      %mul3A_179 = arith.constant 320000 : i32
      %mul3A_180 = arith.muli %add3A_178, %mul3A_179 : i32
      %add3A_181 = arith.addi %mul3A_180, %mul3A_32 : i32
      %mul3A_182 = arith.constant 3200 : i32
      %mul3A_183 = arith.muli %add3A_145, %mul3A_182 : i32
      %add3A_184 = arith.addi %add3A_181, %mul3A_183 : i32
      %dma_start3A_185 = tpu.memref_slice %arg3[%add3A_184] : memref<10240000xf32, #tpu.memory_space<hbm>> -> memref<3200xf32, #tpu.memory_space<hbm>>
      %dma_start3A_186 = tpu.memref_slice %arg3[%add3A_184] : memref<10240000xf32, #tpu.memory_space<hbm>> -> memref<3200xf32, #tpu.memory_space<hbm>>
      tpu.enqueue_dma source(%dma_start3A_186 : memref<3200xf32, #tpu.memory_space<hbm>>) target(%arg18 : memref<3200xf32, #tpu.memory_space<vmem>>) target_semaphore(%arg21 : memref<!tpu.dma_semaphore, #tpu.memory_space<semaphore_mem>>)
      %mul3A_187 = arith.constant 4 : i32
      %mul3A_188 = arith.muli %select_n3A_30, %mul3A_187 : i32
      %add3A_189 = arith.constant 3 : i32
      %add3A_190 = arith.addi %mul3A_188, %add3A_189 : i32
      %mul3A_191 = arith.constant 320000 : i32
      %mul3A_192 = arith.muli %add3A_190, %mul3A_191 : i32
      %add3A_193 = arith.addi %mul3A_192, %mul3A_32 : i32
      %mul3A_194 = arith.constant 3200 : i32
      %mul3A_195 = arith.muli %add3A_145, %mul3A_194 : i32
      %add3A_196 = arith.addi %add3A_193, %mul3A_195 : i32
      %dma_start3A_197 = tpu.memref_slice %arg3[%add3A_196] : memref<10240000xf32, #tpu.memory_space<hbm>> -> memref<3200xf32, #tpu.memory_space<hbm>>
      %dma_start3A_198 = tpu.memref_slice %arg3[%add3A_196] : memref<10240000xf32, #tpu.memory_space<hbm>> -> memref<3200xf32, #tpu.memory_space<hbm>>
      tpu.enqueue_dma source(%dma_start3A_198 : memref<3200xf32, #tpu.memory_space<hbm>>) target(%arg19 : memref<3200xf32, #tpu.memory_space<vmem>>) target_semaphore(%arg21 : memref<!tpu.dma_semaphore, #tpu.memory_space<semaphore_mem>>)
      %dma_wait3A_199 = arith.constant 0 : i32
      %dma_wait3A_200 = tpu.memref_slice %arg2[%dma_wait3A_199] : memref<320000xi32, #tpu.memory_space<hbm>> -> memref<3200xi32, #tpu.memory_space<hbm>>
      %dma_wait3A_201 = arith.constant 0 : i32
      %dma_wait3A_202 = tpu.memref_slice %arg2[%dma_wait3A_201] : memref<320000xi32, #tpu.memory_space<hbm>> -> memref<3200xi32, #tpu.memory_space<hbm>>
      tpu.wait_dma2 semaphore(%arg20 : memref<!tpu.dma_semaphore, #tpu.memory_space<semaphore_mem>>) src(%dma_wait3A_202 : memref<3200xi32, #tpu.memory_space<hbm>>) dst(%arg10 : memref<3200xi32, #tpu.memory_space<vmem>>)
      %dma_wait3A_203 = arith.constant 0 : i32
      %dma_wait3A_204 = tpu.memref_slice %arg3[%dma_wait3A_203] : memref<10240000xf32, #tpu.memory_space<hbm>> -> memref<3200xf32, #tpu.memory_space<hbm>>
      %dma_wait3A_205 = arith.constant 0 : i32
      %dma_wait3A_206 = tpu.memref_slice %arg3[%dma_wait3A_205] : memref<10240000xf32, #tpu.memory_space<hbm>> -> memref<3200xf32, #tpu.memory_space<hbm>>
      tpu.wait_dma2 semaphore(%arg20 : memref<!tpu.dma_semaphore, #tpu.memory_space<semaphore_mem>>) src(%dma_wait3A_206 : memref<3200xf32, #tpu.memory_space<hbm>>) dst(%arg11 : memref<3200xf32, #tpu.memory_space<vmem>>)
      %dma_wait3A_207 = arith.constant 0 : i32
      %dma_wait3A_208 = tpu.memref_slice %arg3[%dma_wait3A_207] : memref<10240000xf32, #tpu.memory_space<hbm>> -> memref<3200xf32, #tpu.memory_space<hbm>>
      %dma_wait3A_209 = arith.constant 0 : i32
      %dma_wait3A_210 = tpu.memref_slice %arg3[%dma_wait3A_209] : memref<10240000xf32, #tpu.memory_space<hbm>> -> memref<3200xf32, #tpu.memory_space<hbm>>
      tpu.wait_dma2 semaphore(%arg20 : memref<!tpu.dma_semaphore, #tpu.memory_space<semaphore_mem>>) src(%dma_wait3A_210 : memref<3200xf32, #tpu.memory_space<hbm>>) dst(%arg12 : memref<3200xf32, #tpu.memory_space<vmem>>)
      %dma_wait3A_211 = arith.constant 0 : i32
      %dma_wait3A_212 = tpu.memref_slice %arg3[%dma_wait3A_211] : memref<10240000xf32, #tpu.memory_space<hbm>> -> memref<3200xf32, #tpu.memory_space<hbm>>
      %dma_wait3A_213 = arith.constant 0 : i32
      %dma_wait3A_214 = tpu.memref_slice %arg3[%dma_wait3A_213] : memref<10240000xf32, #tpu.memory_space<hbm>> -> memref<3200xf32, #tpu.memory_space<hbm>>
      tpu.wait_dma2 semaphore(%arg20 : memref<!tpu.dma_semaphore, #tpu.memory_space<semaphore_mem>>) src(%dma_wait3A_214 : memref<3200xf32, #tpu.memory_space<hbm>>) dst(%arg13 : memref<3200xf32, #tpu.memory_space<vmem>>)
      %dma_wait3A_215 = arith.constant 0 : i32
      %dma_wait3A_216 = tpu.memref_slice %arg3[%dma_wait3A_215] : memref<10240000xf32, #tpu.memory_space<hbm>> -> memref<3200xf32, #tpu.memory_space<hbm>>
      %dma_wait3A_217 = arith.constant 0 : i32
      %dma_wait3A_218 = tpu.memref_slice %arg3[%dma_wait3A_217] : memref<10240000xf32, #tpu.memory_space<hbm>> -> memref<3200xf32, #tpu.memory_space<hbm>>
      tpu.wait_dma2 semaphore(%arg20 : memref<!tpu.dma_semaphore, #tpu.memory_space<semaphore_mem>>) src(%dma_wait3A_218 : memref<3200xf32, #tpu.memory_space<hbm>>) dst(%arg14 : memref<3200xf32, #tpu.memory_space<vmem>>)
      %scan3A_219 = arith.constant 0 : i32
      %scan3A_220 = arith.constant 0 : i32
      %scan3A_221 = arith.constant 200 : i32
      %scan3A_222 = arith.addi %scan3A_220, %scan3A_221 : i32
      %scan3A_223 = arith.constant 1 : i32
      scf.for %scan3A_308 = %scan3A_220 to %scan3A_222 step %scan3A_223  : i32 {
        %mul3A_309 = arith.constant 16 : i32
        %mul3A_310 = arith.muli %scan3A_308, %mul3A_309 : i32
        %get3A = arith.index_cast %mul3A_310 : i32 to index
        %get3A_311 = tpu.vector_load %arg10[%get3A] {strides = array<i32>} : memref<3200xi32, #tpu.memory_space<vmem>>, vector<16xi32>,
        tpu.vector_store_idx %arg9[%get3A_311], %iota3A : memref<10240xi32, #tpu.memory_space<vmem>>[vector<16xi32>], vector<16xi32>,
        %gather3A = tpu.vector_load_idx %arg9[%get3A_311] : memref<10240xi32, #tpu.memory_space<vmem>>[vector<16xi32>], vector<16xi32>,
        %eq3A_312 = arith.cmpi eq, %gather3A, %iota3A : vector<16xi32>
        %mul3A_313 = arith.constant 16 : i32
        %mul3A_314 = arith.muli %scan3A_308, %mul3A_313 : i32
        %get3A_315 = arith.index_cast %mul3A_314 : i32 to index
        %get3A_316 = tpu.vector_load %arg11[%get3A_315] {strides = array<i32>} : memref<3200xf32, #tpu.memory_space<vmem>>, vector<16xf32>,
        %gather3A_317 = tpu.vector_load_idx %arg5[%get3A_311] : memref<10240xf32, #tpu.memory_space<vmem>>[vector<16xi32>], vector<16xf32>,
        %max3A = arith.maximumf %gather3A_317, %get3A_316 : vector<16xf32>
        tpu.vector_store_idx %arg5[%get3A_311], %max3A masked %eq3A_312 : memref<10240xf32, #tpu.memory_space<vmem>>[vector<16xi32>], vector<16xf32>, vector<16xi1>
        %mul3A_318 = arith.constant 16 : i32
        %mul3A_319 = arith.muli %scan3A_308, %mul3A_318 : i32
        %get3A_320 = arith.index_cast %mul3A_319 : i32 to index
        %get3A_321 = tpu.vector_load %arg12[%get3A_320] {strides = array<i32>} : memref<3200xf32, #tpu.memory_space<vmem>>, vector<16xf32>,
        %gather3A_322 = tpu.vector_load_idx %arg6[%get3A_311] : memref<10240xf32, #tpu.memory_space<vmem>>[vector<16xi32>], vector<16xf32>,
        %max3A_323 = arith.maximumf %gather3A_322, %get3A_321 : vector<16xf32>
        tpu.vector_store_idx %arg6[%get3A_311], %max3A_323 masked %eq3A_312 : memref<10240xf32, #tpu.memory_space<vmem>>[vector<16xi32>], vector<16xf32>, vector<16xi1>
        %mul3A_324 = arith.constant 16 : i32
        %mul3A_325 = arith.muli %scan3A_308, %mul3A_324 : i32
        %get3A_326 = arith.index_cast %mul3A_325 : i32 to index
        %get3A_327 = tpu.vector_load %arg13[%get3A_326] {strides = array<i32>} : memref<3200xf32, #tpu.memory_space<vmem>>, vector<16xf32>,
        %gather3A_328 = tpu.vector_load_idx %arg7[%get3A_311] : memref<10240xf32, #tpu.memory_space<vmem>>[vector<16xi32>], vector<16xf32>,
        %max3A_329 = arith.maximumf %gather3A_328, %get3A_327 : vector<16xf32>
        tpu.vector_store_idx %arg7[%get3A_311], %max3A_329 masked %eq3A_312 : memref<10240xf32, #tpu.memory_space<vmem>>[vector<16xi32>], vector<16xf32>, vector<16xi1>
        %mul3A_330 = arith.constant 16 : i32
        %mul3A_331 = arith.muli %scan3A_308, %mul3A_330 : i32
        %get3A_332 = arith.index_cast %mul3A_331 : i32 to index
        %get3A_333 = tpu.vector_load %arg14[%get3A_332] {strides = array<i32>} : memref<3200xf32, #tpu.memory_space<vmem>>, vector<16xf32>,
        %gather3A_334 = tpu.vector_load_idx %arg8[%get3A_311] : memref<10240xf32, #tpu.memory_space<vmem>>[vector<16xi32>], vector<16xf32>,
        %max3A_335 = arith.maximumf %gather3A_334, %get3A_333 : vector<16xf32>
        tpu.vector_store_idx %arg8[%get3A_311], %max3A_335 masked %eq3A_312 : memref<10240xf32, #tpu.memory_space<vmem>>[vector<16xi32>], vector<16xf32>, vector<16xi1>
        %not3A = arith.constant dense<true> : vector<16xi1>
        %not3A_336 = arith.xori %eq3A_312, %not3A : vector<16xi1>
        %while3A = scf.while (%while3A_337 = %not3A_336) : (vector<16xi1>) -> vector<16xi1> {
          %reduce_or3A = arith.constant 1.000000e+00 : f32
          %reduce_or3A_338 = arith.constant 0.000000e+00 : f32
          %reduce_or3A_339 = vector.broadcast %reduce_or3A : f32 to vector<16xf32>
          %reduce_or3A_340 = vector.broadcast %reduce_or3A_338 : f32 to vector<16xf32>
          %reduce_or3A_341 = arith.select %while3A_337, %reduce_or3A_339, %reduce_or3A_340 : vector<16xi1>, vector<16xf32>
          %reduce_or3A_342 = arith.constant true
          %reduce_or3A_343 = vector.broadcast %reduce_or3A_342 : i1 to vector<16xi1>
          %reduce_or3A_344 = tpu.scan <max>, %reduce_or3A_341 masked %reduce_or3A_343 : vector<16xf32>, vector<16xi1> -> vector<16xf32>
          %reduce_or3A_345 = vector.extract %reduce_or3A_344[15] : f32 from vector<16xf32>
          %reduce_or3A_346 = arith.constant 0.000000e+00 : f32
          %reduce_or3A_347 = arith.cmpf ogt, %reduce_or3A_345, %reduce_or3A_346 : f32
          scf.condition(%reduce_or3A_347) %while3A_337 : vector<16xi1>
        } do {
        ^bb0(%while3A_337: vector<16xi1>):
          tpu.vector_store_idx %arg9[%get3A_311], %iota3A masked %while3A_337 : memref<10240xi32, #tpu.memory_space<vmem>>[vector<16xi32>], vector<16xi32>, vector<16xi1>
          %gather3A_338 = tpu.vector_load_idx %arg9[%get3A_311] : memref<10240xi32, #tpu.memory_space<vmem>>[vector<16xi32>], vector<16xi32>,
          %eq3A_339 = arith.cmpi eq, %gather3A_338, %iota3A : vector<16xi32>
          %and3A_340 = arith.andi %while3A_337, %eq3A_339 : vector<16xi1>
          %gather3A_341 = tpu.vector_load_idx %arg5[%get3A_311] : memref<10240xf32, #tpu.memory_space<vmem>>[vector<16xi32>], vector<16xf32>,
          %max3A_342 = arith.maximumf %gather3A_341, %get3A_316 : vector<16xf32>
          tpu.vector_store_idx %arg5[%get3A_311], %max3A_342 masked %and3A_340 : memref<10240xf32, #tpu.memory_space<vmem>>[vector<16xi32>], vector<16xf32>, vector<16xi1>
          %gather3A_343 = tpu.vector_load_idx %arg6[%get3A_311] : memref<10240xf32, #tpu.memory_space<vmem>>[vector<16xi32>], vector<16xf32>,
          %max3A_344 = arith.maximumf %gather3A_343, %get3A_321 : vector<16xf32>
          tpu.vector_store_idx %arg6[%get3A_311], %max3A_344 masked %and3A_340 : memref<10240xf32, #tpu.memory_space<vmem>>[vector<16xi32>], vector<16xf32>, vector<16xi1>
          %gather3A_345 = tpu.vector_load_idx %arg7[%get3A_311] : memref<10240xf32, #tpu.memory_space<vmem>>[vector<16xi32>], vector<16xf32>,
          %max3A_346 = arith.maximumf %gather3A_345, %get3A_327 : vector<16xf32>
          tpu.vector_store_idx %arg7[%get3A_311], %max3A_346 masked %and3A_340 : memref<10240xf32, #tpu.memory_space<vmem>>[vector<16xi32>], vector<16xf32>, vector<16xi1>
          %gather3A_347 = tpu.vector_load_idx %arg8[%get3A_311] : memref<10240xf32, #tpu.memory_space<vmem>>[vector<16xi32>], vector<16xf32>,
          %max3A_348 = arith.maximumf %gather3A_347, %get3A_333 : vector<16xf32>
          tpu.vector_store_idx %arg8[%get3A_311], %max3A_348 masked %and3A_340 : memref<10240xf32, #tpu.memory_space<vmem>>[vector<16xi32>], vector<16xf32>, vector<16xi1>
          %not3A_349 = arith.constant dense<true> : vector<16xi1>
          %not3A_350 = arith.xori %and3A_340, %not3A_349 : vector<16xi1>
          %and3A_351 = arith.andi %while3A_337, %not3A_350 : vector<16xi1>
          scf.yield %and3A_351 : vector<16xi1>
        }
      }
      %scan3A_224 = arith.constant 200 : i32
      %mul3A_225 = arith.constant 2 : i32
      %mul3A_226 = arith.muli %mul3A_225, %scan3A_141 : i32
      %add3A_227 = arith.constant 2 : i32
      %add3A_228 = arith.addi %mul3A_226, %add3A_227 : i32
      %mul3A_229 = arith.constant 3200 : i32
      %mul3A_230 = arith.muli %add3A_228, %mul3A_229 : i32
      %add3A_231 = arith.addi %mul3A_32, %mul3A_230 : i32
      %dma_start3A_232 = tpu.memref_slice %arg2[%add3A_231] : memref<320000xi32, #tpu.memory_space<hbm>> -> memref<3200xi32, #tpu.memory_space<hbm>>
      %dma_start3A_233 = tpu.memref_slice %arg2[%add3A_231] : memref<320000xi32, #tpu.memory_space<hbm>> -> memref<3200xi32, #tpu.memory_space<hbm>>
      tpu.enqueue_dma source(%dma_start3A_233 : memref<3200xi32, #tpu.memory_space<hbm>>) target(%arg10 : memref<3200xi32, #tpu.memory_space<vmem>>) target_semaphore(%arg20 : memref<!tpu.dma_semaphore, #tpu.memory_space<semaphore_mem>>)
      %mul3A_234 = arith.constant 4 : i32
      %mul3A_235 = arith.muli %select_n3A_30, %mul3A_234 : i32
      %add3A_236 = arith.constant 0 : i32
      %add3A_237 = arith.addi %mul3A_235, %add3A_236 : i32
      %mul3A_238 = arith.constant 320000 : i32
      %mul3A_239 = arith.muli %add3A_237, %mul3A_238 : i32
      %add3A_240 = arith.addi %mul3A_239, %mul3A_32 : i32
      %mul3A_241 = arith.constant 3200 : i32
      %mul3A_242 = arith.muli %add3A_228, %mul3A_241 : i32
      %add3A_243 = arith.addi %add3A_240, %mul3A_242 : i32
      %dma_start3A_244 = tpu.memref_slice %arg3[%add3A_243] : memref<10240000xf32, #tpu.memory_space<hbm>> -> memref<3200xf32, #tpu.memory_space<hbm>>
      %dma_start3A_245 = tpu.memref_slice %arg3[%add3A_243] : memref<10240000xf32, #tpu.memory_space<hbm>> -> memref<3200xf32, #tpu.memory_space<hbm>>
      tpu.enqueue_dma source(%dma_start3A_245 : memref<3200xf32, #tpu.memory_space<hbm>>) target(%arg11 : memref<3200xf32, #tpu.memory_space<vmem>>) target_semaphore(%arg20 : memref<!tpu.dma_semaphore, #tpu.memory_space<semaphore_mem>>)
      %mul3A_246 = arith.constant 4 : i32
      %mul3A_247 = arith.muli %select_n3A_30, %mul3A_246 : i32
      %add3A_248 = arith.constant 1 : i32
      %add3A_249 = arith.addi %mul3A_247, %add3A_248 : i32
      %mul3A_250 = arith.constant 320000 : i32
      %mul3A_251 = arith.muli %add3A_249, %mul3A_250 : i32
      %add3A_252 = arith.addi %mul3A_251, %mul3A_32 : i32
      %mul3A_253 = arith.constant 3200 : i32
      %mul3A_254 = arith.muli %add3A_228, %mul3A_253 : i32
      %add3A_255 = arith.addi %add3A_252, %mul3A_254 : i32
      %dma_start3A_256 = tpu.memref_slice %arg3[%add3A_255] : memref<10240000xf32, #tpu.memory_space<hbm>> -> memref<3200xf32, #tpu.memory_space<hbm>>
      %dma_start3A_257 = tpu.memref_slice %arg3[%add3A_255] : memref<10240000xf32, #tpu.memory_space<hbm>> -> memref<3200xf32, #tpu.memory_space<hbm>>
      tpu.enqueue_dma source(%dma_start3A_257 : memref<3200xf32, #tpu.memory_space<hbm>>) target(%arg12 : memref<3200xf32, #tpu.memory_space<vmem>>) target_semaphore(%arg20 : memref<!tpu.dma_semaphore, #tpu.memory_space<semaphore_mem>>)
      %mul3A_258 = arith.constant 4 : i32
      %mul3A_259 = arith.muli %select_n3A_30, %mul3A_258 : i32
      %add3A_260 = arith.constant 2 : i32
      %add3A_261 = arith.addi %mul3A_259, %add3A_260 : i32
      %mul3A_262 = arith.constant 320000 : i32
      %mul3A_263 = arith.muli %add3A_261, %mul3A_262 : i32
      %add3A_264 = arith.addi %mul3A_263, %mul3A_32 : i32
      %mul3A_265 = arith.constant 3200 : i32
      %mul3A_266 = arith.muli %add3A_228, %mul3A_265 : i32
      %add3A_267 = arith.addi %add3A_264, %mul3A_266 : i32
      %dma_start3A_268 = tpu.memref_slice %arg3[%add3A_267] : memref<10240000xf32, #tpu.memory_space<hbm>> -> memref<3200xf32, #tpu.memory_space<hbm>>
      %dma_start3A_269 = tpu.memref_slice %arg3[%add3A_267] : memref<10240000xf32, #tpu.memory_space<hbm>> -> memref<3200xf32, #tpu.memory_space<hbm>>
      tpu.enqueue_dma source(%dma_start3A_269 : memref<3200xf32, #tpu.memory_space<hbm>>) target(%arg13 : memref<3200xf32, #tpu.memory_space<vmem>>) target_semaphore(%arg20 : memref<!tpu.dma_semaphore, #tpu.memory_space<semaphore_mem>>)
      %mul3A_270 = arith.constant 4 : i32
      %mul3A_271 = arith.muli %select_n3A_30, %mul3A_270 : i32
      %add3A_272 = arith.constant 3 : i32
      %add3A_273 = arith.addi %mul3A_271, %add3A_272 : i32
      %mul3A_274 = arith.constant 320000 : i32
      %mul3A_275 = arith.muli %add3A_273, %mul3A_274 : i32
      %add3A_276 = arith.addi %mul3A_275, %mul3A_32 : i32
      %mul3A_277 = arith.constant 3200 : i32
      %mul3A_278 = arith.muli %add3A_228, %mul3A_277 : i32
      %add3A_279 = arith.addi %add3A_276, %mul3A_278 : i32
      %dma_start3A_280 = tpu.memref_slice %arg3[%add3A_279] : memref<10240000xf32, #tpu.memory_space<hbm>> -> memref<3200xf32, #tpu.memory_space<hbm>>
      %dma_start3A_281 = tpu.memref_slice %arg3[%add3A_279] : memref<10240000xf32, #tpu.memory_space<hbm>> -> memref<3200xf32, #tpu.memory_space<hbm>>
      tpu.enqueue_dma source(%dma_start3A_281 : memref<3200xf32, #tpu.memory_space<hbm>>) target(%arg14 : memref<3200xf32, #tpu.memory_space<vmem>>) target_semaphore(%arg20 : memref<!tpu.dma_semaphore, #tpu.memory_space<semaphore_mem>>)
      %dma_wait3A_282 = arith.constant 0 : i32
      %dma_wait3A_283 = tpu.memref_slice %arg2[%dma_wait3A_282] : memref<320000xi32, #tpu.memory_space<hbm>> -> memref<3200xi32, #tpu.memory_space<hbm>>
      %dma_wait3A_284 = arith.constant 0 : i32
      %dma_wait3A_285 = tpu.memref_slice %arg2[%dma_wait3A_284] : memref<320000xi32, #tpu.memory_space<hbm>> -> memref<3200xi32, #tpu.memory_space<hbm>>
      tpu.wait_dma2 semaphore(%arg21 : memref<!tpu.dma_semaphore, #tpu.memory_space<semaphore_mem>>) src(%dma_wait3A_285 : memref<3200xi32, #tpu.memory_space<hbm>>) dst(%arg15 : memref<3200xi32, #tpu.memory_space<vmem>>)
      %dma_wait3A_286 = arith.constant 0 : i32
      %dma_wait3A_287 = tpu.memref_slice %arg3[%dma_wait3A_286] : memref<10240000xf32, #tpu.memory_space<hbm>> -> memref<3200xf32, #tpu.memory_space<hbm>>
      %dma_wait3A_288 = arith.constant 0 : i32
      %dma_wait3A_289 = tpu.memref_slice %arg3[%dma_wait3A_288] : memref<10240000xf32, #tpu.memory_space<hbm>> -> memref<3200xf32, #tpu.memory_space<hbm>>
      tpu.wait_dma2 semaphore(%arg21 : memref<!tpu.dma_semaphore, #tpu.memory_space<semaphore_mem>>) src(%dma_wait3A_289 : memref<3200xf32, #tpu.memory_space<hbm>>) dst(%arg16 : memref<3200xf32, #tpu.memory_space<vmem>>)
      %dma_wait3A_290 = arith.constant 0 : i32
      %dma_wait3A_291 = tpu.memref_slice %arg3[%dma_wait3A_290] : memref<10240000xf32, #tpu.memory_space<hbm>> -> memref<3200xf32, #tpu.memory_space<hbm>>
      %dma_wait3A_292 = arith.constant 0 : i32
      %dma_wait3A_293 = tpu.memref_slice %arg3[%dma_wait3A_292] : memref<10240000xf32, #tpu.memory_space<hbm>> -> memref<3200xf32, #tpu.memory_space<hbm>>
      tpu.wait_dma2 semaphore(%arg21 : memref<!tpu.dma_semaphore, #tpu.memory_space<semaphore_mem>>) src(%dma_wait3A_293 : memref<3200xf32, #tpu.memory_space<hbm>>) dst(%arg17 : memref<3200xf32, #tpu.memory_space<vmem>>)
      %dma_wait3A_294 = arith.constant 0 : i32
      %dma_wait3A_295 = tpu.memref_slice %arg3[%dma_wait3A_294] : memref<10240000xf32, #tpu.memory_space<hbm>> -> memref<3200xf32, #tpu.memory_space<hbm>>
      %dma_wait3A_296 = arith.constant 0 : i32
      %dma_wait3A_297 = tpu.memref_slice %arg3[%dma_wait3A_296] : memref<10240000xf32, #tpu.memory_space<hbm>> -> memref<3200xf32, #tpu.memory_space<hbm>>
      tpu.wait_dma2 semaphore(%arg21 : memref<!tpu.dma_semaphore, #tpu.memory_space<semaphore_mem>>) src(%dma_wait3A_297 : memref<3200xf32, #tpu.memory_space<hbm>>) dst(%arg18 : memref<3200xf32, #tpu.memory_space<vmem>>)
      %dma_wait3A_298 = arith.constant 0 : i32
      %dma_wait3A_299 = tpu.memref_slice %arg3[%dma_wait3A_298] : memref<10240000xf32, #tpu.memory_space<hbm>> -> memref<3200xf32, #tpu.memory_space<hbm>>
      %dma_wait3A_300 = arith.constant 0 : i32
      %dma_wait3A_301 = tpu.memref_slice %arg3[%dma_wait3A_300] : memref<10240000xf32, #tpu.memory_space<hbm>> -> memref<3200xf32, #tpu.memory_space<hbm>>
      tpu.wait_dma2 semaphore(%arg21 : memref<!tpu.dma_semaphore, #tpu.memory_space<semaphore_mem>>) src(%dma_wait3A_301 : memref<3200xf32, #tpu.memory_space<hbm>>) dst(%arg19 : memref<3200xf32, #tpu.memory_space<vmem>>)
      %scan3A_302 = arith.constant 0 : i32
      %scan3A_303 = arith.constant 0 : i32
      %scan3A_304 = arith.constant 200 : i32
      %scan3A_305 = arith.addi %scan3A_303, %scan3A_304 : i32
      %scan3A_306 = arith.constant 1 : i32
      scf.for %scan3A_308 = %scan3A_303 to %scan3A_305 step %scan3A_306  : i32 {
        %mul3A_309 = arith.constant 16 : i32
        %mul3A_310 = arith.muli %scan3A_308, %mul3A_309 : i32
        %get3A = arith.index_cast %mul3A_310 : i32 to index
        %get3A_311 = tpu.vector_load %arg15[%get3A] {strides = array<i32>} : memref<3200xi32, #tpu.memory_space<vmem>>, vector<16xi32>,
        tpu.vector_store_idx %arg9[%get3A_311], %iota3A : memref<10240xi32, #tpu.memory_space<vmem>>[vector<16xi32>], vector<16xi32>,
        %gather3A = tpu.vector_load_idx %arg9[%get3A_311] : memref<10240xi32, #tpu.memory_space<vmem>>[vector<16xi32>], vector<16xi32>,
        %eq3A_312 = arith.cmpi eq, %gather3A, %iota3A : vector<16xi32>
        %mul3A_313 = arith.constant 16 : i32
        %mul3A_314 = arith.muli %scan3A_308, %mul3A_313 : i32
        %get3A_315 = arith.index_cast %mul3A_314 : i32 to index
        %get3A_316 = tpu.vector_load %arg16[%get3A_315] {strides = array<i32>} : memref<3200xf32, #tpu.memory_space<vmem>>, vector<16xf32>,
        %gather3A_317 = tpu.vector_load_idx %arg5[%get3A_311] : memref<10240xf32, #tpu.memory_space<vmem>>[vector<16xi32>], vector<16xf32>,
        %max3A = arith.maximumf %gather3A_317, %get3A_316 : vector<16xf32>
        tpu.vector_store_idx %arg5[%get3A_311], %max3A masked %eq3A_312 : memref<10240xf32, #tpu.memory_space<vmem>>[vector<16xi32>], vector<16xf32>, vector<16xi1>
        %mul3A_318 = arith.constant 16 : i32
        %mul3A_319 = arith.muli %scan3A_308, %mul3A_318 : i32
        %get3A_320 = arith.index_cast %mul3A_319 : i32 to index
        %get3A_321 = tpu.vector_load %arg17[%get3A_320] {strides = array<i32>} : memref<3200xf32, #tpu.memory_space<vmem>>, vector<16xf32>,
        %gather3A_322 = tpu.vector_load_idx %arg6[%get3A_311] : memref<10240xf32, #tpu.memory_space<vmem>>[vector<16xi32>], vector<16xf32>,
        %max3A_323 = arith.maximumf %gather3A_322, %get3A_321 : vector<16xf32>
        tpu.vector_store_idx %arg6[%get3A_311], %max3A_323 masked %eq3A_312 : memref<10240xf32, #tpu.memory_space<vmem>>[vector<16xi32>], vector<16xf32>, vector<16xi1>
        %mul3A_324 = arith.constant 16 : i32
        %mul3A_325 = arith.muli %scan3A_308, %mul3A_324 : i32
        %get3A_326 = arith.index_cast %mul3A_325 : i32 to index
        %get3A_327 = tpu.vector_load %arg18[%get3A_326] {strides = array<i32>} : memref<3200xf32, #tpu.memory_space<vmem>>, vector<16xf32>,
        %gather3A_328 = tpu.vector_load_idx %arg7[%get3A_311] : memref<10240xf32, #tpu.memory_space<vmem>>[vector<16xi32>], vector<16xf32>,
        %max3A_329 = arith.maximumf %gather3A_328, %get3A_327 : vector<16xf32>
        tpu.vector_store_idx %arg7[%get3A_311], %max3A_329 masked %eq3A_312 : memref<10240xf32, #tpu.memory_space<vmem>>[vector<16xi32>], vector<16xf32>, vector<16xi1>
        %mul3A_330 = arith.constant 16 : i32
        %mul3A_331 = arith.muli %scan3A_308, %mul3A_330 : i32
        %get3A_332 = arith.index_cast %mul3A_331 : i32 to index
        %get3A_333 = tpu.vector_load %arg19[%get3A_332] {strides = array<i32>} : memref<3200xf32, #tpu.memory_space<vmem>>, vector<16xf32>,
        %gather3A_334 = tpu.vector_load_idx %arg8[%get3A_311] : memref<10240xf32, #tpu.memory_space<vmem>>[vector<16xi32>], vector<16xf32>,
        %max3A_335 = arith.maximumf %gather3A_334, %get3A_333 : vector<16xf32>
        tpu.vector_store_idx %arg8[%get3A_311], %max3A_335 masked %eq3A_312 : memref<10240xf32, #tpu.memory_space<vmem>>[vector<16xi32>], vector<16xf32>, vector<16xi1>
        %not3A = arith.constant dense<true> : vector<16xi1>
        %not3A_336 = arith.xori %eq3A_312, %not3A : vector<16xi1>
        %while3A = scf.while (%while3A_337 = %not3A_336) : (vector<16xi1>) -> vector<16xi1> {
          %reduce_or3A = arith.constant 1.000000e+00 : f32
          %reduce_or3A_338 = arith.constant 0.000000e+00 : f32
          %reduce_or3A_339 = vector.broadcast %reduce_or3A : f32 to vector<16xf32>
          %reduce_or3A_340 = vector.broadcast %reduce_or3A_338 : f32 to vector<16xf32>
          %reduce_or3A_341 = arith.select %while3A_337, %reduce_or3A_339, %reduce_or3A_340 : vector<16xi1>, vector<16xf32>
          %reduce_or3A_342 = arith.constant true
          %reduce_or3A_343 = vector.broadcast %reduce_or3A_342 : i1 to vector<16xi1>
          %reduce_or3A_344 = tpu.scan <max>, %reduce_or3A_341 masked %reduce_or3A_343 : vector<16xf32>, vector<16xi1> -> vector<16xf32>
          %reduce_or3A_345 = vector.extract %reduce_or3A_344[15] : f32 from vector<16xf32>
          %reduce_or3A_346 = arith.constant 0.000000e+00 : f32
          %reduce_or3A_347 = arith.cmpf ogt, %reduce_or3A_345, %reduce_or3A_346 : f32
          scf.condition(%reduce_or3A_347) %while3A_337 : vector<16xi1>
        } do {
        ^bb0(%while3A_337: vector<16xi1>):
          tpu.vector_store_idx %arg9[%get3A_311], %iota3A masked %while3A_337 : memref<10240xi32, #tpu.memory_space<vmem>>[vector<16xi32>], vector<16xi32>, vector<16xi1>
          %gather3A_338 = tpu.vector_load_idx %arg9[%get3A_311] : memref<10240xi32, #tpu.memory_space<vmem>>[vector<16xi32>], vector<16xi32>,
          %eq3A_339 = arith.cmpi eq, %gather3A_338, %iota3A : vector<16xi32>
          %and3A_340 = arith.andi %while3A_337, %eq3A_339 : vector<16xi1>
          %gather3A_341 = tpu.vector_load_idx %arg5[%get3A_311] : memref<10240xf32, #tpu.memory_space<vmem>>[vector<16xi32>], vector<16xf32>,
          %max3A_342 = arith.maximumf %gather3A_341, %get3A_316 : vector<16xf32>
          tpu.vector_store_idx %arg5[%get3A_311], %max3A_342 masked %and3A_340 : memref<10240xf32, #tpu.memory_space<vmem>>[vector<16xi32>], vector<16xf32>, vector<16xi1>
          %gather3A_343 = tpu.vector_load_idx %arg6[%get3A_311] : memref<10240xf32, #tpu.memory_space<vmem>>[vector<16xi32>], vector<16xf32>,
          %max3A_344 = arith.maximumf %gather3A_343, %get3A_321 : vector<16xf32>
          tpu.vector_store_idx %arg6[%get3A_311], %max3A_344 masked %and3A_340 : memref<10240xf32, #tpu.memory_space<vmem>>[vector<16xi32>], vector<16xf32>, vector<16xi1>
          %gather3A_345 = tpu.vector_load_idx %arg7[%get3A_311] : memref<10240xf32, #tpu.memory_space<vmem>>[vector<16xi32>], vector<16xf32>,
          %max3A_346 = arith.maximumf %gather3A_345, %get3A_327 : vector<16xf32>
          tpu.vector_store_idx %arg7[%get3A_311], %max3A_346 masked %and3A_340 : memref<10240xf32, #tpu.memory_space<vmem>>[vector<16xi32>], vector<16xf32>, vector<16xi1>
          %gather3A_347 = tpu.vector_load_idx %arg8[%get3A_311] : memref<10240xf32, #tpu.memory_space<vmem>>[vector<16xi32>], vector<16xf32>,
          %max3A_348 = arith.maximumf %gather3A_347, %get3A_333 : vector<16xf32>
          tpu.vector_store_idx %arg8[%get3A_311], %max3A_348 masked %and3A_340 : memref<10240xf32, #tpu.memory_space<vmem>>[vector<16xi32>], vector<16xf32>, vector<16xi1>
          %not3A_349 = arith.constant dense<true> : vector<16xi1>
          %not3A_350 = arith.xori %and3A_340, %not3A_349 : vector<16xi1>
          %and3A_351 = arith.andi %while3A_337, %not3A_350 : vector<16xi1>
          scf.yield %and3A_351 : vector<16xi1>
        }
      }
      %scan3A_307 = arith.constant 200 : i32
    }
    %scan3A_91 = arith.constant 12 : i32
    %dma_wait3A = arith.constant 0 : i32
    %dma_wait3A_92 = tpu.memref_slice %arg2[%dma_wait3A] : memref<320000xi32, #tpu.memory_space<hbm>> -> memref<3200xi32, #tpu.memory_space<hbm>>
    %dma_wait3A_93 = arith.constant 0 : i32
    %dma_wait3A_94 = tpu.memref_slice %arg2[%dma_wait3A_93] : memref<320000xi32, #tpu.memory_space<hbm>> -> memref<3200xi32, #tpu.memory_space<hbm>>
    tpu.wait_dma2 semaphore(%arg20 : memref<!tpu.dma_semaphore, #tpu.memory_space<semaphore_mem>>) src(%dma_wait3A_94 : memref<3200xi32, #tpu.memory_space<hbm>>) dst(%arg10 : memref<3200xi32, #tpu.memory_space<vmem>>)
    %dma_wait3A_95 = arith.constant 0 : i32
    %dma_wait3A_96 = tpu.memref_slice %arg3[%dma_wait3A_95] : memref<10240000xf32, #tpu.memory_space<hbm>> -> memref<3200xf32, #tpu.memory_space<hbm>>
    %dma_wait3A_97 = arith.constant 0 : i32
    %dma_wait3A_98 = tpu.memref_slice %arg3[%dma_wait3A_97] : memref<10240000xf32, #tpu.memory_space<hbm>> -> memref<3200xf32, #tpu.memory_space<hbm>>
    tpu.wait_dma2 semaphore(%arg20 : memref<!tpu.dma_semaphore, #tpu.memory_space<semaphore_mem>>) src(%dma_wait3A_98 : memref<3200xf32, #tpu.memory_space<hbm>>) dst(%arg11 : memref<3200xf32, #tpu.memory_space<vmem>>)
    %dma_wait3A_99 = arith.constant 0 : i32
    %dma_wait3A_100 = tpu.memref_slice %arg3[%dma_wait3A_99] : memref<10240000xf32, #tpu.memory_space<hbm>> -> memref<3200xf32, #tpu.memory_space<hbm>>
    %dma_wait3A_101 = arith.constant 0 : i32
    %dma_wait3A_102 = tpu.memref_slice %arg3[%dma_wait3A_101] : memref<10240000xf32, #tpu.memory_space<hbm>> -> memref<3200xf32, #tpu.memory_space<hbm>>
    tpu.wait_dma2 semaphore(%arg20 : memref<!tpu.dma_semaphore, #tpu.memory_space<semaphore_mem>>) src(%dma_wait3A_102 : memref<3200xf32, #tpu.memory_space<hbm>>) dst(%arg12 : memref<3200xf32, #tpu.memory_space<vmem>>)
    %dma_wait3A_103 = arith.constant 0 : i32
    %dma_wait3A_104 = tpu.memref_slice %arg3[%dma_wait3A_103] : memref<10240000xf32, #tpu.memory_space<hbm>> -> memref<3200xf32, #tpu.memory_space<hbm>>
    %dma_wait3A_105 = arith.constant 0 : i32
    %dma_wait3A_106 = tpu.memref_slice %arg3[%dma_wait3A_105] : memref<10240000xf32, #tpu.memory_space<hbm>> -> memref<3200xf32, #tpu.memory_space<hbm>>
    tpu.wait_dma2 semaphore(%arg20 : memref<!tpu.dma_semaphore, #tpu.memory_space<semaphore_mem>>) src(%dma_wait3A_106 : memref<3200xf32, #tpu.memory_space<hbm>>) dst(%arg13 : memref<3200xf32, #tpu.memory_space<vmem>>)
    %dma_wait3A_107 = arith.constant 0 : i32
    %dma_wait3A_108 = tpu.memref_slice %arg3[%dma_wait3A_107] : memref<10240000xf32, #tpu.memory_space<hbm>> -> memref<3200xf32, #tpu.memory_space<hbm>>
    %dma_wait3A_109 = arith.constant 0 : i32
    %dma_wait3A_110 = tpu.memref_slice %arg3[%dma_wait3A_109] : memref<10240000xf32, #tpu.memory_space<hbm>> -> memref<3200xf32, #tpu.memory_space<hbm>>
    tpu.wait_dma2 semaphore(%arg20 : memref<!tpu.dma_semaphore, #tpu.memory_space<semaphore_mem>>) src(%dma_wait3A_110 : memref<3200xf32, #tpu.memory_space<hbm>>) dst(%arg14 : memref<3200xf32, #tpu.memory_space<vmem>>)
    %scan3A_111 = arith.constant 0 : i32
    %scan3A_112 = arith.constant 0 : i32
    %scan3A_113 = arith.constant 200 : i32
    %scan3A_114 = arith.addi %scan3A_112, %scan3A_113 : i32
    %scan3A_115 = arith.constant 1 : i32
    scf.for %scan3A_141 = %scan3A_112 to %scan3A_114 step %scan3A_115  : i32 {
      %mul3A_142 = arith.constant 16 : i32
      %mul3A_143 = arith.muli %scan3A_141, %mul3A_142 : i32
      %get3A = arith.index_cast %mul3A_143 : i32 to index
      %get3A_144 = tpu.vector_load %arg10[%get3A] {strides = array<i32>} : memref<3200xi32, #tpu.memory_space<vmem>>, vector<16xi32>,
      tpu.vector_store_idx %arg9[%get3A_144], %iota3A : memref<10240xi32, #tpu.memory_space<vmem>>[vector<16xi32>], vector<16xi32>,
      %gather3A = tpu.vector_load_idx %arg9[%get3A_144] : memref<10240xi32, #tpu.memory_space<vmem>>[vector<16xi32>], vector<16xi32>,
      %eq3A_145 = arith.cmpi eq, %gather3A, %iota3A : vector<16xi32>
      %mul3A_146 = arith.constant 16 : i32
      %mul3A_147 = arith.muli %scan3A_141, %mul3A_146 : i32
      %get3A_148 = arith.index_cast %mul3A_147 : i32 to index
      %get3A_149 = tpu.vector_load %arg11[%get3A_148] {strides = array<i32>} : memref<3200xf32, #tpu.memory_space<vmem>>, vector<16xf32>,
      %gather3A_150 = tpu.vector_load_idx %arg5[%get3A_144] : memref<10240xf32, #tpu.memory_space<vmem>>[vector<16xi32>], vector<16xf32>,
      %max3A = arith.maximumf %gather3A_150, %get3A_149 : vector<16xf32>
      tpu.vector_store_idx %arg5[%get3A_144], %max3A masked %eq3A_145 : memref<10240xf32, #tpu.memory_space<vmem>>[vector<16xi32>], vector<16xf32>, vector<16xi1>
      %mul3A_151 = arith.constant 16 : i32
      %mul3A_152 = arith.muli %scan3A_141, %mul3A_151 : i32
      %get3A_153 = arith.index_cast %mul3A_152 : i32 to index
      %get3A_154 = tpu.vector_load %arg12[%get3A_153] {strides = array<i32>} : memref<3200xf32, #tpu.memory_space<vmem>>, vector<16xf32>,
      %gather3A_155 = tpu.vector_load_idx %arg6[%get3A_144] : memref<10240xf32, #tpu.memory_space<vmem>>[vector<16xi32>], vector<16xf32>,
      %max3A_156 = arith.maximumf %gather3A_155, %get3A_154 : vector<16xf32>
      tpu.vector_store_idx %arg6[%get3A_144], %max3A_156 masked %eq3A_145 : memref<10240xf32, #tpu.memory_space<vmem>>[vector<16xi32>], vector<16xf32>, vector<16xi1>
      %mul3A_157 = arith.constant 16 : i32
      %mul3A_158 = arith.muli %scan3A_141, %mul3A_157 : i32
      %get3A_159 = arith.index_cast %mul3A_158 : i32 to index
      %get3A_160 = tpu.vector_load %arg13[%get3A_159] {strides = array<i32>} : memref<3200xf32, #tpu.memory_space<vmem>>, vector<16xf32>,
      %gather3A_161 = tpu.vector_load_idx %arg7[%get3A_144] : memref<10240xf32, #tpu.memory_space<vmem>>[vector<16xi32>], vector<16xf32>,
      %max3A_162 = arith.maximumf %gather3A_161, %get3A_160 : vector<16xf32>
      tpu.vector_store_idx %arg7[%get3A_144], %max3A_162 masked %eq3A_145 : memref<10240xf32, #tpu.memory_space<vmem>>[vector<16xi32>], vector<16xf32>, vector<16xi1>
      %mul3A_163 = arith.constant 16 : i32
      %mul3A_164 = arith.muli %scan3A_141, %mul3A_163 : i32
      %get3A_165 = arith.index_cast %mul3A_164 : i32 to index
      %get3A_166 = tpu.vector_load %arg14[%get3A_165] {strides = array<i32>} : memref<3200xf32, #tpu.memory_space<vmem>>, vector<16xf32>,
      %gather3A_167 = tpu.vector_load_idx %arg8[%get3A_144] : memref<10240xf32, #tpu.memory_space<vmem>>[vector<16xi32>], vector<16xf32>,
      %max3A_168 = arith.maximumf %gather3A_167, %get3A_166 : vector<16xf32>
      tpu.vector_store_idx %arg8[%get3A_144], %max3A_168 masked %eq3A_145 : memref<10240xf32, #tpu.memory_space<vmem>>[vector<16xi32>], vector<16xf32>, vector<16xi1>
      %not3A = arith.constant dense<true> : vector<16xi1>
      %not3A_169 = arith.xori %eq3A_145, %not3A : vector<16xi1>
      %while3A = scf.while (%while3A_170 = %not3A_169) : (vector<16xi1>) -> vector<16xi1> {
        %reduce_or3A = arith.constant 1.000000e+00 : f32
        %reduce_or3A_171 = arith.constant 0.000000e+00 : f32
        %reduce_or3A_172 = vector.broadcast %reduce_or3A : f32 to vector<16xf32>
        %reduce_or3A_173 = vector.broadcast %reduce_or3A_171 : f32 to vector<16xf32>
        %reduce_or3A_174 = arith.select %while3A_170, %reduce_or3A_172, %reduce_or3A_173 : vector<16xi1>, vector<16xf32>
        %reduce_or3A_175 = arith.constant true
        %reduce_or3A_176 = vector.broadcast %reduce_or3A_175 : i1 to vector<16xi1>
        %reduce_or3A_177 = tpu.scan <max>, %reduce_or3A_174 masked %reduce_or3A_176 : vector<16xf32>, vector<16xi1> -> vector<16xf32>
        %reduce_or3A_178 = vector.extract %reduce_or3A_177[15] : f32 from vector<16xf32>
        %reduce_or3A_179 = arith.constant 0.000000e+00 : f32
        %reduce_or3A_180 = arith.cmpf ogt, %reduce_or3A_178, %reduce_or3A_179 : f32
        scf.condition(%reduce_or3A_180) %while3A_170 : vector<16xi1>
      } do {
      ^bb0(%while3A_170: vector<16xi1>):
        tpu.vector_store_idx %arg9[%get3A_144], %iota3A masked %while3A_170 : memref<10240xi32, #tpu.memory_space<vmem>>[vector<16xi32>], vector<16xi32>, vector<16xi1>
        %gather3A_171 = tpu.vector_load_idx %arg9[%get3A_144] : memref<10240xi32, #tpu.memory_space<vmem>>[vector<16xi32>], vector<16xi32>,
        %eq3A_172 = arith.cmpi eq, %gather3A_171, %iota3A : vector<16xi32>
        %and3A_173 = arith.andi %while3A_170, %eq3A_172 : vector<16xi1>
        %gather3A_174 = tpu.vector_load_idx %arg5[%get3A_144] : memref<10240xf32, #tpu.memory_space<vmem>>[vector<16xi32>], vector<16xf32>,
        %max3A_175 = arith.maximumf %gather3A_174, %get3A_149 : vector<16xf32>
        tpu.vector_store_idx %arg5[%get3A_144], %max3A_175 masked %and3A_173 : memref<10240xf32, #tpu.memory_space<vmem>>[vector<16xi32>], vector<16xf32>, vector<16xi1>
        %gather3A_176 = tpu.vector_load_idx %arg6[%get3A_144] : memref<10240xf32, #tpu.memory_space<vmem>>[vector<16xi32>], vector<16xf32>,
        %max3A_177 = arith.maximumf %gather3A_176, %get3A_154 : vector<16xf32>
        tpu.vector_store_idx %arg6[%get3A_144], %max3A_177 masked %and3A_173 : memref<10240xf32, #tpu.memory_space<vmem>>[vector<16xi32>], vector<16xf32>, vector<16xi1>
        %gather3A_178 = tpu.vector_load_idx %arg7[%get3A_144] : memref<10240xf32, #tpu.memory_space<vmem>>[vector<16xi32>], vector<16xf32>,
        %max3A_179 = arith.maximumf %gather3A_178, %get3A_160 : vector<16xf32>
        tpu.vector_store_idx %arg7[%get3A_144], %max3A_179 masked %and3A_173 : memref<10240xf32, #tpu.memory_space<vmem>>[vector<16xi32>], vector<16xf32>, vector<16xi1>
        %gather3A_180 = tpu.vector_load_idx %arg8[%get3A_144] : memref<10240xf32, #tpu.memory_space<vmem>>[vector<16xi32>], vector<16xf32>,
        %max3A_181 = arith.maximumf %gather3A_180, %get3A_166 : vector<16xf32>
        tpu.vector_store_idx %arg8[%get3A_144], %max3A_181 masked %and3A_173 : memref<10240xf32, #tpu.memory_space<vmem>>[vector<16xi32>], vector<16xf32>, vector<16xi1>
        %not3A_182 = arith.constant dense<true> : vector<16xi1>
        %not3A_183 = arith.xori %and3A_173, %not3A_182 : vector<16xi1>
        %and3A_184 = arith.andi %while3A_170, %not3A_183 : vector<16xi1>
        scf.yield %and3A_184 : vector<16xi1>
      }
    }
    %scan3A_116 = arith.constant 200 : i32
    %mul3A_117 = arith.constant 4 : i32
    %mul3A_118 = arith.muli %add3A, %mul3A_117 : i32
    %add3A_119 = arith.constant 0 : i32
    %add3A_120 = arith.addi %mul3A_118, %add3A_119 : i32
    %mul3A_121 = arith.constant 10240 : i32
    %mul3A_122 = arith.muli %add3A_120, %mul3A_121 : i32
    "tpu.region"() ({
      %run_scoped3A = tpu.sem_alloc : memref<!tpu.dma_semaphore, #tpu.memory_space<semaphore_mem>>
      %dma_start3A_141 = tpu.memref_slice %arg4[%mul3A_122] : memref<1310720xf32, #tpu.memory_space<hbm>> -> memref<10240xf32, #tpu.memory_space<hbm>>
      %dma_start3A_142 = tpu.memref_slice %arg4[%mul3A_122] : memref<1310720xf32, #tpu.memory_space<hbm>> -> memref<10240xf32, #tpu.memory_space<hbm>>
      tpu.enqueue_dma source(%arg5 : memref<10240xf32, #tpu.memory_space<vmem>>) target(%dma_start3A_142 : memref<10240xf32, #tpu.memory_space<hbm>>) target_semaphore(%run_scoped3A : memref<!tpu.dma_semaphore, #tpu.memory_space<semaphore_mem>>)
      %dma_wait3A_143 = tpu.memref_slice %arg4[%mul3A_122] : memref<1310720xf32, #tpu.memory_space<hbm>> -> memref<10240xf32, #tpu.memory_space<hbm>>
      %dma_wait3A_144 = tpu.memref_slice %arg4[%mul3A_122] : memref<1310720xf32, #tpu.memory_space<hbm>> -> memref<10240xf32, #tpu.memory_space<hbm>>
      tpu.wait_dma2 semaphore(%run_scoped3A : memref<!tpu.dma_semaphore, #tpu.memory_space<semaphore_mem>>) src(%arg5 : memref<10240xf32, #tpu.memory_space<vmem>>) dst(%dma_wait3A_144 : memref<10240xf32, #tpu.memory_space<hbm>>)
      tpu.yield
    }) : () -> ()
    %mul3A_123 = arith.constant 4 : i32
    %mul3A_124 = arith.muli %add3A, %mul3A_123 : i32
    %add3A_125 = arith.constant 1 : i32
    %add3A_126 = arith.addi %mul3A_124, %add3A_125 : i32
    %mul3A_127 = arith.constant 10240 : i32
    %mul3A_128 = arith.muli %add3A_126, %mul3A_127 : i32
    "tpu.region"() ({
      %run_scoped3A = tpu.sem_alloc : memref<!tpu.dma_semaphore, #tpu.memory_space<semaphore_mem>>
      %dma_start3A_141 = tpu.memref_slice %arg4[%mul3A_128] : memref<1310720xf32, #tpu.memory_space<hbm>> -> memref<10240xf32, #tpu.memory_space<hbm>>
      %dma_start3A_142 = tpu.memref_slice %arg4[%mul3A_128] : memref<1310720xf32, #tpu.memory_space<hbm>> -> memref<10240xf32, #tpu.memory_space<hbm>>
      tpu.enqueue_dma source(%arg6 : memref<10240xf32, #tpu.memory_space<vmem>>) target(%dma_start3A_142 : memref<10240xf32, #tpu.memory_space<hbm>>) target_semaphore(%run_scoped3A : memref<!tpu.dma_semaphore, #tpu.memory_space<semaphore_mem>>)
      %dma_wait3A_143 = tpu.memref_slice %arg4[%mul3A_128] : memref<1310720xf32, #tpu.memory_space<hbm>> -> memref<10240xf32, #tpu.memory_space<hbm>>
      %dma_wait3A_144 = tpu.memref_slice %arg4[%mul3A_128] : memref<1310720xf32, #tpu.memory_space<hbm>> -> memref<10240xf32, #tpu.memory_space<hbm>>
      tpu.wait_dma2 semaphore(%run_scoped3A : memref<!tpu.dma_semaphore, #tpu.memory_space<semaphore_mem>>) src(%arg6 : memref<10240xf32, #tpu.memory_space<vmem>>) dst(%dma_wait3A_144 : memref<10240xf32, #tpu.memory_space<hbm>>)
      tpu.yield
    }) : () -> ()
    %mul3A_129 = arith.constant 4 : i32
    %mul3A_130 = arith.muli %add3A, %mul3A_129 : i32
    %add3A_131 = arith.constant 2 : i32
    %add3A_132 = arith.addi %mul3A_130, %add3A_131 : i32
    %mul3A_133 = arith.constant 10240 : i32
    %mul3A_134 = arith.muli %add3A_132, %mul3A_133 : i32
    "tpu.region"() ({
      %run_scoped3A = tpu.sem_alloc : memref<!tpu.dma_semaphore, #tpu.memory_space<semaphore_mem>>
      %dma_start3A_141 = tpu.memref_slice %arg4[%mul3A_134] : memref<1310720xf32, #tpu.memory_space<hbm>> -> memref<10240xf32, #tpu.memory_space<hbm>>
      %dma_start3A_142 = tpu.memref_slice %arg4[%mul3A_134] : memref<1310720xf32, #tpu.memory_space<hbm>> -> memref<10240xf32, #tpu.memory_space<hbm>>
      tpu.enqueue_dma source(%arg7 : memref<10240xf32, #tpu.memory_space<vmem>>) target(%dma_start3A_142 : memref<10240xf32, #tpu.memory_space<hbm>>) target_semaphore(%run_scoped3A : memref<!tpu.dma_semaphore, #tpu.memory_space<semaphore_mem>>)
      %dma_wait3A_143 = tpu.memref_slice %arg4[%mul3A_134] : memref<1310720xf32, #tpu.memory_space<hbm>> -> memref<10240xf32, #tpu.memory_space<hbm>>
      %dma_wait3A_144 = tpu.memref_slice %arg4[%mul3A_134] : memref<1310720xf32, #tpu.memory_space<hbm>> -> memref<10240xf32, #tpu.memory_space<hbm>>
      tpu.wait_dma2 semaphore(%run_scoped3A : memref<!tpu.dma_semaphore, #tpu.memory_space<semaphore_mem>>) src(%arg7 : memref<10240xf32, #tpu.memory_space<vmem>>) dst(%dma_wait3A_144 : memref<10240xf32, #tpu.memory_space<hbm>>)
      tpu.yield
    }) : () -> ()
    %mul3A_135 = arith.constant 4 : i32
    %mul3A_136 = arith.muli %add3A, %mul3A_135 : i32
    %add3A_137 = arith.constant 3 : i32
    %add3A_138 = arith.addi %mul3A_136, %add3A_137 : i32
    %mul3A_139 = arith.constant 10240 : i32
    %mul3A_140 = arith.muli %add3A_138, %mul3A_139 : i32
    "tpu.region"() ({
      %run_scoped3A = tpu.sem_alloc : memref<!tpu.dma_semaphore, #tpu.memory_space<semaphore_mem>>
      %dma_start3A_141 = tpu.memref_slice %arg4[%mul3A_140] : memref<1310720xf32, #tpu.memory_space<hbm>> -> memref<10240xf32, #tpu.memory_space<hbm>>
      %dma_start3A_142 = tpu.memref_slice %arg4[%mul3A_140] : memref<1310720xf32, #tpu.memory_space<hbm>> -> memref<10240xf32, #tpu.memory_space<hbm>>
      tpu.enqueue_dma source(%arg8 : memref<10240xf32, #tpu.memory_space<vmem>>) target(%dma_start3A_142 : memref<10240xf32, #tpu.memory_space<hbm>>) target_semaphore(%run_scoped3A : memref<!tpu.dma_semaphore, #tpu.memory_space<semaphore_mem>>)
      %dma_wait3A_143 = tpu.memref_slice %arg4[%mul3A_140] : memref<1310720xf32, #tpu.memory_space<hbm>> -> memref<10240xf32, #tpu.memory_space<hbm>>
      %dma_wait3A_144 = tpu.memref_slice %arg4[%mul3A_140] : memref<1310720xf32, #tpu.memory_space<hbm>> -> memref<10240xf32, #tpu.memory_space<hbm>>
      tpu.wait_dma2 semaphore(%run_scoped3A : memref<!tpu.dma_semaphore, #tpu.memory_space<semaphore_mem>>) src(%arg8 : memref<10240xf32, #tpu.memory_space<vmem>>) dst(%dma_wait3A_144 : memref<10240xf32, #tpu.memory_space<hbm>>)
      tpu.yield
    }) : () -> ()
    return
  }
}

module attributes {stable_mosaic.version = 14 : i64} {
  func.func @_a2_body(%arg0: i32, %arg1: memref<1024x128xf32, #tpu.memory_space<vmem>>, %arg2: memref<128x32xf32, #tpu.memory_space<vmem>>, %arg3: memref<32x1xf32, #tpu.memory_space<vmem>>, %arg4: memref<32x1024xf32, #tpu.memory_space<vmem>>) attributes {dimension_semantics = [#tpu.dimension_semantics<arbitrary>], iteration_bounds = array<i64: 10>, scalar_prefetch = 0 : i64, scratch_operands = 0 : i64, tpu.core_type = #tpu.core_type<tc>, window_params = [{transform_indices = @transform_0, window_bounds = array<i64: 1024, 128>}, {pipeline_mode = #tpu.pipeline_mode<synchronous>, transform_indices = @transform_1, window_bounds = array<i64: 128, 32>}, {pipeline_mode = #tpu.pipeline_mode<synchronous>, transform_indices = @transform_2, window_bounds = array<i64: 32, 1>}, {transform_indices = @transform_3, window_bounds = array<i64: 32, 1024>}]} {
    %get3A = arith.constant 0 : index
    %get3A_0 = arith.constant 0 : index
    %get3A_1 = vector.load %arg2[%get3A, %get3A_0] : memref<128x32xf32, #tpu.memory_space<vmem>>, vector<128x32xf32>
    %get3A_2 = arith.constant 0 : index
    %get3A_3 = arith.constant 0 : index
    %get3A_4 = vector.load %arg1[%get3A_2, %get3A_3] : memref<1024x128xf32, #tpu.memory_space<vmem>>, vector<1024x128xf32>
    %dot_general3A = arith.constant dense<0.000000e+00> : vector<32x1024xf32>
    %dot_general3A_5 = tpu.matmul %get3A_1, %get3A_4, %dot_general3A {dimension_numbers = #tpu.dot_dimension_numbers<[0], [1], [1], [0], [0, 1, 1, 0], [], []>, transpose_lhs_hint = false} : vector<128x32xf32>, vector<1024x128xf32>, vector<32x1024xf32> -> vector<32x1024xf32>
    %get3A_6 = arith.constant 0 : index
    %get3A_7 = arith.constant 0 : index
    %get3A_8 = vector.load %arg3[%get3A_6, %get3A_7] : memref<32x1xf32, #tpu.memory_space<vmem>>, vector<32x1xf32>
    %add3A = vector.broadcast %get3A_8 : vector<32x1xf32> to vector<32x1024xf32>
    %add3A_9 = arith.addf %dot_general3A_5, %add3A : vector<32x1024xf32>
    %swap3A = arith.constant 0 : index
    %swap3A_10 = arith.constant 0 : index
    %swap3A_11 = vector.load %arg4[%swap3A, %swap3A_10] : memref<32x1024xf32, #tpu.memory_space<vmem>>, vector<32x1024xf32>
    tpu.vector_store %arg4[%swap3A, %swap3A_10], %add3A_9 {strides = array<i32>} : memref<32x1024xf32, #tpu.memory_space<vmem>>, vector<32x1024xf32>,
    return
  }
  func.func @transform_0(%arg0: i32) -> (i32, i32) {
    %c0_i32 = arith.constant 0 : i32
    %c0_i32_0 = arith.constant 0 : i32
    return %arg0, %c0_i32 : i32, i32
  }
  func.func @transform_1(%arg0: i32) -> (i32, i32) {
    %c0_i32 = arith.constant 0 : i32
    %c0_i32_0 = arith.constant 0 : i32
    %c0_i32_1 = arith.constant 0 : i32
    return %c0_i32, %c0_i32_0 : i32, i32
  }
  func.func @transform_2(%arg0: i32) -> (i32, i32) {
    %c0_i32 = arith.constant 0 : i32
    %c0_i32_0 = arith.constant 0 : i32
    %c0_i32_1 = arith.constant 0 : i32
    return %c0_i32, %c0_i32_0 : i32, i32
  }
  func.func @transform_3(%arg0: i32) -> (i32, i32) {
    %c0_i32 = arith.constant 0 : i32
    %c0_i32_0 = arith.constant 0 : i32
    return %c0_i32, %arg0 : i32, i32
  }
}

module attributes {stable_mosaic.version = 14 : i64} {
  func.func @_edge_mlp_body(%arg0: i32, %arg1: memref<32x6400xf32, #tpu.memory_space<vmem>>, %arg2: memref<6x6400xf32, #tpu.memory_space<vmem>>, %arg3: memref<4x32xf32, #tpu.memory_space<vmem>>, %arg4: memref<32x32xf32, #tpu.memory_space<vmem>>, %arg5: memref<32x6400xf32, #tpu.memory_space<vmem>>) attributes {dimension_semantics = [#tpu.dimension_semantics<arbitrary>], iteration_bounds = array<i64: 50>, scalar_prefetch = 0 : i64, scratch_operands = 0 : i64, tpu.core_type = #tpu.core_type<tc>, window_params = [{transform_indices = @transform_0, window_bounds = array<i64: 32, 6400>}, {transform_indices = @transform_1, window_bounds = array<i64: 6, 6400>}, {pipeline_mode = #tpu.pipeline_mode<synchronous>, transform_indices = @transform_2, window_bounds = array<i64: 4, 32>}, {pipeline_mode = #tpu.pipeline_mode<synchronous>, transform_indices = @transform_3, window_bounds = array<i64: 32, 32>}, {transform_indices = @transform_4, window_bounds = array<i64: 32, 6400>}]} {
    %get3A = arith.constant 0 : index
    %get3A_0 = arith.constant 0 : index
    %get3A_1 = vector.load %arg2[%get3A, %get3A_0] : memref<6x6400xf32, #tpu.memory_space<vmem>>, vector<6x6400xf32>
    %slice3A = vector.extract_strided_slice %get3A_1 {offsets = [0, 0], sizes = [1, 6400], strides = [1, 1]} : vector<6x6400xf32> to vector<1x6400xf32>
    %slice3A_2 = vector.extract_strided_slice %get3A_1 {offsets = [1, 0], sizes = [1, 6400], strides = [1, 1]} : vector<6x6400xf32> to vector<1x6400xf32>
    %slice3A_3 = vector.extract_strided_slice %get3A_1 {offsets = [2, 0], sizes = [1, 6400], strides = [1, 1]} : vector<6x6400xf32> to vector<1x6400xf32>
    %slice3A_4 = vector.extract_strided_slice %get3A_1 {offsets = [3, 0], sizes = [1, 6400], strides = [1, 1]} : vector<6x6400xf32> to vector<1x6400xf32>
    %slice3A_5 = vector.extract_strided_slice %get3A_1 {offsets = [4, 0], sizes = [1, 6400], strides = [1, 1]} : vector<6x6400xf32> to vector<1x6400xf32>
    %slice3A_6 = vector.extract_strided_slice %get3A_1 {offsets = [5, 0], sizes = [1, 6400], strides = [1, 1]} : vector<6x6400xf32> to vector<1x6400xf32>
    %sqrt3A = math.sqrt %slice3A : vector<1x6400xf32>
    %mul3A = arith.mulf %slice3A_5, %slice3A : vector<1x6400xf32>
    %mul3A_7 = arith.mulf %slice3A_2, %slice3A_2 : vector<1x6400xf32>
    %sub3A = arith.subf %mul3A, %mul3A_7 : vector<1x6400xf32>
    %max3A = arith.constant 0.000000e+00 : f32
    %max3A_8 = vector.broadcast %max3A : f32 to vector<1x6400xf32>
    %max3A_9 = arith.maximumf %sub3A, %max3A_8 : vector<1x6400xf32>
    %sqrt3A_10 = math.sqrt %max3A_9 : vector<1x6400xf32>
    %abs3A = math.absf %slice3A_2 : vector<1x6400xf32>
    %max3A_11 = arith.maximumf %sqrt3A_10, %abs3A : vector<1x6400xf32>
    %min3A = arith.minimumf %sqrt3A_10, %abs3A : vector<1x6400xf32>
    %max3A_12 = arith.constant 9.99999991E-38 : f32
    %max3A_13 = vector.broadcast %max3A_12 : f32 to vector<1x6400xf32>
    %max3A_14 = arith.maximumf %max3A_11, %max3A_13 : vector<1x6400xf32>
    %div3A = arith.divf %min3A, %max3A_14 : vector<1x6400xf32>
    %mul3A_15 = arith.mulf %div3A, %div3A : vector<1x6400xf32>
    %mul3A_16 = arith.constant 0.00290188403 : f32
    %mul3A_17 = vector.broadcast %mul3A_16 : f32 to vector<1x6400xf32>
    %mul3A_18 = arith.mulf %mul3A_17, %mul3A_15 : vector<1x6400xf32>
    %sub3A_19 = arith.constant 0.0162980128 : f32
    %sub3A_20 = vector.broadcast %sub3A_19 : f32 to vector<1x6400xf32>
    %sub3A_21 = arith.subf %mul3A_18, %sub3A_20 : vector<1x6400xf32>
    %mul3A_22 = arith.mulf %sub3A_21, %mul3A_15 : vector<1x6400xf32>
    %add3A = arith.constant 0.0430512764 : f32
    %add3A_23 = vector.broadcast %add3A : f32 to vector<1x6400xf32>
    %add3A_24 = arith.addf %mul3A_22, %add3A_23 : vector<1x6400xf32>
    %mul3A_25 = arith.mulf %add3A_24, %mul3A_15 : vector<1x6400xf32>
    %sub3A_26 = arith.constant 0.0753037706 : f32
    %sub3A_27 = vector.broadcast %sub3A_26 : f32 to vector<1x6400xf32>
    %sub3A_28 = arith.subf %mul3A_25, %sub3A_27 : vector<1x6400xf32>
    %mul3A_29 = arith.mulf %sub3A_28, %mul3A_15 : vector<1x6400xf32>
    %add3A_30 = arith.constant 0.106554382 : f32
    %add3A_31 = vector.broadcast %add3A_30 : f32 to vector<1x6400xf32>
    %add3A_32 = arith.addf %mul3A_29, %add3A_31 : vector<1x6400xf32>
    %mul3A_33 = arith.mulf %add3A_32, %mul3A_15 : vector<1x6400xf32>
    %sub3A_34 = arith.constant 0.142077863 : f32
    %sub3A_35 = vector.broadcast %sub3A_34 : f32 to vector<1x6400xf32>
    %sub3A_36 = arith.subf %mul3A_33, %sub3A_35 : vector<1x6400xf32>
    %mul3A_37 = arith.mulf %sub3A_36, %mul3A_15 : vector<1x6400xf32>
    %add3A_38 = arith.constant 0.199926391 : f32
    %add3A_39 = vector.broadcast %add3A_38 : f32 to vector<1x6400xf32>
    %add3A_40 = arith.addf %mul3A_37, %add3A_39 : vector<1x6400xf32>
    %mul3A_41 = arith.mulf %add3A_40, %mul3A_15 : vector<1x6400xf32>
    %sub3A_42 = arith.constant 0.333331019 : f32
    %sub3A_43 = vector.broadcast %sub3A_42 : f32 to vector<1x6400xf32>
    %sub3A_44 = arith.subf %mul3A_41, %sub3A_43 : vector<1x6400xf32>
    %mul3A_45 = arith.mulf %div3A, %mul3A_15 : vector<1x6400xf32>
    %mul3A_46 = arith.mulf %mul3A_45, %sub3A_44 : vector<1x6400xf32>
    %add3A_47 = arith.addf %div3A, %mul3A_46 : vector<1x6400xf32>
    %gt3A = arith.cmpf ogt, %sqrt3A_10, %abs3A : vector<1x6400xf32>
    %sub3A_48 = arith.constant 1.57079637 : f32
    %sub3A_49 = vector.broadcast %sub3A_48 : f32 to vector<1x6400xf32>
    %sub3A_50 = arith.subf %sub3A_49, %add3A_47 : vector<1x6400xf32>
    %select_n3A = arith.select %gt3A, %sub3A_50, %add3A_47 : vector<1x6400xi1>, vector<1x6400xf32>
    %lt3A = arith.constant 0.000000e+00 : f32
    %lt3A_51 = vector.broadcast %lt3A : f32 to vector<1x6400xf32>
    %lt3A_52 = arith.cmpf olt, %slice3A_2, %lt3A_51 : vector<1x6400xf32>
    %sub3A_53 = arith.constant 3.14159274 : f32
    %sub3A_54 = vector.broadcast %sub3A_53 : f32 to vector<1x6400xf32>
    %sub3A_55 = arith.subf %sub3A_54, %select_n3A : vector<1x6400xf32>
    %select_n3A_56 = arith.select %lt3A_52, %sub3A_55, %select_n3A : vector<1x6400xi1>, vector<1x6400xf32>
    %eq3A = arith.constant 0.000000e+00 : f32
    %eq3A_57 = vector.broadcast %eq3A : f32 to vector<1x6400xf32>
    %eq3A_58 = arith.cmpf oeq, %sqrt3A_10, %eq3A_57 : vector<1x6400xf32>
    %eq3A_59 = arith.constant 0.000000e+00 : f32
    %eq3A_60 = vector.broadcast %eq3A_59 : f32 to vector<1x6400xf32>
    %eq3A_61 = arith.cmpf oeq, %slice3A_2, %eq3A_60 : vector<1x6400xf32>
    %and3A = arith.andi %eq3A_58, %eq3A_61 : vector<1x6400xi1>
    %jit3A = arith.constant 0.000000e+00 : f32
    %broadcast_in_dim3A = vector.broadcast %jit3A : f32 to vector<1x6400xf32>
    %select_n3A_62 = arith.select %and3A, %broadcast_in_dim3A, %select_n3A_56 : vector<1x6400xi1>, vector<1x6400xf32>
    %mul3A_63 = arith.mulf %slice3A_6, %slice3A : vector<1x6400xf32>
    %mul3A_64 = arith.mulf %slice3A_3, %slice3A_3 : vector<1x6400xf32>
    %sub3A_65 = arith.subf %mul3A_63, %mul3A_64 : vector<1x6400xf32>
    %max3A_66 = arith.constant 0.000000e+00 : f32
    %max3A_67 = vector.broadcast %max3A_66 : f32 to vector<1x6400xf32>
    %max3A_68 = arith.maximumf %sub3A_65, %max3A_67 : vector<1x6400xf32>
    %sqrt3A_69 = math.sqrt %max3A_68 : vector<1x6400xf32>
    %abs3A_70 = math.absf %slice3A_3 : vector<1x6400xf32>
    %max3A_71 = arith.maximumf %sqrt3A_69, %abs3A_70 : vector<1x6400xf32>
    %min3A_72 = arith.minimumf %sqrt3A_69, %abs3A_70 : vector<1x6400xf32>
    %max3A_73 = arith.constant 9.99999991E-38 : f32
    %max3A_74 = vector.broadcast %max3A_73 : f32 to vector<1x6400xf32>
    %max3A_75 = arith.maximumf %max3A_71, %max3A_74 : vector<1x6400xf32>
    %div3A_76 = arith.divf %min3A_72, %max3A_75 : vector<1x6400xf32>
    %mul3A_77 = arith.mulf %div3A_76, %div3A_76 : vector<1x6400xf32>
    %mul3A_78 = arith.constant 0.00290188403 : f32
    %mul3A_79 = vector.broadcast %mul3A_78 : f32 to vector<1x6400xf32>
    %mul3A_80 = arith.mulf %mul3A_79, %mul3A_77 : vector<1x6400xf32>
    %sub3A_81 = arith.constant 0.0162980128 : f32
    %sub3A_82 = vector.broadcast %sub3A_81 : f32 to vector<1x6400xf32>
    %sub3A_83 = arith.subf %mul3A_80, %sub3A_82 : vector<1x6400xf32>
    %mul3A_84 = arith.mulf %sub3A_83, %mul3A_77 : vector<1x6400xf32>
    %add3A_85 = arith.constant 0.0430512764 : f32
    %add3A_86 = vector.broadcast %add3A_85 : f32 to vector<1x6400xf32>
    %add3A_87 = arith.addf %mul3A_84, %add3A_86 : vector<1x6400xf32>
    %mul3A_88 = arith.mulf %add3A_87, %mul3A_77 : vector<1x6400xf32>
    %sub3A_89 = arith.constant 0.0753037706 : f32
    %sub3A_90 = vector.broadcast %sub3A_89 : f32 to vector<1x6400xf32>
    %sub3A_91 = arith.subf %mul3A_88, %sub3A_90 : vector<1x6400xf32>
    %mul3A_92 = arith.mulf %sub3A_91, %mul3A_77 : vector<1x6400xf32>
    %add3A_93 = arith.constant 0.106554382 : f32
    %add3A_94 = vector.broadcast %add3A_93 : f32 to vector<1x6400xf32>
    %add3A_95 = arith.addf %mul3A_92, %add3A_94 : vector<1x6400xf32>
    %mul3A_96 = arith.mulf %add3A_95, %mul3A_77 : vector<1x6400xf32>
    %sub3A_97 = arith.constant 0.142077863 : f32
    %sub3A_98 = vector.broadcast %sub3A_97 : f32 to vector<1x6400xf32>
    %sub3A_99 = arith.subf %mul3A_96, %sub3A_98 : vector<1x6400xf32>
    %mul3A_100 = arith.mulf %sub3A_99, %mul3A_77 : vector<1x6400xf32>
    %add3A_101 = arith.constant 0.199926391 : f32
    %add3A_102 = vector.broadcast %add3A_101 : f32 to vector<1x6400xf32>
    %add3A_103 = arith.addf %mul3A_100, %add3A_102 : vector<1x6400xf32>
    %mul3A_104 = arith.mulf %add3A_103, %mul3A_77 : vector<1x6400xf32>
    %sub3A_105 = arith.constant 0.333331019 : f32
    %sub3A_106 = vector.broadcast %sub3A_105 : f32 to vector<1x6400xf32>
    %sub3A_107 = arith.subf %mul3A_104, %sub3A_106 : vector<1x6400xf32>
    %mul3A_108 = arith.mulf %div3A_76, %mul3A_77 : vector<1x6400xf32>
    %mul3A_109 = arith.mulf %mul3A_108, %sub3A_107 : vector<1x6400xf32>
    %add3A_110 = arith.addf %div3A_76, %mul3A_109 : vector<1x6400xf32>
    %gt3A_111 = arith.cmpf ogt, %sqrt3A_69, %abs3A_70 : vector<1x6400xf32>
    %sub3A_112 = arith.constant 1.57079637 : f32
    %sub3A_113 = vector.broadcast %sub3A_112 : f32 to vector<1x6400xf32>
    %sub3A_114 = arith.subf %sub3A_113, %add3A_110 : vector<1x6400xf32>
    %select_n3A_115 = arith.select %gt3A_111, %sub3A_114, %add3A_110 : vector<1x6400xi1>, vector<1x6400xf32>
    %lt3A_116 = arith.constant 0.000000e+00 : f32
    %lt3A_117 = vector.broadcast %lt3A_116 : f32 to vector<1x6400xf32>
    %lt3A_118 = arith.cmpf olt, %slice3A_3, %lt3A_117 : vector<1x6400xf32>
    %sub3A_119 = arith.constant 3.14159274 : f32
    %sub3A_120 = vector.broadcast %sub3A_119 : f32 to vector<1x6400xf32>
    %sub3A_121 = arith.subf %sub3A_120, %select_n3A_115 : vector<1x6400xf32>
    %select_n3A_122 = arith.select %lt3A_118, %sub3A_121, %select_n3A_115 : vector<1x6400xi1>, vector<1x6400xf32>
    %eq3A_123 = arith.constant 0.000000e+00 : f32
    %eq3A_124 = vector.broadcast %eq3A_123 : f32 to vector<1x6400xf32>
    %eq3A_125 = arith.cmpf oeq, %sqrt3A_69, %eq3A_124 : vector<1x6400xf32>
    %eq3A_126 = arith.constant 0.000000e+00 : f32
    %eq3A_127 = vector.broadcast %eq3A_126 : f32 to vector<1x6400xf32>
    %eq3A_128 = arith.cmpf oeq, %slice3A_3, %eq3A_127 : vector<1x6400xf32>
    %and3A_129 = arith.andi %eq3A_125, %eq3A_128 : vector<1x6400xi1>
    %jit3A_130 = arith.constant 0.000000e+00 : f32
    %broadcast_in_dim3A_131 = vector.broadcast %jit3A_130 : f32 to vector<1x6400xf32>
    %select_n3A_132 = arith.select %and3A_129, %broadcast_in_dim3A_131, %select_n3A_122 : vector<1x6400xi1>, vector<1x6400xf32>
    %mul3A_133 = arith.mulf %slice3A_5, %slice3A_6 : vector<1x6400xf32>
    %mul3A_134 = arith.mulf %slice3A_4, %slice3A_4 : vector<1x6400xf32>
    %sub3A_135 = arith.subf %mul3A_133, %mul3A_134 : vector<1x6400xf32>
    %max3A_136 = arith.constant 0.000000e+00 : f32
    %max3A_137 = vector.broadcast %max3A_136 : f32 to vector<1x6400xf32>
    %max3A_138 = arith.maximumf %sub3A_135, %max3A_137 : vector<1x6400xf32>
    %sqrt3A_139 = math.sqrt %max3A_138 : vector<1x6400xf32>
    %abs3A_140 = math.absf %slice3A_4 : vector<1x6400xf32>
    %max3A_141 = arith.maximumf %sqrt3A_139, %abs3A_140 : vector<1x6400xf32>
    %min3A_142 = arith.minimumf %sqrt3A_139, %abs3A_140 : vector<1x6400xf32>
    %max3A_143 = arith.constant 9.99999991E-38 : f32
    %max3A_144 = vector.broadcast %max3A_143 : f32 to vector<1x6400xf32>
    %max3A_145 = arith.maximumf %max3A_141, %max3A_144 : vector<1x6400xf32>
    %div3A_146 = arith.divf %min3A_142, %max3A_145 : vector<1x6400xf32>
    %mul3A_147 = arith.mulf %div3A_146, %div3A_146 : vector<1x6400xf32>
    %mul3A_148 = arith.constant 0.00290188403 : f32
    %mul3A_149 = vector.broadcast %mul3A_148 : f32 to vector<1x6400xf32>
    %mul3A_150 = arith.mulf %mul3A_149, %mul3A_147 : vector<1x6400xf32>
    %sub3A_151 = arith.constant 0.0162980128 : f32
    %sub3A_152 = vector.broadcast %sub3A_151 : f32 to vector<1x6400xf32>
    %sub3A_153 = arith.subf %mul3A_150, %sub3A_152 : vector<1x6400xf32>
    %mul3A_154 = arith.mulf %sub3A_153, %mul3A_147 : vector<1x6400xf32>
    %add3A_155 = arith.constant 0.0430512764 : f32
    %add3A_156 = vector.broadcast %add3A_155 : f32 to vector<1x6400xf32>
    %add3A_157 = arith.addf %mul3A_154, %add3A_156 : vector<1x6400xf32>
    %mul3A_158 = arith.mulf %add3A_157, %mul3A_147 : vector<1x6400xf32>
    %sub3A_159 = arith.constant 0.0753037706 : f32
    %sub3A_160 = vector.broadcast %sub3A_159 : f32 to vector<1x6400xf32>
    %sub3A_161 = arith.subf %mul3A_158, %sub3A_160 : vector<1x6400xf32>
    %mul3A_162 = arith.mulf %sub3A_161, %mul3A_147 : vector<1x6400xf32>
    %add3A_163 = arith.constant 0.106554382 : f32
    %add3A_164 = vector.broadcast %add3A_163 : f32 to vector<1x6400xf32>
    %add3A_165 = arith.addf %mul3A_162, %add3A_164 : vector<1x6400xf32>
    %mul3A_166 = arith.mulf %add3A_165, %mul3A_147 : vector<1x6400xf32>
    %sub3A_167 = arith.constant 0.142077863 : f32
    %sub3A_168 = vector.broadcast %sub3A_167 : f32 to vector<1x6400xf32>
    %sub3A_169 = arith.subf %mul3A_166, %sub3A_168 : vector<1x6400xf32>
    %mul3A_170 = arith.mulf %sub3A_169, %mul3A_147 : vector<1x6400xf32>
    %add3A_171 = arith.constant 0.199926391 : f32
    %add3A_172 = vector.broadcast %add3A_171 : f32 to vector<1x6400xf32>
    %add3A_173 = arith.addf %mul3A_170, %add3A_172 : vector<1x6400xf32>
    %mul3A_174 = arith.mulf %add3A_173, %mul3A_147 : vector<1x6400xf32>
    %sub3A_175 = arith.constant 0.333331019 : f32
    %sub3A_176 = vector.broadcast %sub3A_175 : f32 to vector<1x6400xf32>
    %sub3A_177 = arith.subf %mul3A_174, %sub3A_176 : vector<1x6400xf32>
    %mul3A_178 = arith.mulf %div3A_146, %mul3A_147 : vector<1x6400xf32>
    %mul3A_179 = arith.mulf %mul3A_178, %sub3A_177 : vector<1x6400xf32>
    %add3A_180 = arith.addf %div3A_146, %mul3A_179 : vector<1x6400xf32>
    %gt3A_181 = arith.cmpf ogt, %sqrt3A_139, %abs3A_140 : vector<1x6400xf32>
    %sub3A_182 = arith.constant 1.57079637 : f32
    %sub3A_183 = vector.broadcast %sub3A_182 : f32 to vector<1x6400xf32>
    %sub3A_184 = arith.subf %sub3A_183, %add3A_180 : vector<1x6400xf32>
    %select_n3A_185 = arith.select %gt3A_181, %sub3A_184, %add3A_180 : vector<1x6400xi1>, vector<1x6400xf32>
    %lt3A_186 = arith.constant 0.000000e+00 : f32
    %lt3A_187 = vector.broadcast %lt3A_186 : f32 to vector<1x6400xf32>
    %lt3A_188 = arith.cmpf olt, %slice3A_4, %lt3A_187 : vector<1x6400xf32>
    %sub3A_189 = arith.constant 3.14159274 : f32
    %sub3A_190 = vector.broadcast %sub3A_189 : f32 to vector<1x6400xf32>
    %sub3A_191 = arith.subf %sub3A_190, %select_n3A_185 : vector<1x6400xf32>
    %select_n3A_192 = arith.select %lt3A_188, %sub3A_191, %select_n3A_185 : vector<1x6400xi1>, vector<1x6400xf32>
    %eq3A_193 = arith.constant 0.000000e+00 : f32
    %eq3A_194 = vector.broadcast %eq3A_193 : f32 to vector<1x6400xf32>
    %eq3A_195 = arith.cmpf oeq, %sqrt3A_139, %eq3A_194 : vector<1x6400xf32>
    %eq3A_196 = arith.constant 0.000000e+00 : f32
    %eq3A_197 = vector.broadcast %eq3A_196 : f32 to vector<1x6400xf32>
    %eq3A_198 = arith.cmpf oeq, %slice3A_4, %eq3A_197 : vector<1x6400xf32>
    %and3A_199 = arith.andi %eq3A_195, %eq3A_198 : vector<1x6400xi1>
    %jit3A_200 = arith.constant 0.000000e+00 : f32
    %broadcast_in_dim3A_201 = vector.broadcast %jit3A_200 : f32 to vector<1x6400xf32>
    %select_n3A_202 = arith.select %and3A_199, %broadcast_in_dim3A_201, %select_n3A_192 : vector<1x6400xi1>, vector<1x6400xf32>
    %concatenate3A = tpu.concatenate %sqrt3A, %select_n3A_62, %select_n3A_132, %select_n3A_202 in 0 : vector<1x6400xf32>, vector<1x6400xf32>, vector<1x6400xf32>, vector<1x6400xf32> -> vector<4x6400xf32>
    %get3A_203 = arith.constant 0 : index
    %get3A_204 = arith.constant 0 : index
    %get3A_205 = vector.load %arg1[%get3A_203, %get3A_204] : memref<32x6400xf32, #tpu.memory_space<vmem>>, vector<32x6400xf32>
    %get3A_206 = arith.constant 0 : index
    %get3A_207 = arith.constant 0 : index
    %get3A_208 = vector.load %arg3[%get3A_206, %get3A_207] : memref<4x32xf32, #tpu.memory_space<vmem>>, vector<4x32xf32>
    %dot_general3A = arith.constant dense<0.000000e+00> : vector<32x6400xf32>
    %dot_general3A_209 = tpu.matmul %get3A_208, %concatenate3A, %dot_general3A {dimension_numbers = #tpu.dot_dimension_numbers<[0], [0], [1], [1], [0, 1, 1, 1], [], []>, transpose_lhs_hint = false} : vector<4x32xf32>, vector<4x6400xf32>, vector<32x6400xf32> -> vector<32x6400xf32>
    %add3A_210 = arith.addf %get3A_205, %dot_general3A_209 : vector<32x6400xf32>
    %max3A_211 = arith.constant 0.000000e+00 : f32
    %max3A_212 = vector.broadcast %max3A_211 : f32 to vector<32x6400xf32>
    %max3A_213 = arith.maximumf %add3A_210, %max3A_212 : vector<32x6400xf32>
    %get3A_214 = arith.constant 0 : index
    %get3A_215 = arith.constant 0 : index
    %get3A_216 = vector.load %arg4[%get3A_214, %get3A_215] : memref<32x32xf32, #tpu.memory_space<vmem>>, vector<32x32xf32>
    %dot_general3A_217 = arith.constant dense<0.000000e+00> : vector<32x6400xf32>
    %dot_general3A_218 = tpu.matmul %get3A_216, %max3A_213, %dot_general3A_217 {dimension_numbers = #tpu.dot_dimension_numbers<[0], [0], [1], [1], [0, 1, 1, 1], [], []>, transpose_lhs_hint = false} : vector<32x32xf32>, vector<32x6400xf32>, vector<32x6400xf32> -> vector<32x6400xf32>
    %swap3A = arith.constant 0 : index
    %swap3A_219 = arith.constant 0 : index
    %swap3A_220 = vector.load %arg5[%swap3A, %swap3A_219] : memref<32x6400xf32, #tpu.memory_space<vmem>>, vector<32x6400xf32>
    tpu.vector_store %arg5[%swap3A, %swap3A_219], %dot_general3A_218 {strides = array<i32>} : memref<32x6400xf32, #tpu.memory_space<vmem>>, vector<32x6400xf32>,
    return
  }
  func.func @transform_0(%arg0: i32) -> (i32, i32) {
    %c0_i32 = arith.constant 0 : i32
    %c0_i32_0 = arith.constant 0 : i32
    return %c0_i32, %arg0 : i32, i32
  }
  func.func @transform_1(%arg0: i32) -> (i32, i32) {
    %c0_i32 = arith.constant 0 : i32
    %c0_i32_0 = arith.constant 0 : i32
    return %c0_i32, %arg0 : i32, i32
  }
  func.func @transform_2(%arg0: i32) -> (i32, i32) {
    %c0_i32 = arith.constant 0 : i32
    %c0_i32_0 = arith.constant 0 : i32
    %c0_i32_1 = arith.constant 0 : i32
    return %c0_i32, %c0_i32_0 : i32, i32
  }
  func.func @transform_3(%arg0: i32) -> (i32, i32) {
    %c0_i32 = arith.constant 0 : i32
    %c0_i32_0 = arith.constant 0 : i32
    %c0_i32_1 = arith.constant 0 : i32
    return %c0_i32, %c0_i32_0 : i32, i32
  }
  func.func @transform_4(%arg0: i32) -> (i32, i32) {
    %c0_i32 = arith.constant 0 : i32
    %c0_i32_0 = arith.constant 0 : i32
    return %c0_i32, %arg0 : i32, i32
  }
}

module attributes {stable_mosaic.version = 14 : i64} {
  func.func @_out_mlp_body(%arg0: i32, %arg1: memref<4x32x1024xf32, #tpu.memory_space<vmem>>, %arg2: memref<1x32xf32, #tpu.memory_space<vmem>>, %arg3: memref<32x32xf32, #tpu.memory_space<vmem>>, %arg4: memref<1x32xf32, #tpu.memory_space<vmem>>, %arg5: memref<1x32xf32, #tpu.memory_space<vmem>>, %arg6: memref<1x32xf32, #tpu.memory_space<vmem>>, %arg7: memref<32x128xf32, #tpu.memory_space<vmem>>, %arg8: memref<1x128xf32, #tpu.memory_space<vmem>>, %arg9: memref<1024x128xf32, #tpu.memory_space<vmem>>, %arg10: memref<1x2xf32, #tpu.memory_space<vmem>>, %arg11: memref<2xf32, #tpu.memory_space<smem>>) attributes {dimension_semantics = [#tpu.dimension_semantics<arbitrary>], iteration_bounds = array<i64: 10>, scalar_prefetch = 0 : i64, scratch_operands = 1 : i64, tpu.core_type = #tpu.core_type<tc>, window_params = [{transform_indices = @transform_0, window_bounds = array<i64: 4, 32, 1024>}, {pipeline_mode = #tpu.pipeline_mode<synchronous>, transform_indices = @transform_1, window_bounds = array<i64: 1, 32>}, {pipeline_mode = #tpu.pipeline_mode<synchronous>, transform_indices = @transform_2, window_bounds = array<i64: 32, 32>}, {pipeline_mode = #tpu.pipeline_mode<synchronous>, transform_indices = @transform_3, window_bounds = array<i64: 1, 32>}, {pipeline_mode = #tpu.pipeline_mode<synchronous>, transform_indices = @transform_4, window_bounds = array<i64: 1, 32>}, {pipeline_mode = #tpu.pipeline_mode<synchronous>, transform_indices = @transform_5, window_bounds = array<i64: 1, 32>}, {pipeline_mode = #tpu.pipeline_mode<synchronous>, transform_indices = @transform_6, window_bounds = array<i64: 32, 128>}, {pipeline_mode = #tpu.pipeline_mode<synchronous>, transform_indices = @transform_7, window_bounds = array<i64: 1, 128>}, {transform_indices = @transform_8, window_bounds = array<i64: 1024, 128>}, {pipeline_mode = #tpu.pipeline_mode<synchronous>, transform_indices = @transform_9, window_bounds = array<i64: 1, 2>}]} {
    %get3A = arith.constant 0 : index
    %get3A_0 = arith.constant 0 : index
    %get3A_1 = arith.constant 0 : index
    %get3A_2 = vector.load %arg1[%get3A, %get3A_0, %get3A_1] : memref<4x32x1024xf32, #tpu.memory_space<vmem>>, vector<4x32x1024xf32>
    %reduce_max3A = arith.constant dense<0xFF800000> : vector<32x1024xf32>
    %reduce_max3A_3 = vector.multi_reduction <maximumf>, %get3A_2, %reduce_max3A [0] : vector<4x32x1024xf32> to vector<32x1024xf32>
    %transpose3A = tpu.transpose %reduce_max3A_3, [1, 0] : vector<32x1024xf32> -> vector<1024x32xf32>
    %gt3A = arith.constant -9.99999968E+37 : f32
    %gt3A_4 = vector.broadcast %gt3A : f32 to vector<1024x32xf32>
    %gt3A_5 = arith.cmpf ogt, %transpose3A, %gt3A_4 : vector<1024x32xf32>
    %get3A_6 = arith.constant 0 : index
    %get3A_7 = arith.constant 0 : index
    %get3A_8 = vector.load %arg2[%get3A_6, %get3A_7] : memref<1x32xf32, #tpu.memory_space<vmem>>, vector<1x32xf32>
    %add3A = vector.broadcast %get3A_8 : vector<1x32xf32> to vector<1024x32xf32>
    %add3A_9 = arith.addf %transpose3A, %add3A : vector<1024x32xf32>
    %jit3A = arith.constant 0.000000e+00 : f32
    %broadcast_in_dim3A = vector.broadcast %jit3A : f32 to vector<1024x32xf32>
    %select_n3A = arith.select %gt3A_5, %add3A_9, %broadcast_in_dim3A : vector<1024x32xi1>, vector<1024x32xf32>
    %get3A_10 = arith.constant 0 : index
    %get3A_11 = arith.constant 0 : index
    %get3A_12 = vector.load %arg3[%get3A_10, %get3A_11] : memref<32x32xf32, #tpu.memory_space<vmem>>, vector<32x32xf32>
    %dot_general3A = arith.constant dense<0.000000e+00> : vector<1024x32xf32>
    %dot_general3A_13 = tpu.matmul %select_n3A, %get3A_12, %dot_general3A {dimension_numbers = #tpu.dot_dimension_numbers<[1], [0], [0], [1], [0, 0, 1, 1], [], []>, transpose_lhs_hint = false} : vector<1024x32xf32>, vector<32x32xf32>, vector<1024x32xf32> -> vector<1024x32xf32>
    %get3A_14 = arith.constant 0 : index
    %get3A_15 = arith.constant 0 : index
    %get3A_16 = vector.load %arg4[%get3A_14, %get3A_15] : memref<1x32xf32, #tpu.memory_space<vmem>>, vector<1x32xf32>
    %add3A_17 = vector.broadcast %get3A_16 : vector<1x32xf32> to vector<1024x32xf32>
    %add3A_18 = arith.addf %dot_general3A_13, %add3A_17 : vector<1024x32xf32>
    %get3A_19 = arith.constant 0 : index
    %get3A_20 = arith.constant 0 : index
    %get3A_21 = vector.load %arg5[%get3A_19, %get3A_20] : memref<1x32xf32, #tpu.memory_space<vmem>>, vector<1x32xf32>
    %mul3A = vector.broadcast %get3A_21 : vector<1x32xf32> to vector<1024x32xf32>
    %mul3A_22 = arith.mulf %add3A_18, %mul3A : vector<1024x32xf32>
    %get3A_23 = arith.constant 0 : index
    %get3A_24 = arith.constant 0 : index
    %get3A_25 = vector.load %arg6[%get3A_23, %get3A_24] : memref<1x32xf32, #tpu.memory_space<vmem>>, vector<1x32xf32>
    %add3A_26 = vector.broadcast %get3A_25 : vector<1x32xf32> to vector<1024x32xf32>
    %add3A_27 = arith.addf %mul3A_22, %add3A_26 : vector<1024x32xf32>
    %max3A = arith.constant 0.000000e+00 : f32
    %max3A_28 = vector.broadcast %max3A : f32 to vector<1024x32xf32>
    %max3A_29 = arith.maximumf %add3A_27, %max3A_28 : vector<1024x32xf32>
    %get3A_30 = arith.constant 0 : index
    %get3A_31 = arith.constant 0 : index
    %get3A_32 = vector.load %arg7[%get3A_30, %get3A_31] : memref<32x128xf32, #tpu.memory_space<vmem>>, vector<32x128xf32>
    %dot_general3A_33 = arith.constant dense<0.000000e+00> : vector<1024x128xf32>
    %dot_general3A_34 = tpu.matmul %max3A_29, %get3A_32, %dot_general3A_33 {dimension_numbers = #tpu.dot_dimension_numbers<[1], [0], [0], [1], [0, 0, 1, 1], [], []>, transpose_lhs_hint = false} : vector<1024x32xf32>, vector<32x128xf32>, vector<1024x128xf32> -> vector<1024x128xf32>
    %get3A_35 = arith.constant 0 : index
    %get3A_36 = arith.constant 0 : index
    %get3A_37 = vector.load %arg8[%get3A_35, %get3A_36] : memref<1x128xf32, #tpu.memory_space<vmem>>, vector<1x128xf32>
    %add3A_38 = vector.broadcast %get3A_37 : vector<1x128xf32> to vector<1024x128xf32>
    %add3A_39 = arith.addf %dot_general3A_34, %add3A_38 : vector<1024x128xf32>
    %max3A_40 = arith.constant 0.000000e+00 : f32
    %max3A_41 = vector.broadcast %max3A_40 : f32 to vector<1024x128xf32>
    %max3A_42 = arith.maximumf %add3A_39, %max3A_41 : vector<1024x128xf32>
    %mul3A_43 = arith.constant 1024 : i32
    %mul3A_44 = arith.muli %arg0, %mul3A_43 : i32
    %iota3A = tpu.iota {dimensions = array<i32: 0>} : vector<1024x1xi32>
    %add3A_45 = vector.broadcast %mul3A_44 : i32 to vector<1024x1xi32>
    %add3A_46 = arith.addi %add3A_45, %iota3A : vector<1024x1xi32>
    %lt3A = arith.constant 10000 : i32
    %lt3A_47 = vector.broadcast %lt3A : i32 to vector<1024x1xi32>
    %lt3A_48 = arith.cmpi slt, %add3A_46, %lt3A_47 : vector<1024x1xi32>
    %jit3A_49 = arith.constant -3.000000e+38 : f32
    %broadcast_in_dim3A_50 = vector.shape_cast %lt3A_48 : vector<1024x1xi1> to vector<1024x1xi1>
    %broadcast_in_dim3A_51 = vector.broadcast %broadcast_in_dim3A_50 : vector<1024x1xi1> to vector<1024x128xi1>
    %broadcast_in_dim3A_52 = vector.broadcast %jit3A_49 : f32 to vector<1024x128xf32>
    %select_n3A_53 = arith.select %broadcast_in_dim3A_51, %max3A_42, %broadcast_in_dim3A_52 : vector<1024x128xi1>, vector<1024x128xf32>
    %reduce_max3A_54 = vector.shape_cast %select_n3A_53 : vector<1024x128xf32> to vector<1x1024x128xf32>
    %reduce_max3A_55 = arith.constant dense<0xFF800000> : vector<1xf32>
    %reduce_max3A_56 = vector.multi_reduction <maximumf>, %reduce_max3A_54, %reduce_max3A_55 [1, 2] : vector<1x1024x128xf32> to vector<1xf32>
    %reduce_max3A_57 = vector.shape_cast %reduce_max3A_56 : vector<1xf32> to vector<1x1x1xf32>
    %reduce_max3A_58 = vector.extract %reduce_max3A_57[0, 0, 0] : f32 from vector<1x1x1xf32>
    %eq3A = arith.constant 0 : i32
    %eq3A_59 = arith.cmpi eq, %arg0, %eq3A : i32
    %convert_element_type3A = arith.extui %eq3A_59 : i1 to i32
    %cond3A = arith.constant 0 : i32
    %cond3A_60 = arith.cmpi ne, %convert_element_type3A, %cond3A : i32
    scf.if %cond3A_60 {
      %swap3A_91 = arith.constant -3.000000e+38 : f32
      %swap3A_92 = arith.constant 0 : index
      %swap3A_93 = memref.load %arg11[%swap3A_92] : memref<2xf32, #tpu.memory_space<smem>>
      memref.store %swap3A_91, %arg11[%swap3A_92] : memref<2xf32, #tpu.memory_space<smem>>
      %swap3A_94 = arith.constant 0.000000e+00 : f32
      %swap3A_95 = arith.constant 1 : index
      %swap3A_96 = memref.load %arg11[%swap3A_95] : memref<2xf32, #tpu.memory_space<smem>>
      memref.store %swap3A_94, %arg11[%swap3A_95] : memref<2xf32, #tpu.memory_space<smem>>
    } else {
    }
    %get3A_61 = arith.constant 0 : index
    %get3A_62 = memref.load %arg11[%get3A_61] : memref<2xf32, #tpu.memory_space<smem>>
    %max3A_63 = arith.maximumf %get3A_62, %reduce_max3A_58 : f32
    %get3A_64 = arith.constant 1 : index
    %get3A_65 = memref.load %arg11[%get3A_64] : memref<2xf32, #tpu.memory_space<smem>>
    %sub3A = arith.subf %get3A_62, %max3A_63 : f32
    %exp3A = math.exp %sub3A : f32
    %mul3A_66 = arith.mulf %get3A_65, %exp3A : f32
    %sub3A_67 = vector.broadcast %max3A_63 : f32 to vector<1024x128xf32>
    %sub3A_68 = arith.subf %max3A_42, %sub3A_67 : vector<1024x128xf32>
    %exp3A_69 = math.exp %sub3A_68 : vector<1024x128xf32>
    %jit3A_70 = arith.constant 0.000000e+00 : f32
    %broadcast_in_dim3A_71 = vector.shape_cast %lt3A_48 : vector<1024x1xi1> to vector<1024x1xi1>
    %broadcast_in_dim3A_72 = vector.broadcast %broadcast_in_dim3A_71 : vector<1024x1xi1> to vector<1024x128xi1>
    %broadcast_in_dim3A_73 = vector.broadcast %jit3A_70 : f32 to vector<1024x128xf32>
    %select_n3A_74 = arith.select %broadcast_in_dim3A_72, %exp3A_69, %broadcast_in_dim3A_73 : vector<1024x128xi1>, vector<1024x128xf32>
    %reduce_sum3A = vector.shape_cast %select_n3A_74 : vector<1024x128xf32> to vector<1x1024x128xf32>
    %reduce_sum3A_75 = arith.constant dense<0.000000e+00> : vector<1xf32>
    %reduce_sum3A_76 = vector.multi_reduction <add>, %reduce_sum3A, %reduce_sum3A_75 [1, 2] : vector<1x1024x128xf32> to vector<1xf32>
    %reduce_sum3A_77 = vector.shape_cast %reduce_sum3A_76 : vector<1xf32> to vector<1x1x1xf32>
    %reduce_sum3A_78 = vector.extract %reduce_sum3A_77[0, 0, 0] : f32 from vector<1x1x1xf32>
    %add3A_79 = arith.addf %mul3A_66, %reduce_sum3A_78 : f32
    %swap3A = arith.constant 0 : index
    %swap3A_80 = memref.load %arg11[%swap3A] : memref<2xf32, #tpu.memory_space<smem>>
    memref.store %max3A_63, %arg11[%swap3A] : memref<2xf32, #tpu.memory_space<smem>>
    %swap3A_81 = arith.constant 1 : index
    %swap3A_82 = memref.load %arg11[%swap3A_81] : memref<2xf32, #tpu.memory_space<smem>>
    memref.store %add3A_79, %arg11[%swap3A_81] : memref<2xf32, #tpu.memory_space<smem>>
    %eq3A_83 = arith.constant 9 : i32
    %eq3A_84 = arith.cmpi eq, %arg0, %eq3A_83 : i32
    %convert_element_type3A_85 = arith.extui %eq3A_84 : i1 to i32
    %cond3A_86 = arith.constant 0 : i32
    %cond3A_87 = arith.cmpi ne, %convert_element_type3A_85, %cond3A_86 : i32
    scf.if %cond3A_87 {
      %broadcast_in_dim3A_91 = vector.broadcast %max3A_63 : f32 to vector<1x1xf32>
      %broadcast_in_dim3A_92 = vector.broadcast %add3A_79 : f32 to vector<1x1xf32>
      %concatenate3A = tpu.concatenate %broadcast_in_dim3A_91, %broadcast_in_dim3A_92 in 1 : vector<1x1xf32>, vector<1x1xf32> -> vector<1x2xf32>
      %swap3A_93 = arith.constant 0 : index
      %swap3A_94 = arith.constant 0 : index
      %swap3A_95 = vector.load %arg10[%swap3A_93, %swap3A_94] : memref<1x2xf32, #tpu.memory_space<vmem>>, vector<1x2xf32>
      tpu.vector_store %arg10[%swap3A_93, %swap3A_94], %concatenate3A {strides = array<i32>} : memref<1x2xf32, #tpu.memory_space<vmem>>, vector<1x2xf32>,
    } else {
    }
    %swap3A_88 = arith.constant 0 : index
    %swap3A_89 = arith.constant 0 : index
    %swap3A_90 = vector.load %arg9[%swap3A_88, %swap3A_89] : memref<1024x128xf32, #tpu.memory_space<vmem>>, vector<1024x128xf32>
    tpu.vector_store %arg9[%swap3A_88, %swap3A_89], %max3A_42 {strides = array<i32>} : memref<1024x128xf32, #tpu.memory_space<vmem>>, vector<1024x128xf32>,
    return
  }
  func.func @transform_0(%arg0: i32) -> (i32, i32, i32) {
    %c0_i32 = arith.constant 0 : i32
    %c0_i32_0 = arith.constant 0 : i32
    %c0_i32_1 = arith.constant 0 : i32
    return %c0_i32, %c0_i32_0, %arg0 : i32, i32, i32
  }
  func.func @transform_1(%arg0: i32) -> (i32, i32) {
    %c0_i32 = arith.constant 0 : i32
    %c0_i32_0 = arith.constant 0 : i32
    %c0_i32_1 = arith.constant 0 : i32
    return %c0_i32, %c0_i32_0 : i32, i32
  }
  func.func @transform_2(%arg0: i32) -> (i32, i32) {
    %c0_i32 = arith.constant 0 : i32
    %c0_i32_0 = arith.constant 0 : i32
    %c0_i32_1 = arith.constant 0 : i32
    return %c0_i32, %c0_i32_0 : i32, i32
  }
  func.func @transform_3(%arg0: i32) -> (i32, i32) {
    %c0_i32 = arith.constant 0 : i32
    %c0_i32_0 = arith.constant 0 : i32
    %c0_i32_1 = arith.constant 0 : i32
    return %c0_i32, %c0_i32_0 : i32, i32
  }
  func.func @transform_4(%arg0: i32) -> (i32, i32) {
    %c0_i32 = arith.constant 0 : i32
    %c0_i32_0 = arith.constant 0 : i32
    %c0_i32_1 = arith.constant 0 : i32
    return %c0_i32, %c0_i32_0 : i32, i32
  }
  func.func @transform_5(%arg0: i32) -> (i32, i32) {
    %c0_i32 = arith.constant 0 : i32
    %c0_i32_0 = arith.constant 0 : i32
    %c0_i32_1 = arith.constant 0 : i32
    return %c0_i32, %c0_i32_0 : i32, i32
  }
  func.func @transform_6(%arg0: i32) -> (i32, i32) {
    %c0_i32 = arith.constant 0 : i32
    %c0_i32_0 = arith.constant 0 : i32
    %c0_i32_1 = arith.constant 0 : i32
    return %c0_i32, %c0_i32_0 : i32, i32
  }
  func.func @transform_7(%arg0: i32) -> (i32, i32) {
    %c0_i32 = arith.constant 0 : i32
    %c0_i32_0 = arith.constant 0 : i32
    %c0_i32_1 = arith.constant 0 : i32
    return %c0_i32, %c0_i32_0 : i32, i32
  }
  func.func @transform_8(%arg0: i32) -> (i32, i32) {
    %c0_i32 = arith.constant 0 : i32
    %c0_i32_0 = arith.constant 0 : i32
    return %arg0, %c0_i32 : i32, i32
  }
  func.func @transform_9(%arg0: i32) -> (i32, i32) {
    %c0_i32 = arith.constant 0 : i32
    %c0_i32_0 = arith.constant 0 : i32
    %c0_i32_1 = arith.constant 0 : i32
    return %c0_i32, %c0_i32_0 : i32, i32
  }
}

module attributes {stable_mosaic.version = 14 : i64} {
  func.func @_norm_body(%arg0: i32, %arg1: memref<400x128xf32, #tpu.memory_space<vmem>>, %arg2: memref<1x2xf32, #tpu.memory_space<vmem>>, %arg3: memref<400x128xf32, #tpu.memory_space<vmem>>) attributes {dimension_semantics = [#tpu.dimension_semantics<arbitrary>], iteration_bounds = array<i64: 25>, scalar_prefetch = 0 : i64, scratch_operands = 0 : i64, tpu.core_type = #tpu.core_type<tc>, window_params = [{transform_indices = @transform_0, window_bounds = array<i64: 400, 128>}, {pipeline_mode = #tpu.pipeline_mode<synchronous>, transform_indices = @transform_1, window_bounds = array<i64: 1, 2>}, {transform_indices = @transform_2, window_bounds = array<i64: 400, 128>}]} {
    %get3A = arith.constant 0 : index
    %get3A_0 = arith.constant 0 : index
    %get3A_1 = vector.load %arg2[%get3A, %get3A_0] : memref<1x2xf32, #tpu.memory_space<vmem>>, vector<1x2xf32>
    %get3A_2 = arith.constant 0 : index
    %get3A_3 = arith.constant 0 : index
    %get3A_4 = vector.load %arg1[%get3A_2, %get3A_3] : memref<400x128xf32, #tpu.memory_space<vmem>>, vector<400x128xf32>
    %slice3A = vector.extract_strided_slice %get3A_1 {offsets = [0, 0], sizes = [1, 1], strides = [1, 1]} : vector<1x2xf32> to vector<1x1xf32>
    %sub3A = vector.broadcast %slice3A : vector<1x1xf32> to vector<400x128xf32>
    %sub3A_5 = arith.subf %get3A_4, %sub3A : vector<400x128xf32>
    %exp3A = math.exp %sub3A_5 : vector<400x128xf32>
    %slice3A_6 = vector.extract_strided_slice %get3A_1 {offsets = [0, 1], sizes = [1, 1], strides = [1, 1]} : vector<1x2xf32> to vector<1x1xf32>
    %div3A = arith.constant 1.000000e+00 : f32
    %div3A_7 = vector.broadcast %div3A : f32 to vector<1x1xf32>
    %div3A_8 = arith.divf %div3A_7, %slice3A_6 : vector<1x1xf32>
    %mul3A = vector.broadcast %div3A_8 : vector<1x1xf32> to vector<400x128xf32>
    %mul3A_9 = arith.mulf %exp3A, %mul3A : vector<400x128xf32>
    %swap3A = arith.constant 0 : index
    %swap3A_10 = arith.constant 0 : index
    %swap3A_11 = vector.load %arg3[%swap3A, %swap3A_10] : memref<400x128xf32, #tpu.memory_space<vmem>>, vector<400x128xf32>
    tpu.vector_store %arg3[%swap3A, %swap3A_10], %mul3A_9 {strides = array<i32>} : memref<400x128xf32, #tpu.memory_space<vmem>>, vector<400x128xf32>,
    return
  }
  func.func @transform_0(%arg0: i32) -> (i32, i32) {
    %c0_i32 = arith.constant 0 : i32
    %c0_i32_0 = arith.constant 0 : i32
    return %arg0, %c0_i32 : i32, i32
  }
  func.func @transform_1(%arg0: i32) -> (i32, i32) {
    %c0_i32 = arith.constant 0 : i32
    %c0_i32_0 = arith.constant 0 : i32
    %c0_i32_1 = arith.constant 0 : i32
    return %c0_i32, %c0_i32_0 : i32, i32
  }
  func.func @transform_2(%arg0: i32) -> (i32, i32) {
    %c0_i32 = arith.constant 0 : i32
    %c0_i32_0 = arith.constant 0 : i32
    return %arg0, %c0_i32 : i32, i32
  }
}

</mosaic_0001>

<sc_bundles>
// kernel: kernel.11.cloned.1.call-start
scs
__scs_entry_jumppad:
0x0: {  	(pc) =	sbr.rel $0x88, $3  }
0x1: {  	(tag) =	ssettag $0x0;
	lr =	simm.s32 $0x1  }
0x2: {  	[smem:$0x3F91] =	sst lr;
	_ =	strace $0xD0000000  }
0x3: {  	_ = 	snop  }
0x4: {  	_ = 	snop  }
0x5: {  	_ = 	snop  }
0x6: {  	_ = 	snop  }
0x7: {  	_ = 	snop  }
__scs_overlays_trampoline_lowered:
0x8: {  	[smem:$0x3FA0] =	sst s0  }
0x9: {  	[smem:$0x3FA1] =	sst s1  }
0xa: {  	[smem:$0x3FA2] =	sst s2  }
0xb: {  	[smem:$0x3FA3] =	sst s3  }
0xc: {  	[smem:$0x3FA4] =	sst s4  }
0xd: {  	[smem:$0x3FA5] =	sst s5  }
0xe: {  	[smem:$0x3FA6] =	sst s6  }
0xf: {  	[smem:$0x3FA7] =	sst s7  }
0x10: {  	[smem:$0x3FA8] =	sst s8  }
0x11: {  	[smem:$0x3FA9] =	sst s9;
	s0 =	simm.s32 @!p0 $0x0  }
0x12: {  	s1 =	sld [smem:$0x3F8F];
	s0 =	simm.s32 @p0 $0x1  }
0x13: {  	[smem:$0x3FAA] =	sst s0;
	s0 =	simm.s32 @!p1 $0x0  }
0x14: {  	s2 =	sld [smem:$0x3F8E];
	s0 =	simm.s32 @p1 $0x1  }
0x15: {  	[smem:$0x3FAB] =	sst s0;
	s0 =	simm.s32 @!p2 $0x0  }
0x16: {  	s3 =	sld [smem:$0x3FDB];
	s0 =	simm.s32 @p2 $0x1  }
0x17: {  	s4 =	simm.s32 $0x1BF5;
	[smem:$0x3FAD] =	sst s0  }
0x18: {  	s0 =	sld [smem:$0x3F90];
	_ =	swait.ge [sflag:s4], $0x0  }
0x19: {  	s7 =	sld [smem:$0x3F91]  }
0x1a: {  	s8 =	sadd.s32 $0xFFFFE003, lr  }
0x1b: {  	s9 =	sadd.s32 $0xFFFFFEF7, lr;
	s5 =	simm.s32 $0xFFFFFFFF;
	p2 =	slt.u32 s8, $0xFFFFF086  }
0x1c: {  	p1 =	slt.u32 s9, $0xF7A;
	s5 =	simm.s32 @!p2 $0x0  }
0x1d: {  	s5 =	simm.s32 @p1 $0x1;
	p0 =	seq.s32 s7, s2  }
0x1e: {  	s7 =	smul.u32 @!p0 $0xF7A, s2;
	p2 =	seq.s32 @!p0 s5, $0x0  }
0x1f: {  	s9 =	smul.u32 $0xF7A, s1;
	s8 =	simm.s32 @!p0 $0x1BF5;
	p2 =	por !p2, p0  }
0x20: {  	[sflag:s8] =	ssyncset.s32 @!p0 $0xFFFFF086;
	s6 =	sadd.s32 @!p0 s3, s7;
	s7 =	simm.s32 @!p0 $0x108  }
0x21: {  	s3 =	sadd.s32 s3, s9;
	s6 =	sadd.s32 @!p0 $0x88, s6;
	s7 =	simm.s32 @p2 $0x1082  }
0x22: {  	[simem:s7], [sflag:s8] =	dma.local @!p0 [hbm:s6], $0xF7A  }
0x23: {  	s9 =	sor.u32 $0xD0000000, s2;
	s6 =	simm.s32 $0x108;
	_ =	swait.ge @!p0 [sflag:s8], $0x0  }
0x24: {  	s3 =	sadd.s32 $0x88, s3;
	s6 =	simm.s32 @!p1 $0x1082;
	[sflag:s4] =	ssyncset.s32 $0xFFFFF086  }
0x25: {  	[simem:s6], [sflag:s4] =	dma.local [hbm:s3], $0xF7A  }
0x26: {  	[smem:$0x3F91] =	sst s1;
	(tag) =	ssettag s2;
	_ =	strace s9  }
0x27: {  	s1 =	sld [smem:$0x3FA1]  }
0x28: {  	s2 =	sld [smem:$0x3FA2]  }
0x29: {  	s4 =	sld [smem:$0x3FA4]  }
0x2a: {  	p0 =	seq.s32 s5, $0x0;
	s5 =	sld [smem:$0x3FA5]  }
0x2b: {  	s6 =	sld [smem:$0x3FA6]  }
0x2c: {  	s7 =	sld [smem:$0x3FA7]  }
0x2d: {  	s3 =	simm.s32 $0x108;
	s8 =	sld [smem:$0x3FA8]  }
0x2e: {  	s3 =	simm.s32 @!p0 $0x1082;
	s9 =	sld [smem:$0x3FA9]  }
0x2f: {  	lr =	sadd.s32 s0, s3;
	s0 =	sld [smem:$0x3FA0]  }
0x30: {  	s3 =	sld [smem:$0x3FA3]  }
0x31: {  	[smem:$0x3FAC] =	sst s10  }
0x32: {  	s10 =	sld [smem:$0x3FAA];
	_ =	sdelay $0x3  }
0x33: {  	p0 =	seq.s32 s10, $0x1;
	s10 =	sld [smem:$0x3FAC];
	_ =	sdelay $0x3  }
0x34: {  	[smem:$0x3FAC] =	sst s10  }
0x35: {  	s10 =	sld [smem:$0x3FAB];
	_ =	sdelay $0x3  }
0x36: {  	p1 =	seq.s32 s10, $0x1;
	s10 =	sld [smem:$0x3FAC];
	_ =	sdelay $0x3  }
0x37: {  	[smem:$0x3FAC] =	sst s10  }
0x38: {  	s10 =	sld [smem:$0x3FAD]  }
0x39: {  	_ = 	snop;
	(pc) =	sbr.ind lr, $3  }
0x3a: {  	_ = 	snop  }
0x3b: {  	_ = 	snop  }
0x3c: {  	p2 =	seq.s32 s10, $0x1;
	s10 =	sld [smem:$0x3FAC]  }
0x3d: {  	_ =	shalt  }
0x3e: {  	_ =	shalt  }
0x3f: {  	_ =	shalt  }
0x40: {  	_ =	shalt  }
0x41: {  	_ =	shalt  }
0x42: {  	_ =	shalt  }
0x43: {  	_ =	shalt  }
0x44: {  	_ =	shalt  }
0x45: {  	_ =	shalt  }
0x46: {  	_ =	shalt  }
0x47: {  	_ =	shalt  }
0x48: {  	_ =	shalt  }
0x49: {  	_ =	shalt  }
0x4a: {  	_ =	shalt  }
0x4b: {  	_ =	shalt  }
0x4c: {  	_ =	shalt  }
0x4d: {  	_ =	shalt  }
0x4e: {  	_ =	shalt  }
0x4f: {  	_ =	shalt  }
0x50: {  	_ =	shalt  }
0x51: {  	_ =	shalt  }
0x52: {  	_ =	shalt  }
0x53: {  	_ =	shalt  }
0x54: {  	_ =	shalt  }
0x55: {  	_ =	shalt  }
0x56: {  	_ =	shalt  }
0x57: {  	_ =	shalt  }
0x58: {  	_ =	shalt  }
0x59: {  	_ =	shalt  }
0x5a: {  	_ =	shalt  }
0x5b: {  	_ =	shalt  }
0x5c: {  	_ =	shalt  }
0x5d: {  	_ =	shalt  }
0x5e: {  	_ =	shalt  }
0x5f: {  	_ =	shalt  }
0x60: {  	_ =	shalt  }
0x61: {  	_ =	shalt  }
0x62: {  	_ =	shalt  }
0x63: {  	_ =	shalt  }
0x64: {  	_ =	shalt  }
0x65: {  	_ =	shalt  }
0x66: {  	_ =	shalt  }
0x67: {  	_ =	shalt  }
0x68: {  	_ =	shalt  }
0x69: {  	_ =	shalt  }
0x6a: {  	_ =	shalt  }
0x6b: {  	_ =	shalt  }
0x6c: {  	_ =	shalt  }
0x6d: {  	_ =	shalt  }
0x6e: {  	_ =	shalt  }
0x6f: {  	_ =	shalt  }
0x70: {  	_ =	shalt  }
0x71: {  	_ =	shalt  }
0x72: {  	_ =	shalt  }
0x73: {  	_ =	shalt  }
0x74: {  	_ =	shalt  }
0x75: {  	_ =	shalt  }
0x76: {  	_ =	shalt  }
0x77: {  	_ =	shalt  }
0x78: {  	_ =	shalt  }
0x79: {  	_ =	shalt  }
0x7a: {  	_ =	shalt  }
0x7b: {  	_ =	shalt  }
0x7c: {  	_ =	shalt  }
0x7d: {  	_ =	shalt  }
0x7e: {  	_ =	shalt  }
0x7f: {  	_ =	shalt  }
0x80: {  	_ =	shalt  }
0x81: {  	_ =	shalt  }
0x82: {  	_ =	shalt  }
0x83: {  	_ =	shalt  }
0x84: {  	_ =	shalt  }
0x85: {  	_ =	shalt  }
0x86: {  	_ =	shalt  }
0x87: {  	_ =	shalt  }
.Lfunc_end0:
.L_simem_size_0:
called_computation.1_lowered:
.L_overlay_start_0:
0x88: {  	s2 =	sld [smem:$0x3FD9]  }
0x89: {  	s3 =	sld [smem:$0x3FFE];
	_ =	sdelay $0x1  }
0x8a: {  	s1 =	srdreg.scid  }
0x8b: {  	s0 =	sand.u32 $0x1, s1  }
0x8c: {  	s16 =	sshll.u32 s0, $0xA;
	s2 =	sadd.s32 s3, s2  }
0x8d: {  	s2 =	sadd.s32 s2, s16  }
0x8e: {  	[smem:$0x3FB8] =	sst s2  }
0x8f: {  	_ = 	snop  }
0x90: {  	(tm) =	ssettm $0x1  }
0x91: {  	s17 =	sld [smem:$0x3FFB];
	_ =	sdelay $0x3  }
0x92: {  	_ =	strace s17  }
0x93: {  	s2 =	sld [smem:$0x3FFC];
	_ =	sdelay $0x3  }
0x94: {  	_ =	strace s2  }
0x95: {  	s2 =	sld [smem:$0x3FFD];
	_ =	sdelay $0x3  }
0x96: {  	_ =	strace s2  }
0x97: {  	_ =	strace $0x8FFFFFFF  }
0x98: {  	s18 =	sld [smem:$0x3FDB];
	_ =	sdelay $0x1  }
0x99: {  	s19 =	simm.s32 $_scs_section_size  }
0x9a: {  	s4 =	simm.s32 $_size__tile_overlayer_lowered;
	s5 =	simm.s32 $_tile_overlayer_lowered  }
0x9b: {  	s22 =	simm.s32 $0x1BFF;
	s21 =	sshll.u32 s5, $0x1;
	s2 =	sadd.s32 s19, s18  }
0x9c: {  	s6 =	simm.s32 $0x0;
	s20 =	sshll.u32 s4, $0x1;
	s4 =	sadd.s32 s21, s2  }
0x9d: {  	[timem:s6], [sflag:s22] =	dma.local [hbm:s4], s20  }
0x9e: {  	_ =	swait.ge [sflag:s22], s20  }
0x9f: {  	s3 =	ssub.s32 $0x0, s20;
	[sflag:s22] =	ssyncset.done $0x0  }
0xa0: {  	[sflag:s22] =	ssyncadd.s32 s3;
	_ =	sdelay $0x1  }
0xa1: {  	s23 =	simm.s32 $0x1B8B  }
0xa2: {  	_ =	swait.ge [sflag:s23], $0x1  }
0xa3: {  	[sflag:s23] =	ssyncset.done $0x0  }
0xa4: {  	s25 =	simm.s32 $0x1B8E;
	s24 =	sld [smem:$0x3FFE];
	[sflag:s23] =	ssyncadd.s32 $0xFFFFFFFF  }
0xa5: {  	s26 =	simm.s32 $execute0_lowered;
	[smem:$0x3FD2] =	sst s25  }
0xa6: {  	s4 =	sshll.u32 s26, $0x1;
	_ =	strace $0x80000049;
	[dreg:$0x1] =	wrdreg $0xFFFFFFFF  }
0xa7: {  	s28 =	simm.s32 $_size_execute0_lowered;
	s2 =	sadd.s32 s2, s4;
	[dreg:$0x0] =	wrdreg $0x0  }
0xa8: {  	s4 =	sshll.u32 s28, $0x1;
	[dreg:$0x2] =	wrdreg s2  }
0xa9: {  	[dreg:$0x3] =	wrdreg s4  }
0xaa: {  	[dreg:$0x4] =	wrdreg $0xC0  }
0xab: {  	_ =	task [dreg:s6], $0x5FFFF  }
0xac: {  	[dreg:$0x1] =	wrdreg $0xFFFFFFFF  }
0xad: {  	[dreg:$0x0] =	wrdreg $0x60  }
0xae: {  	[dreg:$0x2] =	wrdreg s24  }
0xaf: {  	[dreg:$0x3] =	wrdreg $0x9  }
0xb0: {  	_ =	task.clear_ibuf [dreg:s6], $0x4FFFF;
	_ =	strace $0x90000049  }
0xb1: {  	s29 =	simm.s32 $0x9;
	_ =	strace $0x8000004B  }
0xb2: {  	_ =	swait.ge [sflag:s29], $0x1  }
0xb3: {  	[sflag:s29] =	ssyncadd.s32 $0xFFFFFFFF  }
0xb4: {  	_ =	strace $0x9000004B  }
0xb5: {  	_ =	sfence  }
0xb6: {  	s30 =	sld [smem:$0x0];
	_ =	sdelay $0x2  }
0xb7: {  	s31 =	sshll.u32 s1, $0xD;
	s1 =	sshrl.u32 s1, $0x2  }
0xb8: {  	s3 =	sand.u32 $0x4000, s31;
	s1 =	sadd.s32 s1, s30  }
0xb9: {  	s0 =	sor.u32 s3, s0;
	s1 =	sshll.u32 s1, $0x11  }
0xba: {  	s0 =	sor.u32 s1, s0  }
0xbb: {  	s0 =	sadd.s32 $0x8F2B, s0  }
0xbc: {  	[sflag:s0] =	ssyncadd.remote.s32 $0x1  }
0xbd: {  	_ =	sfence.sel $0xFFFF  }
0xbe: {  	[dreg:$0x0] =	wrdreg $0xFFFFFFFF;
	(pc) =	sbr.abs _section_cstart, $3  }
0xbf: {  	[dreg:$0x1] =	wrdreg $0xFFFFFFFF  }
0xc0: {  	_ =	task.clear_ibuf [dreg:s6], $0x2FFFF;
	_ =	strace $0x9FFFFFFF  }
0xc1: {  	(tm) =	ssettm $0x7FFFFFFF  }
tec
execute0_lowered:
.L_overlay_start_1:
0x0: {  	(tag) =	ssettag $0x1  }
0x1: {  	s0 =	rddreg [dreg:$0x0];
	s1 =	srdreg.scid  }
0x2: {  	s4 =	stileid.u32;
	s2 =	simm.s32 $0x0;
	s28 =	simm.s32 $0x11F80  }
0x3: {  	s29 =	simm.s32 $0x12C00;
	s30 =	simm.s32 $0x13880;
	s31 =	simm.s32 $0x1  }
0x4: {  	s1 =	sand.u32 $0x1, s1;
	s3 =	sshll.u32 s4, $0x1;
	s17 =	sshrl.u32 s4, $0x2  }
0x5: {  	s14 =	simm.s32 $0x0;
	s7 =	sor.u32 s1, s3;
	s3 =	smul.u32 $0x13880, s17  }
0x6: {  	[smem:$0x7FF] =	sst s2;
	s4 =	sadd.s32 $0xA000, s0;
	s13 =	smul.u32 $0xA000, s7  }
0x7: {  	s1 =	ssub.s32 $0x2, s1;
	s5 =	sand.u32 $0x7, s7;
	s7 =	smul.u32 $0x1400, s7  }
0x8: {  	_ =	strace $0x8000004A;
	s8 =	sshrl.u32 s1, $0x1;
	s6 =	smul.u32 $0x138800, s5  }
0x9: {  	s5 =	sadd.s32 $0x14C600, s0;
	s0 =	sadd.s32 $0x13E00, s0;
	s18 =	sshrl.u32 s3, $0x3  }
0xa: {  	s1 =	ssub.s32 s1, s8;
	s8 =	sadd.s32 s4, s18;
	s21 =	sshrl.u32 s13, $0x3  }
0xb: {  	s26 =	smax.u32 s1, $0x1;
	s1 =	simm.s32 $0x2800;
	[dreg:$0x2] =	wrdreg s8  }
0xc: {  	s13 =	simm.s32 $0x3;
	s6 =	sadd.s32 s3, s6;
	[dreg:$0xb] =	wrdreg s26  }
0xd: {  	s26 =	simm.s32 $0x11300;
	s10 =	sshrl.u32 s6, $0x3;
	s8 =	sadd.s32 $0x4E200, s6  }
0xe: {  	s9 =	sadd.s32 $0x9C400, s6;
	s12 =	sadd.s32 $0xEA600, s6;
	s11 =	sshrl.u32 s8, $0x3  }
0xf: {  	s10 =	sadd.s32 s5, s10;
	s20 =	sshrl.u32 s9, $0x3;
	s22 =	sshrl.u32 s12, $0x3  }
0x10: {  	[dreg:$0x3] =	wrdreg s10;
	s19 =	sadd.s32 s5, s11;
	s10 =	sadd.s32 s5, s20  }
0x11: {  	s11 =	sadd.s32 s0, s21;
	s0 =	sadd.s32 s0, s7;
	[dreg:$0x4] =	wrdreg s19  }
0x12: {  	s20 =	simm.s32 $0xC800;
	s21 =	simm.s32 $0xD480;
	[dreg:$0x5] =	wrdreg s10  }
0x13: {  	s7 =	simm.s32 $0x5000;
	s10 =	sadd.s32 s5, s22;
	[dreg:$0x7] =	wrdreg s0  }
.Ltmp0:
0x14: {  	s23 =	sadd.s32 $0x500, s11;
	[dreg:$0x6] =	wrdreg s10;
	(pc) =	sbr.rel .LBB2_1-.Ltmp0, $4  }
0x15: {  	s24 =	sadd.s32 $0xA00, s11;
	s25 =	sadd.s32 $0xF00, s11;
	[dreg:$0x8] =	wrdreg s23  }
0x16: {  	s22 =	simm.s32 $0xE100;
	s0 =	simm.s32 $0xA000;
	[dreg:$0x9] =	wrdreg s24  }
0x17: {  	v0 =	vimm.f32 $-3.000000010e+38;
	s11 =	simm.s32 $0x2;
	[dreg:$0xa] =	wrdreg s25;
	s23 =	simm.s32 $0xED80  }
0x18: {  	v1 =	vlaneseq.u32;
	v2 =	vimm.f32 $1.000000000e+00;
	v3 =	vimm.f32 $0.0e+00;
	s24 =	simm.s32 $0xFA00;
	s25 =	simm.s32 $0x10680;
	s10 =	simm.s32 $0x7800  }
.LBB2_20:
0x19: {  	s15 =	rddreg [dreg:$0x7]  }
0x1a: {  	[hbm4b:s15+s2] =	stream.linear.scatter [tilespmem:s2], [sflag:$0x3], $0x2800, $0x38;
	[tilespmem:$0x14500] =	vst v63  }
0x1b: {  	_ =	swait.ge [sflag:s13], $0x2800  }
0x1c: {  	[sflag:s13] =	ssyncset.done $0x0  }
0x1d: {  	s16 =	rddreg [dreg:$0x8];
	[sflag:s13] =	ssyncadd.s32 $0xFFFFD800  }
0x1e: {  	[hbm4b:s16+s2] =	stream.linear.scatter [tilespmem:s1], [sflag:$0x3], $0x2800, $0x38;
	[tilespmem:$0x14500] =	vst v63  }
0x1f: {  	_ =	swait.ge [sflag:s13], $0x2800  }
0x20: {  	[sflag:s13] =	ssyncset.done $0x0  }
0x21: {  	s17 =	rddreg [dreg:$0x9];
	[sflag:s13] =	ssyncadd.s32 $0xFFFFD800  }
0x22: {  	[hbm4b:s17+s2] =	stream.linear.scatter [tilespmem:s7], [sflag:$0x3], $0x2800, $0x38;
	[tilespmem:$0x14500] =	vst v63  }
0x23: {  	_ =	swait.ge [sflag:s13], $0x2800  }
0x24: {  	[sflag:s13] =	ssyncset.done $0x0  }
0x25: {  	s18 =	rddreg [dreg:$0xa];
	[sflag:s13] =	ssyncadd.s32 $0xFFFFD800  }
0x26: {  	[hbm4b:s18+s2] =	stream.linear.scatter [tilespmem:s10], [sflag:$0x3], $0x2800, $0x38;
	[tilespmem:$0x14500] =	vst v63  }
0x27: {  	_ =	swait.ge [sflag:s13], $0x2800  }
0x28: {  	s14 =	sadd.s32 $0x1, s14;
	s19 =	rddreg [dreg:$0xb]  }
0x29: {  	p0 =	sne.s32 s14, s19  }
.Ltmp1:
0x2a: {  	_ = 	snop;
	(pc) =	sbr.rel @!p0 .LBB2_21-.Ltmp1, $3  }
0x2b: {  	_ =	sdelay $0x1  }
0x2c: {  	[sflag:s13] =	ssyncset.done $0x0  }
0x2d: {  	[sflag:s13] =	ssyncadd.s32 $0xFFFFD800  }
.LBB2_1:
0x2e: {  	s16 =	simm.s32 $0x40;
	s15 =	simm.s32 $0x0  }
.LBB2_2:
0x2f: {  	p0 =	sne.s32 s16, $0x9FC0;
	[tilespmem:s15+$0x7800] =	vst v0;
	s17 =	smov.u32 s16;
	s16 =	sadd.s32 $0x40, s16  }
.Ltmp2:
0x30: {  	[tilespmem:s15+$0x5000] =	vst v0;
	(pc) =	sbr.rel @p0 .LBB2_2-.Ltmp2, $3  }
0x31: {  	[tilespmem:s15+$0x0] =	vst v0  }
0x32: {  	[tilespmem:s15+$0x2800] =	vst v0;
	_ =	sdelay $0x1  }
0x33: {  	s15 =	sshra.s32 s17, $0x2  }
0x34: {  	[tilespmem:s15+$0x7800] =	vst v0  }
0x35: {  	[tilespmem:s15+$0x5000] =	vst v0  }
0x36: {  	[tilespmem:s15+$0x0] =	vst v0  }
0x37: {  	[tilespmem:s15+$0x2800] =	vst v0;
	s15 =	simm.s32 $0x0;
	s16 =	rddreg [dreg:$0x2]  }
0x38: {  	[tilespmem:s20], [sflag:$0x1] =	stream.linear.gather [hbm4b:s16+s15], $0xC80, $0x38;
	[tilespmem:$0x14500] =	vst v63  }
0x39: {  	s19 =	rddreg [dreg:$0x3]  }
0x3a: {  	[tilespmem:s21], [sflag:$0x1] =	stream.linear.gather [hbm4b:s19+s15], $0xC80, $0x38;
	[tilespmem:$0x14500] =	vst v63  }
0x3b: {  	s17 =	rddreg [dreg:$0x4]  }
0x3c: {  	[tilespmem:s22], [sflag:$0x1] =	stream.linear.gather [hbm4b:s17+s15], $0xC80, $0x38;
	[tilespmem:$0x14500] =	vst v63  }
.Ltmp3:
0x3d: {  	_ = 	snop;
	(pc) =	sbr.rel .LBB2_4-.Ltmp3, $4  }
0x3e: {  	s18 =	rddreg [dreg:$0x5]  }
0x3f: {  	[tilespmem:s23], [sflag:$0x1] =	stream.linear.gather [hbm4b:s18+s15], $0xC80, $0x38;
	[tilespmem:$0x14500] =	vst v63  }
0x40: {  	s16 =	simm.s32 $0x0;
	s19 =	rddreg [dreg:$0x6]  }
0x41: {  	[tilespmem:s24], [sflag:$0x1] =	stream.linear.gather [hbm4b:s19+s15], $0xC80, $0x38;
	[tilespmem:$0x14500] =	vst v63  }
.LBB2_14:
0x42: {  	s16 =	sadd.s32 $0x1, s16  }
0x43: {  	p0 =	sne.s32 s16, $0xC  }
.Ltmp4:
0x44: {  	_ = 	snop;
	(pc) =	sbr.rel @!p0 .LBB2_15-.Ltmp4, $1  }
0x45: {  	_ =	sdelay $0x3  }
.LBB2_4:
0x46: {  	s17 =	smul.u32 $0x1900, s16;
	_ =	sdelay $0x1  }
0x47: {  	s18 =	sadd.s32 $0xC80, s17  }
0x48: {  	s19 =	sadd.s32 s3, s18  }
0x49: {  	s19 =	sshrl.u32 s19, $0x3  }
0x4a: {  	s19 =	sadd.s32 s4, s19  }
0x4b: {  	[tilespmem:s25], [sflag:$0x2] =	stream.linear.gather [hbm4b:s19+s15], $0xC80, $0x38;
	[tilespmem:$0x14500] =	vst v63  }
0x4c: {  	s19 =	sadd.s32 s6, s18  }
0x4d: {  	s19 =	sshrl.u32 s19, $0x3  }
0x4e: {  	s19 =	sadd.s32 s5, s19  }
0x4f: {  	[tilespmem:s26], [sflag:$0x2] =	stream.linear.gather [hbm4b:s19+s15], $0xC80, $0x38;
	[tilespmem:$0x14500] =	vst v63  }
0x50: {  	s19 =	sadd.s32 s8, s18  }
0x51: {  	s19 =	sshrl.u32 s19, $0x3  }
0x52: {  	s19 =	sadd.s32 s5, s19  }
0x53: {  	[tilespmem:s28], [sflag:$0x2] =	stream.linear.gather [hbm4b:s19+s15], $0xC80, $0x38;
	[tilespmem:$0x14500] =	vst v63  }
0x54: {  	s19 =	sadd.s32 s9, s18  }
0x55: {  	s18 =	sadd.s32 s12, s18;
	s19 =	sshrl.u32 s19, $0x3  }
0x56: {  	s18 =	sshrl.u32 s18, $0x3;
	s19 =	sadd.s32 s5, s19  }
0x57: {  	[tilespmem:s29], [sflag:$0x2] =	stream.linear.gather [hbm4b:s19+s15], $0xC80, $0x38;
	[tilespmem:$0x14500] =	vst v63  }
0x58: {  	s18 =	sadd.s32 s5, s18  }
0x59: {  	[tilespmem:s30], [sflag:$0x2] =	stream.linear.gather [hbm4b:s18+s15], $0xC80, $0x38;
	[tilespmem:$0x14500] =	vst v63  }
0x5a: {  	_ =	swait.ge [sflag:s31], $0xC80  }
0x5b: {  	[sflag:s31] =	ssyncset.done $0x0  }
0x5c: {  	[sflag:s31] =	ssyncadd.s32 $0xFFFFF380  }
0x5d: {  	_ =	swait.ge [sflag:s31], $0xC80  }
0x5e: {  	[sflag:s31] =	ssyncset.done $0x0  }
0x5f: {  	[sflag:s31] =	ssyncadd.s32 $0xFFFFF380  }
0x60: {  	_ =	swait.ge [sflag:s31], $0xC80  }
0x61: {  	[sflag:s31] =	ssyncset.done $0x0  }
0x62: {  	[sflag:s31] =	ssyncadd.s32 $0xFFFFF380  }
0x63: {  	_ =	swait.ge [sflag:s31], $0xC80  }
.Ltmp5:
0x64: {  	[sflag:s31] =	ssyncset.done $0x0;
	(pc) =	sbr.rel .LBB2_5-.Ltmp5, $4  }
0x65: {  	[sflag:s31] =	ssyncadd.s32 $0xFFFFF380  }
0x66: {  	_ =	swait.ge [sflag:s31], $0xC80  }
0x67: {  	[sflag:s31] =	ssyncset.done $0x0  }
0x68: {  	s18 =	simm.s32 $0x0;
	[sflag:s31] =	ssyncadd.s32 $0xFFFFF380  }
.LBB2_8:
0x69: {  	s18 =	sadd.s32 $0x1, s18  }
0x6a: {  	p0 =	sne.s32 s18, $0xC8  }
.Ltmp6:
0x6b: {  	_ = 	snop;
	(pc) =	sbr.rel @!p0 .LBB2_9-.Ltmp6, $1  }
0x6c: {  	_ =	sdelay $0x3  }
.LBB2_5:
0x6d: {  	s19 =	sshll.u32 s18, $0x4  }
0x6e: {  	v4 =	vld [tilespmem:s19+$0xC800];
	_ =	sdelay $0x7  }
0x6f: {  	[tilespmem:v4+s0+$0x0] =	vst.idx.msk $0xffff, v1  }
0x70: {  	v9 =	vld.idx.msk [tilespmem:v4+s0+$0x0], $0xffff;
	_ =	sdelay $0x3  }
0x71: {  	v5 =	vld [tilespmem:s19+$0xD480]  }
0x72: {  	v6 =	vld.idx.msk [tilespmem:v4+s2+$0x0], $0xffff;
	vm0 =	veq.s32 v9, v1  }
0x73: {  	v7 =	vsel vm0, $0x0, v2  }
0x74: {  	(xrf0) =	vmax.scan.msk.f32 $0xffff, v7;
	_ =	sdelay $0x2  }
0x75: {  	v6 =	vmax.f32 v6, v5  }
0x76: {  	[tilespmem:v4+s2+$0x0] =	vst.idx.msk vm0, v6  }
0x77: {  	v6 =	vld [tilespmem:s19+$0xE100]  }
0x78: {  	v7 =	vld.idx.msk [tilespmem:v4+s1+$0x0], $0xffff;
	v8, _, _ =	vpop (xrf0)  }
0x79: {  	(v2sf) =	vpush v8, $0xF;
	_ =	sdelay $0x3  }
0x7a: {  	v7 =	vmax.f32 v7, v6  }
0x7b: {  	[tilespmem:v4+s1+$0x0] =	vst.idx.msk vm0, v7  }
0x7c: {  	v7 =	vld [tilespmem:s19+$0xED80]  }
0x7d: {  	v8 =	vld.idx.msk [tilespmem:v4+s7+$0x0], $0xffff;
	_ =	sdelay $0x4  }
0x7e: {  	v8 =	vmax.f32 v8, v7  }
0x7f: {  	[tilespmem:v4+s7+$0x0] =	vst.idx.msk vm0, v8  }
0x80: {  	v8 =	vld [tilespmem:s19+$0xFA00]  }
0x81: {  	v10 =	vld.idx.msk [tilespmem:v4+s10+$0x0], $0xffff;
	s19 =	spop (v2sf)  }
0x82: {  	p0 =	sgt.f32 s19, $0.0e+00  }
.Ltmp7:
0x83: {  	_ = 	snop;
	(pc) =	sbr.rel @!p0 .LBB2_8-.Ltmp7, $3  }
0x84: {  	_ =	sdelay $0x1  }
0x85: {  	v10 =	vmax.f32 v10, v8  }
0x86: {  	[tilespmem:v4+s10+$0x0] =	vst.idx.msk vm0, v10  }
0x87: {  	vm0 =	vne.s32 v9, v1  }
.LBB2_7:
0x88: {  	[tilespmem:v4+s0+$0x0] =	vst.idx.msk vm0, v1  }
0x89: {  	v9 =	vld.idx.msk [tilespmem:v4+s0+$0x0], $0xffff;
	_ =	sdelay $0x4  }
0x8a: {  	vm1 =	veq.s32 v9, v1  }
0x8b: {  	vm1 =	vmand vm0, vm1  }
0x8c: {  	vm0 =	vmxor vm0, vm1  }
0x8d: {  	v10 =	vsel vm0, $0x3F800000, v3  }
0x8e: {  	(xrf0) =	vmax.scan.msk.f32 $0xffff, v10  }
0x8f: {  	v9 =	vld.idx.msk [tilespmem:v4+s2+$0x0], $0xffff;
	_ =	sdelay $0x4  }
0x90: {  	v9 =	vmax.f32 v9, v5;
	v10, _, _ =	vpop (xrf0)  }
0x91: {  	[tilespmem:v4+s2+$0x0] =	vst.idx.msk vm1, v9;
	(v2sf) =	vpush v10, $0xF  }
0x92: {  	v9 =	vld.idx.msk [tilespmem:v4+s1+$0x0], $0xffff;
	_ =	sdelay $0x4  }
0x93: {  	v9 =	vmax.f32 v9, v6  }
0x94: {  	[tilespmem:v4+s1+$0x0] =	vst.idx.msk vm1, v9  }
0x95: {  	v9 =	vld.idx.msk [tilespmem:v4+s7+$0x0], $0xffff;
	_ =	sdelay $0x4  }
0x96: {  	v9 =	vmax.f32 v9, v7  }
0x97: {  	[tilespmem:v4+s7+$0x0] =	vst.idx.msk vm1, v9  }
0x98: {  	v9 =	vld.idx.msk [tilespmem:v4+s10+$0x0], $0xffff;
	s19 =	spop (v2sf)  }
0x99: {  	p0 =	sgt.f32 s19, $0.0e+00  }
.Ltmp8:
0x9a: {  	_ = 	snop;
	(pc) =	sbr.rel @p0 .LBB2_7-.Ltmp8, $3  }
0x9b: {  	_ =	sdelay $0x1  }
0x9c: {  	v9 =	vmax.f32 v9, v8  }
0x9d: {  	[tilespmem:v4+s10+$0x0] =	vst.idx.msk vm1, v9  }
.Ltmp9:
0x9e: {  	_ = 	snop;
	(pc) =	sbr.rel .LBB2_8-.Ltmp9, $1  }
0x9f: {  	_ =	sdelay $0x3  }
.LBB2_9:
0xa0: {  	s18 =	sadd.s32 $0x1900, s17  }
0xa1: {  	s17 =	sadd.s32 s3, s18  }
0xa2: {  	s17 =	sshrl.u32 s17, $0x3  }
0xa3: {  	s19 =	sadd.s32 s4, s17;
	s17 =	simm.s32 $0x0  }
0xa4: {  	[tilespmem:s20], [sflag:$0x1] =	stream.linear.gather [hbm4b:s19+s17], $0xC80, $0x38;
	[tilespmem:$0x14500] =	vst v63  }
0xa5: {  	s19 =	sadd.s32 s6, s18  }
0xa6: {  	s19 =	sshrl.u32 s19, $0x3  }
0xa7: {  	s19 =	sadd.s32 s5, s19  }
0xa8: {  	[tilespmem:s21], [sflag:$0x1] =	stream.linear.gather [hbm4b:s19+s17], $0xC80, $0x38;
	[tilespmem:$0x14500] =	vst v63  }
0xa9: {  	s19 =	sadd.s32 s8, s18  }
0xaa: {  	s19 =	sshrl.u32 s19, $0x3  }
0xab: {  	s19 =	sadd.s32 s5, s19  }
0xac: {  	[tilespmem:s22], [sflag:$0x1] =	stream.linear.gather [hbm4b:s19+s17], $0xC80, $0x38;
	[tilespmem:$0x14500] =	vst v63  }
0xad: {  	s19 =	sadd.s32 s9, s18  }
0xae: {  	s18 =	sadd.s32 s12, s18;
	s19 =	sshrl.u32 s19, $0x3  }
0xaf: {  	s18 =	sshrl.u32 s18, $0x3;
	s19 =	sadd.s32 s5, s19  }
0xb0: {  	[tilespmem:s23], [sflag:$0x1] =	stream.linear.gather [hbm4b:s19+s17], $0xC80, $0x38;
	[tilespmem:$0x14500] =	vst v63  }
0xb1: {  	s18 =	sadd.s32 s5, s18  }
0xb2: {  	[tilespmem:s24], [sflag:$0x1] =	stream.linear.gather [hbm4b:s18+s17], $0xC80, $0x38;
	[tilespmem:$0x14500] =	vst v63  }
0xb3: {  	_ =	swait.ge [sflag:s11], $0xC80  }
0xb4: {  	[sflag:s11] =	ssyncset.done $0x0  }
0xb5: {  	[sflag:s11] =	ssyncadd.s32 $0xFFFFF380  }
0xb6: {  	_ =	swait.ge [sflag:s11], $0xC80  }
0xb7: {  	[sflag:s11] =	ssyncset.done $0x0  }
0xb8: {  	[sflag:s11] =	ssyncadd.s32 $0xFFFFF380  }
0xb9: {  	_ =	swait.ge [sflag:s11], $0xC80  }
0xba: {  	[sflag:s11] =	ssyncset.done $0x0  }
0xbb: {  	[sflag:s11] =	ssyncadd.s32 $0xFFFFF380  }
0xbc: {  	_ =	swait.ge [sflag:s11], $0xC80  }
.Ltmp10:
0xbd: {  	[sflag:s11] =	ssyncset.done $0x0;
	(pc) =	sbr.rel .LBB2_10-.Ltmp10, $4  }
0xbe: {  	[sflag:s11] =	ssyncadd.s32 $0xFFFFF380  }
0xbf: {  	_ =	swait.ge [sflag:s11], $0xC80  }
0xc0: {  	[sflag:s11] =	ssyncset.done $0x0  }
0xc1: {  	[sflag:s11] =	ssyncadd.s32 $0xFFFFF380  }
.LBB2_13:
0xc2: {  	s17 =	sadd.s32 $0x1, s17  }
0xc3: {  	p0 =	sne.s32 s17, $0xC8  }
.Ltmp11:
0xc4: {  	_ = 	snop;
	(pc) =	sbr.rel @!p0 .LBB2_14-.Ltmp11, $1  }
0xc5: {  	_ =	sdelay $0x3  }
.LBB2_10:
0xc6: {  	s18 =	sshll.u32 s17, $0x4  }
0xc7: {  	v4 =	vld [tilespmem:s18+$0x10680];
	_ =	sdelay $0x7  }
0xc8: {  	[tilespmem:v4+s0+$0x0] =	vst.idx.msk $0xffff, v1  }
0xc9: {  	v9 =	vld.idx.msk [tilespmem:v4+s0+$0x0], $0xffff;
	_ =	sdelay $0x3  }
0xca: {  	v5 =	vld [tilespmem:s18+$0x11300]  }
0xcb: {  	v6 =	vld.idx.msk [tilespmem:v4+s2+$0x0], $0xffff;
	vm0 =	veq.s32 v9, v1  }
0xcc: {  	v7 =	vsel vm0, $0x0, v2  }
0xcd: {  	(xrf0) =	vmax.scan.msk.f32 $0xffff, v7;
	_ =	sdelay $0x2  }
0xce: {  	v6 =	vmax.f32 v6, v5  }
0xcf: {  	[tilespmem:v4+s2+$0x0] =	vst.idx.msk vm0, v6  }
0xd0: {  	v6 =	vld [tilespmem:s18+$0x11F80]  }
0xd1: {  	v7 =	vld.idx.msk [tilespmem:v4+s1+$0x0], $0xffff;
	v8, _, _ =	vpop (xrf0)  }
0xd2: {  	(v2sf) =	vpush v8, $0xF;
	_ =	sdelay $0x3  }
0xd3: {  	v7 =	vmax.f32 v7, v6  }
0xd4: {  	[tilespmem:v4+s1+$0x0] =	vst.idx.msk vm0, v7  }
0xd5: {  	v7 =	vld [tilespmem:s18+$0x12C00]  }
0xd6: {  	v8 =	vld.idx.msk [tilespmem:v4+s7+$0x0], $0xffff;
	_ =	sdelay $0x4  }
0xd7: {  	v8 =	vmax.f32 v8, v7  }
0xd8: {  	[tilespmem:v4+s7+$0x0] =	vst.idx.msk vm0, v8  }
0xd9: {  	v8 =	vld [tilespmem:s18+$0x13880]  }
0xda: {  	v10 =	vld.idx.msk [tilespmem:v4+s10+$0x0], $0xffff;
	s19 =	spop (v2sf)  }
0xdb: {  	p0 =	sgt.f32 s19, $0.0e+00  }
.Ltmp12:
0xdc: {  	_ = 	snop;
	(pc) =	sbr.rel @!p0 .LBB2_13-.Ltmp12, $3  }
0xdd: {  	_ =	sdelay $0x1  }
0xde: {  	v10 =	vmax.f32 v10, v8  }
0xdf: {  	[tilespmem:v4+s10+$0x0] =	vst.idx.msk vm0, v10  }
0xe0: {  	vm0 =	vne.s32 v9, v1  }
.LBB2_12:
0xe1: {  	[tilespmem:v4+s0+$0x0] =	vst.idx.msk vm0, v1  }
0xe2: {  	v9 =	vld.idx.msk [tilespmem:v4+s0+$0x0], $0xffff;
	_ =	sdelay $0x4  }
0xe3: {  	vm1 =	veq.s32 v9, v1  }
0xe4: {  	vm1 =	vmand vm0, vm1  }
0xe5: {  	vm0 =	vmxor vm0, vm1  }
0xe6: {  	v10 =	vsel vm0, $0x3F800000, v3  }
0xe7: {  	(xrf0) =	vmax.scan.msk.f32 $0xffff, v10  }
0xe8: {  	v9 =	vld.idx.msk [tilespmem:v4+s2+$0x0], $0xffff;
	_ =	sdelay $0x4  }
0xe9: {  	v9 =	vmax.f32 v9, v5;
	v10, _, _ =	vpop (xrf0)  }
0xea: {  	[tilespmem:v4+s2+$0x0] =	vst.idx.msk vm1, v9;
	(v2sf) =	vpush v10, $0xF  }
0xeb: {  	v9 =	vld.idx.msk [tilespmem:v4+s1+$0x0], $0xffff;
	_ =	sdelay $0x4  }
0xec: {  	v9 =	vmax.f32 v9, v6  }
0xed: {  	[tilespmem:v4+s1+$0x0] =	vst.idx.msk vm1, v9  }
0xee: {  	v9 =	vld.idx.msk [tilespmem:v4+s7+$0x0], $0xffff;
	_ =	sdelay $0x4  }
0xef: {  	v9 =	vmax.f32 v9, v7  }
0xf0: {  	[tilespmem:v4+s7+$0x0] =	vst.idx.msk vm1, v9  }
0xf1: {  	v9 =	vld.idx.msk [tilespmem:v4+s10+$0x0], $0xffff;
	s18 =	spop (v2sf)  }
0xf2: {  	p0 =	sgt.f32 s18, $0.0e+00  }
.Ltmp13:
0xf3: {  	_ = 	snop;
	(pc) =	sbr.rel @p0 .LBB2_12-.Ltmp13, $3  }
0xf4: {  	_ =	sdelay $0x1  }
0xf5: {  	v9 =	vmax.f32 v9, v8  }
0xf6: {  	[tilespmem:v4+s10+$0x0] =	vst.idx.msk vm1, v9  }
.Ltmp14:
0xf7: {  	_ = 	snop;
	(pc) =	sbr.rel .LBB2_13-.Ltmp14, $1  }
0xf8: {  	_ =	sdelay $0x3  }
.LBB2_15:
0xf9: {  	_ =	swait.ge [sflag:s31], $0xC80  }
0xfa: {  	[sflag:s31] =	ssyncset.done $0x0  }
0xfb: {  	[sflag:s31] =	ssyncadd.s32 $0xFFFFF380  }
0xfc: {  	_ =	swait.ge [sflag:s31], $0xC80  }
0xfd: {  	[sflag:s31] =	ssyncset.done $0x0  }
0xfe: {  	[sflag:s31] =	ssyncadd.s32 $0xFFFFF380  }
0xff: {  	_ =	swait.ge [sflag:s31], $0xC80  }
0x100: {  	[sflag:s31] =	ssyncset.done $0x0  }
0x101: {  	[sflag:s31] =	ssyncadd.s32 $0xFFFFF380  }
0x102: {  	_ =	swait.ge [sflag:s31], $0xC80  }
.Ltmp15:
0x103: {  	[sflag:s31] =	ssyncset.done $0x0;
	(pc) =	sbr.rel .LBB2_16-.Ltmp15, $4  }
0x104: {  	[sflag:s31] =	ssyncadd.s32 $0xFFFFF380  }
0x105: {  	_ =	swait.ge [sflag:s31], $0xC80  }
0x106: {  	[sflag:s31] =	ssyncset.done $0x0  }
0x107: {  	s15 =	simm.s32 $0x0;
	[sflag:s31] =	ssyncadd.s32 $0xFFFFF380  }
.LBB2_19:
0x108: {  	s15 =	sadd.s32 $0x1, s15  }
0x109: {  	p0 =	sne.s32 s15, $0xC8  }
.Ltmp16:
0x10a: {  	_ = 	snop;
	(pc) =	sbr.rel @!p0 .LBB2_20-.Ltmp16, $1  }
0x10b: {  	_ =	sdelay $0x3  }
.LBB2_16:
0x10c: {  	s16 =	sshll.u32 s15, $0x4  }
0x10d: {  	v4 =	vld [tilespmem:s16+$0xC800];
	_ =	sdelay $0x7  }
0x10e: {  	[tilespmem:v4+s0+$0x0] =	vst.idx.msk $0xffff, v1  }
0x10f: {  	v9 =	vld.idx.msk [tilespmem:v4+s0+$0x0], $0xffff;
	_ =	sdelay $0x3  }
0x110: {  	v5 =	vld [tilespmem:s16+$0xD480]  }
0x111: {  	v6 =	vld.idx.msk [tilespmem:v4+s2+$0x0], $0xffff;
	vm0 =	veq.s32 v9, v1  }
0x112: {  	v7 =	vsel vm0, $0x0, v2  }
0x113: {  	(xrf0) =	vmax.scan.msk.f32 $0xffff, v7;
	_ =	sdelay $0x2  }
0x114: {  	v6 =	vmax.f32 v6, v5  }
0x115: {  	[tilespmem:v4+s2+$0x0] =	vst.idx.msk vm0, v6  }
0x116: {  	v6 =	vld [tilespmem:s16+$0xE100]  }
0x117: {  	v7 =	vld.idx.msk [tilespmem:v4+s1+$0x0], $0xffff;
	v8, _, _ =	vpop (xrf0)  }
0x118: {  	(v2sf) =	vpush v8, $0xF;
	_ =	sdelay $0x3  }
0x119: {  	v7 =	vmax.f32 v7, v6  }
0x11a: {  	[tilespmem:v4+s1+$0x0] =	vst.idx.msk vm0, v7  }
0x11b: {  	v7 =	vld [tilespmem:s16+$0xED80]  }
0x11c: {  	v8 =	vld.idx.msk [tilespmem:v4+s7+$0x0], $0xffff;
	_ =	sdelay $0x4  }
0x11d: {  	v8 =	vmax.f32 v8, v7  }
0x11e: {  	[tilespmem:v4+s7+$0x0] =	vst.idx.msk vm0, v8  }
0x11f: {  	v8 =	vld [tilespmem:s16+$0xFA00]  }
0x120: {  	v10 =	vld.idx.msk [tilespmem:v4+s10+$0x0], $0xffff;
	s19 =	spop (v2sf)  }
0x121: {  	p0 =	sgt.f32 s19, $0.0e+00  }
.Ltmp17:
0x122: {  	_ = 	snop;
	(pc) =	sbr.rel @!p0 .LBB2_19-.Ltmp17, $3  }
0x123: {  	_ =	sdelay $0x1  }
0x124: {  	v10 =	vmax.f32 v10, v8  }
0x125: {  	[tilespmem:v4+s10+$0x0] =	vst.idx.msk vm0, v10  }
0x126: {  	vm0 =	vne.s32 v9, v1  }
.LBB2_18:
0x127: {  	[tilespmem:v4+s0+$0x0] =	vst.idx.msk vm0, v1  }
0x128: {  	v9 =	vld.idx.msk [tilespmem:v4+s0+$0x0], $0xffff;
	_ =	sdelay $0x4  }
0x129: {  	vm1 =	veq.s32 v9, v1  }
0x12a: {  	vm1 =	vmand vm0, vm1  }
0x12b: {  	vm0 =	vmxor vm0, vm1  }
0x12c: {  	v10 =	vsel vm0, $0x3F800000, v3  }
0x12d: {  	(xrf0) =	vmax.scan.msk.f32 $0xffff, v10  }
0x12e: {  	v9 =	vld.idx.msk [tilespmem:v4+s2+$0x0], $0xffff;
	_ =	sdelay $0x4  }
0x12f: {  	v9 =	vmax.f32 v9, v5;
	v10, _, _ =	vpop (xrf0)  }
0x130: {  	[tilespmem:v4+s2+$0x0] =	vst.idx.msk vm1, v9;
	(v2sf) =	vpush v10, $0xF  }
0x131: {  	v9 =	vld.idx.msk [tilespmem:v4+s1+$0x0], $0xffff;
	_ =	sdelay $0x4  }
0x132: {  	v9 =	vmax.f32 v9, v6  }
0x133: {  	[tilespmem:v4+s1+$0x0] =	vst.idx.msk vm1, v9  }
0x134: {  	v9 =	vld.idx.msk [tilespmem:v4+s7+$0x0], $0xffff;
	_ =	sdelay $0x4  }
0x135: {  	v9 =	vmax.f32 v9, v7  }
0x136: {  	[tilespmem:v4+s7+$0x0] =	vst.idx.msk vm1, v9  }
0x137: {  	v9 =	vld.idx.msk [tilespmem:v4+s10+$0x0], $0xffff;
	s16 =	spop (v2sf)  }
0x138: {  	p0 =	sgt.f32 s16, $0.0e+00  }
.Ltmp18:
0x139: {  	_ = 	snop;
	(pc) =	sbr.rel @p0 .LBB2_18-.Ltmp18, $3  }
0x13a: {  	_ =	sdelay $0x1  }
0x13b: {  	v9 =	vmax.f32 v9, v8  }
0x13c: {  	[tilespmem:v4+s10+$0x0] =	vst.idx.msk vm1, v9  }
.Ltmp19:
0x13d: {  	_ = 	snop;
	(pc) =	sbr.rel .LBB2_19-.Ltmp19, $1  }
0x13e: {  	_ =	sdelay $0x3  }
.LBB2_21:
0x13f: {  	_ =	sfence.sel $0x180000  }
0x140: {  	[bflag:$0x0] =	sbarrier.arrive $0xFFFF  }
0x141: {  	_ =	strace $0x9000004A  }
0x142: {  	s0 =	stileid.u32;
	[bflag:$0x2] =	sbarrier.arrive $0xFFFF  }
0x143: {  	p0 =	sne.s32 s0, $0x0;
	s0 =	rddreg [dreg:$0x1]  }
0x144: {  	s0 =	sadd.s32 @!p0 $0x100000, s0  }
0x145: {  	[sflag:s0] =	ssyncadd.tile.s32 @!p0 $0x1;
	_ =	shalt  }
.Lfunc_end2:
_tile_overlayer_lowered:
.L_overlay_start_2:
0x146: {  	(tag) =	ssettag $0x2  }
0x147: {  	s0 =	rddreg [dreg:$0x0];
	s2 =	stileid.u32  }
0x148: {  	s1 =	rddreg [dreg:$0x1];
	p0 =	sne.s32 s2, $0x0  }
0x149: {  	s3 =	rddreg [dreg:$0x2];
	[bflag:$0x3] =	sbarrier.arrive $0xFFFF;
	s2 =	simm.s32 @!p0 $0x1C03  }
0x14a: {  	[timem:s3], [sflag:s2] =	dma.local @!p0 [hbm:s0], s1  }
0x14b: {  	s0 =	simm.s32 @!p0 $0x3  }
0x14c: {  	_ =	swait.ge @!p0 [sflag:s0], s1  }
0x14d: {  	s1 =	ssub.s32 @!p0 $0x0, s1;
	[sflag:s0] =	ssyncset.done @!p0 $0x0  }
0x14e: {  	[sflag:s0] =	ssyncadd.s32 @!p0 s1  }
0x14f: {  	[bflag:$0x3] =	sbarrier.arrive $0xFFFF  }
0x150: {  	_ =	shalt  }

// kernel: kernel.8.cloned.1.call-start
scs
__scs_entry_jumppad:
0x0: {  	(pc) =	sbr.rel $0x88, $3  }
0x1: {  	(tag) =	ssettag $0x0;
	lr =	simm.s32 $0x1  }
0x2: {  	[smem:$0x3F91] =	sst lr;
	_ =	strace $0xD0000000  }
0x3: {  	_ = 	snop  }
0x4: {  	_ = 	snop  }
0x5: {  	_ = 	snop  }
0x6: {  	_ = 	snop  }
0x7: {  	_ = 	snop  }
__scs_overlays_trampoline_lowered:
0x8: {  	[smem:$0x3FA0] =	sst s0  }
0x9: {  	[smem:$0x3FA1] =	sst s1  }
0xa: {  	[smem:$0x3FA2] =	sst s2  }
0xb: {  	[smem:$0x3FA3] =	sst s3  }
0xc: {  	[smem:$0x3FA4] =	sst s4  }
0xd: {  	[smem:$0x3FA5] =	sst s5  }
0xe: {  	[smem:$0x3FA6] =	sst s6  }
0xf: {  	[smem:$0x3FA7] =	sst s7  }
0x10: {  	[smem:$0x3FA8] =	sst s8  }
0x11: {  	[smem:$0x3FA9] =	sst s9;
	s0 =	simm.s32 @!p0 $0x0  }
0x12: {  	s1 =	sld [smem:$0x3F8F];
	s0 =	simm.s32 @p0 $0x1  }
0x13: {  	[smem:$0x3FAA] =	sst s0;
	s0 =	simm.s32 @!p1 $0x0  }
0x14: {  	s2 =	sld [smem:$0x3F8E];
	s0 =	simm.s32 @p1 $0x1  }
0x15: {  	[smem:$0x3FAB] =	sst s0;
	s0 =	simm.s32 @!p2 $0x0  }
0x16: {  	s3 =	sld [smem:$0x3FDB];
	s0 =	simm.s32 @p2 $0x1  }
0x17: {  	s4 =	simm.s32 $0x1BF5;
	[smem:$0x3FAD] =	sst s0  }
0x18: {  	s0 =	sld [smem:$0x3F90];
	_ =	swait.ge [sflag:s4], $0x0  }
0x19: {  	s7 =	sld [smem:$0x3F91]  }
0x1a: {  	s8 =	sadd.s32 $0xFFFFE003, lr  }
0x1b: {  	s9 =	sadd.s32 $0xFFFFFEF7, lr;
	s5 =	simm.s32 $0xFFFFFFFF;
	p2 =	slt.u32 s8, $0xFFFFF086  }
0x1c: {  	p1 =	slt.u32 s9, $0xF7A;
	s5 =	simm.s32 @!p2 $0x0  }
0x1d: {  	s5 =	simm.s32 @p1 $0x1;
	p0 =	seq.s32 s7, s2  }
0x1e: {  	s7 =	smul.u32 @!p0 $0xF7A, s2;
	p2 =	seq.s32 @!p0 s5, $0x0  }
0x1f: {  	s9 =	smul.u32 $0xF7A, s1;
	s8 =	simm.s32 @!p0 $0x1BF5;
	p2 =	por !p2, p0  }
0x20: {  	[sflag:s8] =	ssyncset.s32 @!p0 $0xFFFFF086;
	s6 =	sadd.s32 @!p0 s3, s7;
	s7 =	simm.s32 @!p0 $0x108  }
0x21: {  	s3 =	sadd.s32 s3, s9;
	s6 =	sadd.s32 @!p0 $0x88, s6;
	s7 =	simm.s32 @p2 $0x1082  }
0x22: {  	[simem:s7], [sflag:s8] =	dma.local @!p0 [hbm:s6], $0xF7A  }
0x23: {  	s9 =	sor.u32 $0xD0000000, s2;
	s6 =	simm.s32 $0x108;
	_ =	swait.ge @!p0 [sflag:s8], $0x0  }
0x24: {  	s3 =	sadd.s32 $0x88, s3;
	s6 =	simm.s32 @!p1 $0x1082;
	[sflag:s4] =	ssyncset.s32 $0xFFFFF086  }
0x25: {  	[simem:s6], [sflag:s4] =	dma.local [hbm:s3], $0xF7A  }
0x26: {  	[smem:$0x3F91] =	sst s1;
	(tag) =	ssettag s2;
	_ =	strace s9  }
0x27: {  	s1 =	sld [smem:$0x3FA1]  }
0x28: {  	s2 =	sld [smem:$0x3FA2]  }
0x29: {  	s4 =	sld [smem:$0x3FA4]  }
0x2a: {  	p0 =	seq.s32 s5, $0x0;
	s5 =	sld [smem:$0x3FA5]  }
0x2b: {  	s6 =	sld [smem:$0x3FA6]  }
0x2c: {  	s7 =	sld [smem:$0x3FA7]  }
0x2d: {  	s3 =	simm.s32 $0x108;
	s8 =	sld [smem:$0x3FA8]  }
0x2e: {  	s3 =	simm.s32 @!p0 $0x1082;
	s9 =	sld [smem:$0x3FA9]  }
0x2f: {  	lr =	sadd.s32 s0, s3;
	s0 =	sld [smem:$0x3FA0]  }
0x30: {  	s3 =	sld [smem:$0x3FA3]  }
0x31: {  	[smem:$0x3FAC] =	sst s10  }
0x32: {  	s10 =	sld [smem:$0x3FAA];
	_ =	sdelay $0x3  }
0x33: {  	p0 =	seq.s32 s10, $0x1;
	s10 =	sld [smem:$0x3FAC];
	_ =	sdelay $0x3  }
0x34: {  	[smem:$0x3FAC] =	sst s10  }
0x35: {  	s10 =	sld [smem:$0x3FAB];
	_ =	sdelay $0x3  }
0x36: {  	p1 =	seq.s32 s10, $0x1;
	s10 =	sld [smem:$0x3FAC];
	_ =	sdelay $0x3  }
0x37: {  	[smem:$0x3FAC] =	sst s10  }
0x38: {  	s10 =	sld [smem:$0x3FAD]  }
0x39: {  	_ = 	snop;
	(pc) =	sbr.ind lr, $3  }
0x3a: {  	_ = 	snop  }
0x3b: {  	_ = 	snop  }
0x3c: {  	p2 =	seq.s32 s10, $0x1;
	s10 =	sld [smem:$0x3FAC]  }
0x3d: {  	_ =	shalt  }
0x3e: {  	_ =	shalt  }
0x3f: {  	_ =	shalt  }
0x40: {  	_ =	shalt  }
0x41: {  	_ =	shalt  }
0x42: {  	_ =	shalt  }
0x43: {  	_ =	shalt  }
0x44: {  	_ =	shalt  }
0x45: {  	_ =	shalt  }
0x46: {  	_ =	shalt  }
0x47: {  	_ =	shalt  }
0x48: {  	_ =	shalt  }
0x49: {  	_ =	shalt  }
0x4a: {  	_ =	shalt  }
0x4b: {  	_ =	shalt  }
0x4c: {  	_ =	shalt  }
0x4d: {  	_ =	shalt  }
0x4e: {  	_ =	shalt  }
0x4f: {  	_ =	shalt  }
0x50: {  	_ =	shalt  }
0x51: {  	_ =	shalt  }
0x52: {  	_ =	shalt  }
0x53: {  	_ =	shalt  }
0x54: {  	_ =	shalt  }
0x55: {  	_ =	shalt  }
0x56: {  	_ =	shalt  }
0x57: {  	_ =	shalt  }
0x58: {  	_ =	shalt  }
0x59: {  	_ =	shalt  }
0x5a: {  	_ =	shalt  }
0x5b: {  	_ =	shalt  }
0x5c: {  	_ =	shalt  }
0x5d: {  	_ =	shalt  }
0x5e: {  	_ =	shalt  }
0x5f: {  	_ =	shalt  }
0x60: {  	_ =	shalt  }
0x61: {  	_ =	shalt  }
0x62: {  	_ =	shalt  }
0x63: {  	_ =	shalt  }
0x64: {  	_ =	shalt  }
0x65: {  	_ =	shalt  }
0x66: {  	_ =	shalt  }
0x67: {  	_ =	shalt  }
0x68: {  	_ =	shalt  }
0x69: {  	_ =	shalt  }
0x6a: {  	_ =	shalt  }
0x6b: {  	_ =	shalt  }
0x6c: {  	_ =	shalt  }
0x6d: {  	_ =	shalt  }
0x6e: {  	_ =	shalt  }
0x6f: {  	_ =	shalt  }
0x70: {  	_ =	shalt  }
0x71: {  	_ =	shalt  }
0x72: {  	_ =	shalt  }
0x73: {  	_ =	shalt  }
0x74: {  	_ =	shalt  }
0x75: {  	_ =	shalt  }
0x76: {  	_ =	shalt  }
0x77: {  	_ =	shalt  }
0x78: {  	_ =	shalt  }
0x79: {  	_ =	shalt  }
0x7a: {  	_ =	shalt  }
0x7b: {  	_ =	shalt  }
0x7c: {  	_ =	shalt  }
0x7d: {  	_ =	shalt  }
0x7e: {  	_ =	shalt  }
0x7f: {  	_ =	shalt  }
0x80: {  	_ =	shalt  }
0x81: {  	_ =	shalt  }
0x82: {  	_ =	shalt  }
0x83: {  	_ =	shalt  }
0x84: {  	_ =	shalt  }
0x85: {  	_ =	shalt  }
0x86: {  	_ =	shalt  }
0x87: {  	_ =	shalt  }
.Lfunc_end0:
.L_simem_size_0:
called_computation_lowered:
.L_overlay_start_0:
0x88: {  	s2 =	sld [smem:$0x3FD9]  }
0x89: {  	s3 =	sld [smem:$0x3FFE];
	_ =	sdelay $0x1  }
0x8a: {  	s1 =	srdreg.scid  }
0x8b: {  	s0 =	sand.u32 $0x1, s1  }
0x8c: {  	s17 =	sshll.u32 s0, $0xA;
	s2 =	sadd.s32 s3, s2  }
0x8d: {  	s2 =	sadd.s32 s2, s17  }
0x8e: {  	[smem:$0x3FB8] =	sst s2  }
0x8f: {  	_ = 	snop  }
0x90: {  	s2 =	sld [smem:$0x3FD0];
	(tm) =	ssettm $0x1  }
0x91: {  	s18 =	sld [smem:$0x3FFB];
	_ =	sdelay $0x3  }
0x92: {  	_ =	strace s18  }
0x93: {  	s3 =	sld [smem:$0x3FFC];
	_ =	sdelay $0x3  }
0x94: {  	_ =	strace s3  }
0x95: {  	s3 =	sld [smem:$0x3FFD];
	_ =	sdelay $0x3  }
0x96: {  	_ =	strace s3  }
0x97: {  	_ =	strace $0x8FFFFFFF  }
0x98: {  	s19 =	sld [smem:$0x3FDB];
	_ =	sdelay $0x1  }
0x99: {  	s4 =	simm.s32 $_scs_section_size  }
0x9a: {  	s5 =	simm.s32 $_size__tile_overlayer_lowered;
	s6 =	simm.s32 $_tile_overlayer_lowered  }
0x9b: {  	s22 =	simm.s32 $0x1BFF;
	s21 =	sshll.u32 s6, $0x1;
	s3 =	sadd.s32 s4, s19  }
0x9c: {  	s7 =	simm.s32 $0x0;
	s20 =	sshll.u32 s5, $0x1;
	s5 =	sadd.s32 s21, s3  }
0x9d: {  	[timem:s7], [sflag:s22] =	dma.local [hbm:s5], s20  }
0x9e: {  	_ =	swait.ge [sflag:s22], s20  }
0x9f: {  	s4 =	ssub.s32 $0x0, s20;
	[sflag:s22] =	ssyncset.done $0x0  }
0xa0: {  	[sflag:s22] =	ssyncadd.s32 s4;
	_ =	sdelay $0x1  }
0xa1: {  	s23 =	simm.s32 $0x1B8B  }
0xa2: {  	_ =	swait.ge [sflag:s23], $0x1  }
0xa3: {  	[sflag:s23] =	ssyncset.done $0x0  }
0xa4: {  	s25 =	simm.s32 $0x1B8E;
	s24 =	sld [smem:$0x3FFE];
	[sflag:s23] =	ssyncadd.s32 $0xFFFFFFFF  }
0xa5: {  	s26 =	simm.s32 $execute0_lowered;
	[smem:$0x3FD2] =	sst s25  }
0xa6: {  	s5 =	sshll.u32 s26, $0x1;
	_ =	strace $0x80000046;
	[dreg:$0x1] =	wrdreg $0xFFFFFFFF  }
0xa7: {  	s28 =	simm.s32 $_size_execute0_lowered;
	s3 =	sadd.s32 s3, s5;
	[dreg:$0x0] =	wrdreg $0x0  }
0xa8: {  	s5 =	sshll.u32 s28, $0x1;
	[dreg:$0x2] =	wrdreg s3  }
0xa9: {  	[dreg:$0x3] =	wrdreg s5  }
0xaa: {  	[dreg:$0x4] =	wrdreg $0xC0  }
0xab: {  	_ =	task [dreg:s7], $0x5FFFF  }
0xac: {  	[dreg:$0x1] =	wrdreg $0xFFFFFFFF  }
0xad: {  	[dreg:$0x0] =	wrdreg $0x60  }
0xae: {  	[dreg:$0x2] =	wrdreg s24  }
0xaf: {  	[dreg:$0x3] =	wrdreg s2  }
0xb0: {  	[dreg:$0x4] =	wrdreg $0x9  }
0xb1: {  	_ =	task.clear_ibuf [dreg:s7], $0x5FFFF;
	_ =	strace $0x90000046  }
0xb2: {  	s29 =	simm.s32 $0x9;
	_ =	strace $0x80000048  }
0xb3: {  	_ =	swait.ge [sflag:s29], $0x1  }
0xb4: {  	[sflag:s29] =	ssyncadd.s32 $0xFFFFFFFF  }
0xb5: {  	_ =	strace $0x90000048  }
0xb6: {  	_ =	sfence  }
0xb7: {  	s30 =	sld [smem:$0x0];
	_ =	sdelay $0x2  }
0xb8: {  	s31 =	sshll.u32 s1, $0xD;
	s1 =	sshrl.u32 s1, $0x2  }
0xb9: {  	s3 =	sand.u32 $0x4000, s31;
	s1 =	sadd.s32 s1, s30  }
0xba: {  	s0 =	sor.u32 s3, s0;
	s1 =	sshll.u32 s1, $0x11  }
0xbb: {  	s0 =	sor.u32 s1, s0  }
0xbc: {  	s0 =	sadd.s32 $0x8F2B, s0  }
0xbd: {  	[sflag:s0] =	ssyncadd.remote.s32 $0x1  }
0xbe: {  	_ =	sfence.sel $0xFFFF  }
0xbf: {  	[dreg:$0x0] =	wrdreg $0xFFFFFFFF;
	(pc) =	sbr.abs _section_cstart, $3  }
0xc0: {  	[dreg:$0x1] =	wrdreg $0xFFFFFFFF  }
0xc1: {  	_ =	task.clear_ibuf [dreg:s7], $0x2FFFF;
	_ =	strace $0x9FFFFFFF  }
0xc2: {  	(tm) =	ssettm $0x7FFFFFFF  }
0xc3: {  	_ =	shalt  }
tec
execute0_lowered:
.L_overlay_start_1:
0x0: {  	(tag) =	ssettag $0x1  }
0x1: {  	s0 =	rddreg [dreg:$0x0]  }
0x2: {  	s1 =	rddreg [dreg:$0x1];
	s2 =	simm.s32 $0x0;
	s3 =	srdreg.scid  }
0x3: {  	s4 =	stileid.u32;
	s12 =	simm.s32 $0x6;
	s17 =	simm.s32 $0xFE80  }
0x4: {  	s18 =	simm.s32 $0x10380;
	s19 =	simm.s32 $0x10880;
	s20 =	simm.s32 $0x10D80  }
0x5: {  	s21 =	simm.s32 $0x1;
	s22 =	simm.s32 $0x11280;
	s23 =	simm.s32 $0x13A80  }
0x6: {  	s24 =	simm.s32 $0x15380;
	s25 =	simm.s32 $0x2;
	s28 =	simm.s32 $0x3  }
0x7: {  	s29 =	simm.s32 $0x5;
	s30 =	simm.s32 $0x18580;
	[smem:$0x7FF] =	sst s2  }
0x8: {  	s3 =	sand.u32 $0x1, s3;
	s5 =	sshll.u32 s4, $0x1;
	s26 =	sadd.s32 $0x13E00, s0  }
0x9: {  	s4 =	sadd.s32 $0x200, s0;
	s6 =	sadd.s32 $0xA000, s0;
	s5 =	sor.u32 s3, s5  }
0xa: {  	s7 =	sadd.s32 $0x14E400, s0;
	s3 =	ssub.s32 $0x2, s3;
	s9 =	smul.u32 $0x500, s5  }
0xb: {  	s8 =	sadd.s32 $0x15C00, s0;
	_ =	strace $0x80000047;
	s31 =	sshrl.u32 s3, $0x1  }
0xc: {  	[dreg:$0x3] =	wrdreg s26;
	s0 =	ssub.s32 s3, s31;
	s1 =	sadd.s32 s1, s9  }
0xd: {  	s26 =	simm.s32 $0x16C80;
	s0 =	smax.u32 s0, $0x1;
	[dreg:$0x4] =	wrdreg s1  }
0xe: {  	s10 =	smul.u32 $0x4E200, s5;
	[dreg:$0x5] =	wrdreg s0;
	s1 =	simm.s32 $0x0  }
.LBB2_1:
0xf: {  	[dreg:$0x6] =	wrdreg s1  }
.Ltmp0:
0x10: {  	s0 =	rddreg [dreg:$0x3];
	(pc) =	sbr.rel .LBB2_2-.Ltmp0, $4  }
0x11: {  	[tilespmem:s2], [sflag:$0x6] =	stream.linear.gather [hbm4b:s0+s2], $0xEA80, $0x38;
	[tilespmem:$0x19E80] =	vst v63  }
0x12: {  	_ =	swait.ge [sflag:s12], $0xEA80  }
0x13: {  	[sflag:s12] =	ssyncset.done $0x0  }
0x14: {  	s1 =	simm.s32 $0x0;
	[sflag:s12] =	ssyncadd.s32 $0xFFFF1580  }
.LBB2_6:
0x15: {  	s1 =	sadd.s32 $0x1, s1  }
0x16: {  	p0 =	sne.s32 s1, $0x8  }
.Ltmp1:
0x17: {  	_ = 	snop;
	(pc) =	sbr.rel @!p0 .LBB2_7-.Ltmp1, $1  }
0x18: {  	_ =	sdelay $0x3  }
.LBB2_2:
0x19: {  	s0 =	sshll.u32 s1, $0x5  }
0x1a: {  	s0 =	sor.u32 s5, s0  }
0x1b: {  	p0 =	sgt.u32 s0, $0xF9  }
.Ltmp2:
0x1c: {  	_ = 	snop;
	(pc) =	sbr.rel @p0 .LBB2_6-.Ltmp2, $1  }
0x1d: {  	_ =	sdelay $0x3  }
0x1e: {  	s0 =	smul.u32 $0x500, s0;
	_ =	sdelay $0x1  }
0x1f: {  	s3 =	sshrl.u32 s0, $0x3  }
0x20: {  	s9 =	simm.s32 $0xEA80;
	s0 =	sadd.s32 s4, s3  }
0x21: {  	[tilespmem:s9], [sflag:$0x6] =	stream.linear.gather [hbm4b:s0+s2], $0x500, $0x38;
	[tilespmem:$0x19E80] =	vst v63  }
0x22: {  	_ =	swait.ge [sflag:s12], $0x500  }
0x23: {  	[sflag:s12] =	ssyncset.done $0x0  }
0x24: {  	s16 =	simm.s32 $0xEF80;
	s15 =	sadd.s32 s6, s3;
	[sflag:s12] =	ssyncadd.s32 $0xFFFFFB00  }
0x25: {  	[tilespmem:s16], [sflag:$0x6] =	stream.linear.gather [hbm4b:s15+s2], $0x500, $0x38;
	[tilespmem:$0x19E80] =	vst v63  }
0x26: {  	_ =	swait.ge [sflag:s12], $0x500  }
0x27: {  	p0 =	seq.s32 s1, $0x0;
	[sflag:s12] =	ssyncset.done $0x0  }
0x28: {  	s0 =	simm.s32 @!p0 $0x1;
	[sflag:s12] =	ssyncadd.s32 $0xFFFFFB00  }
0x29: {  	_ =	swait.ge @!p0 [sflag:s0], $0x500  }
0x2a: {  	[sflag:s0] =	ssyncset.done @!p0 $0x0  }
0x2b: {  	[sflag:s0] =	ssyncadd.s32 @!p0 $0xFFFFFB00  }
0x2c: {  	_ =	swait.ge @!p0 [sflag:s0], $0x500  }
0x2d: {  	[sflag:s0] =	ssyncset.done @!p0 $0x0  }
0x2e: {  	[sflag:s0] =	ssyncadd.s32 @!p0 $0xFFFFFB00  }
0x2f: {  	_ =	swait.ge @!p0 [sflag:s0], $0x500  }
0x30: {  	[sflag:s0] =	ssyncset.done @!p0 $0x0  }
0x31: {  	[sflag:s0] =	ssyncadd.s32 @!p0 $0xFFFFFB00  }
0x32: {  	_ =	swait.ge @!p0 [sflag:s0], $0x500  }
0x33: {  	[sflag:s0] =	ssyncset.done @!p0 $0x0  }
0x34: {  	[sflag:s0] =	ssyncadd.s32 @!p0 $0xFFFFFB00  }
0x35: {  	_ =	swait.ge @!p0 [sflag:s0], $0x500  }
0x36: {  	[sflag:s0] =	ssyncset.done @!p0 $0x0  }
0x37: {  	[sflag:s0] =	ssyncadd.s32 @!p0 $0xFFFFFB00  }
0x38: {  	_ =	swait.ge @!p0 [sflag:s0], $0x500  }
0x39: {  	[sflag:s0] =	ssyncset.done @!p0 $0x0  }
0x3a: {  	s31 =	simm.s32 $0xEF80;
	[sflag:s0] =	ssyncadd.s32 @!p0 $0xFFFFFB00  }
0x3b: {  	s13 =	simm.s32 $0xF480;
	s0 =	simm.s32 $0xEA80;
	v0 =	vld [tilespmem:s31+$0x0]  }
0x3c: {  	s14 =	simm.s32 $0x10;
	s11 =	simm.s32 $0xF480;
	s9 =	simm.s32 $0x0;
	v1 =	vld [tilespmem:s0+$0x0]  }
.LBB2_4:
0x3d: {  	s0 =	sadd.s32 $0x10, s0;
	s31 =	sadd.s32 $0x10, s31;
	s13 =	sadd.s32 $0x10, s13  }
0x3e: {  	p0 =	sne.s32 s14, $0x4F0;
	s15 =	smov.u32 s14;
	s14 =	sadd.s32 $0x10, s14  }
0x3f: {  	_ = 	snop  }
0x40: {  	v2 =	vadd.s32 $0x2710, v0;
	v3 =	vadd.s32 $0x4E20, v0  }
0x41: {  	v5 =	vadd.s32 $0x7530, v0;
	v6 =	vadd.s32 $0x9C40, v0;
	v4 =	vadd.s32 $0x2710, v1  }
0x42: {  	v7 =	vadd.s32 $0x4E20, v1;
	v8 =	vadd.s32 $0x7530, v1;
	v9 =	vadd.s32 $0x9C40, v1  }
0x43: {  	v10 =	vadd.s32 $0xC350, v1;
	v11 =	vld.idx.msk [tilespmem:v0+s2+$0x0], $0xffff  }
0x44: {  	v1 =	vld.idx.msk [tilespmem:v1+s2+$0x0], $0xffff  }
0x45: {  	v2 =	vld.idx.msk [tilespmem:v2+s2+$0x0], $0xffff  }
0x46: {  	v0 =	vadd.s32 $0xC350, v0;
	v5 =	vld.idx.msk [tilespmem:v5+s2+$0x0], $0xffff  }
0x47: {  	v4 =	vld.idx.msk [tilespmem:v4+s2+$0x0], $0xffff  }
0x48: {  	v6 =	vld.idx.msk [tilespmem:v6+s2+$0x0], $0xffff  }
0x49: {  	v7 =	vld.idx.msk [tilespmem:v7+s2+$0x0], $0xffff  }
0x4a: {  	v1 =	vsub.f32 v1, v11;
	v3 =	vld.idx.msk [tilespmem:v3+s2+$0x0], $0xffff  }
0x4b: {  	v0 =	vld.idx.msk [tilespmem:v0+s2+$0x0], $0xffff  }
0x4c: {  	v11 =	vmul.f32 v5, v1  }
0x4d: {  	v2 =	vsub.f32 v4, v2;
	v4 =	vmul.f32 v1, v1;
	v9 =	vld.idx.msk [tilespmem:v9+s2+$0x0], $0xffff  }
0x4e: {  	v12 =	vmul.f32 v5, v5;
	v13 =	vmul.f32 v6, v6;
	v8 =	vld.idx.msk [tilespmem:v8+s2+$0x0], $0xffff  }
0x4f: {  	v14 =	vmul.f32 v2, v2;
	v15 =	vmul.f32 v6, v2  }
0x50: {  	v3 =	vsub.f32 v7, v3;
	v10 =	vld.idx.msk [tilespmem:v10+s2+$0x0], $0xffff  }
0x51: {  	v7 =	vadd.f32 v13, v12;
	v4 =	vadd.f32 v14, v4;
	v12 =	vmul.f32 v0, v0  }
0x52: {  	v13 =	vmul.f32 v3, v3;
	v14 =	vmul.f32 v0, v3  }
0x53: {  	v11 =	vadd.f32 v15, v11;
	v2 =	vmul.f32 v2, v9;
	v7 =	vadd.f32 v12, v7  }
0x54: {  	v12 =	vmul.f32 v9, v9;
	v4 =	vadd.f32 v13, v4;
	v1 =	vmul.f32 v1, v8  }
0x55: {  	v11 =	vadd.f32 v14, v11;
	v5 =	vmul.f32 v5, v8;
	v8 =	vmul.f32 v8, v8  }
0x56: {  	s16 =	sand.u32 $0x7F0, s9;
	s9 =	smov.u32 s15;
	v1 =	vadd.f32 v2, v1;
	v2 =	vmul.f32 v3, v10;
	v3 =	vmul.f32 v6, v9;
	[tilespmem:s11+$0x0] =	vst v4;
	s11 =	smov.u32 s13  }
0x57: {  	v0 =	vmul.f32 v0, v10;
	v6 =	vmul.f32 v10, v10;
	v4 =	vadd.f32 v12, v8;
	[tilespmem:s16+$0xF980] =	vst v11  }
0x58: {  	v1 =	vadd.f32 v2, v1;
	v2 =	vadd.f32 v3, v5;
	[tilespmem:s16+$0x10880] =	vst v7  }
0x59: {  	v3 =	vadd.f32 v6, v4  }
.Ltmp3:
0x5a: {  	v0 =	vadd.f32 v0, v2;
	[tilespmem:s16+$0xFE80] =	vst v1;
	(pc) =	sbr.rel @p0 .LBB2_4-.Ltmp3, $4  }
0x5b: {  	[tilespmem:s16+$0x10D80] =	vst v3  }
0x5c: {  	[tilespmem:s16+$0x10380] =	vst v0  }
0x5d: {  	v0 =	vld [tilespmem:s31+$0x0]  }
0x5e: {  	v1 =	vld [tilespmem:s0+$0x0]  }
0x5f: {  	_ =	sdelay $0x3  }
0x60: {  	v2 =	vadd.s32 $0x2710, v0  }
0x61: {  	v3 =	vadd.s32 $0x7530, v0  }
0x62: {  	v5 =	vadd.s32 $0x9C40, v0  }
0x63: {  	v6 =	vld.idx.msk [tilespmem:v0+s2+$0x0], $0xffff;
	v9 =	vadd.s32 $0x4E20, v0  }
0x64: {  	v47 =	vadd.s32 $0xC350, v0;
	v8 =	vld.idx.msk [tilespmem:v1+s2+$0x0], $0xffff  }
0x65: {  	v4 =	vadd.s32 $0x2710, v1;
	v2 =	vld.idx.msk [tilespmem:v2+s2+$0x0], $0xffff  }
0x66: {  	v7 =	vadd.s32 $0x4E20, v1;
	v3 =	vld.idx.msk [tilespmem:v3+s2+$0x0], $0xffff  }
0x67: {  	v11 =	vadd.s32 $0x7530, v1;
	v5 =	vld.idx.msk [tilespmem:v5+s2+$0x0], $0xffff  }
0x68: {  	v10 =	vadd.s32 $0x9C40, v1;
	v9 =	vld.idx.msk [tilespmem:v9+s2+$0x0], $0xffff  }
0x69: {  	v0 =	vld.idx.msk [tilespmem:v47+s2+$0x0], $0xffff  }
0x6a: {  	v4 =	vld.idx.msk [tilespmem:v4+s2+$0x0], $0xffff  }
0x6b: {  	v7 =	vld.idx.msk [tilespmem:v7+s2+$0x0], $0xffff  }
0x6c: {  	v50 =	vld.idx.msk [tilespmem:v11+s2+$0x0], $0xffff  }
0x6d: {  	v48 =	vadd.s32 $0xC350, v1;
	v6 =	vsub.f32 v8, v6;
	v49 =	vld.idx.msk [tilespmem:v10+s2+$0x0], $0xffff;
	_ =	sdelay $0x1  }
0x6e: {  	v8 =	vmul.f32 v6, v6;
	v12 =	vmul.f32 v3, v3  }
0x6f: {  	v13 =	vmul.f32 v5, v5;
	v52 =	vmul.f32 v3, v6;
	v2 =	vsub.f32 v4, v2  }
0x70: {  	v54 =	vmul.f32 v0, v0;
	v6 =	vmul.f32 v6, v50  }
0x71: {  	v1 =	vld.idx.msk [tilespmem:v48+s2+$0x0], $0xffff;
	v7 =	vsub.f32 v7, v9;
	v56 =	vmul.f32 v49, v49;
	v51 =	vmul.f32 v2, v2  }
0x72: {  	v3 =	vmul.f32 v3, v50;
	v14 =	vmul.f32 v5, v2  }
0x73: {  	v10 =	vmul.f32 v50, v50;
	v55 =	vmul.f32 v7, v7;
	v8 =	vadd.f32 v51, v8  }
0x74: {  	v15 =	vmul.f32 v0, v7;
	v2 =	vmul.f32 v2, v49;
	v9 =	vadd.f32 v14, v52  }
0x75: {  	v4 =	vmul.f32 v5, v49;
	v53 =	vadd.f32 v13, v12;
	v8 =	vadd.f32 v55, v8  }
0x76: {  	v57 =	vmul.f32 v7, v1;
	v2 =	vadd.f32 v2, v6;
	v9 =	vadd.f32 v15, v9  }
0x77: {  	s0 =	sand.u32 $0x7F0, s9;
	v60 =	vmul.f32 v1, v1;
	v59 =	vadd.f32 v56, v10;
	v58 =	vadd.f32 v54, v53;
	[tilespmem:s11+$0x0] =	vst v8  }
0x78: {  	v0 =	vmul.f32 v0, v1;
	v62 =	vadd.f32 v4, v3;
	v61 =	vadd.f32 v57, v2;
	[tilespmem:s0+$0xF980] =	vst v9  }
0x79: {  	v63 =	vadd.f32 v60, v59;
	[tilespmem:s0+$0x10880] =	vst v58  }
0x7a: {  	v0 =	vadd.f32 v0, v62;
	[tilespmem:s0+$0xFE80] =	vst v61  }
0x7b: {  	[tilespmem:s0+$0x10D80] =	vst v63  }
0x7c: {  	s11 =	simm.s32 $0xF480;
	[tilespmem:s0+$0x10380] =	vst v0;
	s0 =	sadd.s32 s7, s3  }
0x7d: {  	[hbm4b:s0+s2] =	stream.linear.scatter [tilespmem:s11], [sflag:$0x1], $0x500, $0x38;
	[tilespmem:$0x19E80] =	vst v63  }
0x7e: {  	s14 =	simm.s32 $0xF980;
	s13 =	sadd.s32 $0x9C40, s0  }
0x7f: {  	[hbm4b:s13+s2] =	stream.linear.scatter [tilespmem:s14], [sflag:$0x1], $0x500, $0x38;
	[tilespmem:$0x19E80] =	vst v63  }
0x80: {  	s15 =	sadd.s32 $0x13880, s0  }
0x81: {  	[hbm4b:s15+s2] =	stream.linear.scatter [tilespmem:s17], [sflag:$0x1], $0x500, $0x38;
	[tilespmem:$0x19E80] =	vst v63  }
0x82: {  	s16 =	sadd.s32 $0x1D4C0, s0  }
0x83: {  	[hbm4b:s16+s2] =	stream.linear.scatter [tilespmem:s18], [sflag:$0x1], $0x500, $0x38;
	[tilespmem:$0x19E80] =	vst v63  }
.Ltmp4:
0x84: {  	_ = 	snop;
	(pc) =	sbr.rel .LBB2_6-.Ltmp4, $4  }
0x85: {  	s31 =	sadd.s32 $0x27100, s0  }
0x86: {  	[hbm4b:s31+s2] =	stream.linear.scatter [tilespmem:s19], [sflag:$0x1], $0x500, $0x38;
	[tilespmem:$0x19E80] =	vst v63  }
0x87: {  	s0 =	sadd.s32 $0x30D40, s0  }
0x88: {  	[hbm4b:s0+s2] =	stream.linear.scatter [tilespmem:s20], [sflag:$0x1], $0x500, $0x38;
	[tilespmem:$0x19E80] =	vst v63  }
.LBB2_7:
0x89: {  	_ =	swait.ge [sflag:s21], $0x500  }
0x8a: {  	[sflag:s21] =	ssyncset.done $0x0  }
0x8b: {  	[sflag:s21] =	ssyncadd.s32 $0xFFFFFB00  }
0x8c: {  	_ =	swait.ge [sflag:s21], $0x500  }
0x8d: {  	[sflag:s21] =	ssyncset.done $0x0  }
0x8e: {  	[sflag:s21] =	ssyncadd.s32 $0xFFFFFB00  }
0x8f: {  	_ =	swait.ge [sflag:s21], $0x500  }
0x90: {  	[sflag:s21] =	ssyncset.done $0x0  }
0x91: {  	[sflag:s21] =	ssyncadd.s32 $0xFFFFFB00  }
0x92: {  	_ =	swait.ge [sflag:s21], $0x500  }
0x93: {  	[sflag:s21] =	ssyncset.done $0x0  }
0x94: {  	[sflag:s21] =	ssyncadd.s32 $0xFFFFFB00  }
0x95: {  	_ =	swait.ge [sflag:s21], $0x500  }
0x96: {  	[sflag:s21] =	ssyncset.done $0x0  }
0x97: {  	[sflag:s21] =	ssyncadd.s32 $0xFFFFFB00  }
0x98: {  	_ =	swait.ge [sflag:s21], $0x500  }
0x99: {  	[sflag:s21] =	ssyncset.done $0x0  }
0x9a: {  	s0 =	simm.s32 $0x0;
	s1 =	rddreg [dreg:$0x4];
	[sflag:s21] =	ssyncadd.s32 $0xFFFFFB00  }
0x9b: {  	[tilespmem:s22], [sflag:$0x6] =	stream.linear.gather [hbm4b:s1+s0], $0x2800, $0x38;
	[tilespmem:$0x19E80] =	vst v63  }
0x9c: {  	_ =	swait.ge [sflag:s12], $0x2800  }
0x9d: {  	[sflag:s12] =	ssyncset.done $0x0  }
0x9e: {  	[sflag:s12] =	ssyncadd.s32 $0xFFFFD800  }
0x9f: {  	[tilespmem:s23], [sflag:$0x2] =	stream.linear.gather [hbm4b:s4+s0], $0x1900, $0x38;
	[tilespmem:$0x19E80] =	vst v63  }
.LBB2_8:
0xa0: {  	s3 =	smul.u32 $0x3200, s0;
	_ =	sdelay $0x1  }
0xa1: {  	s1 =	sadd.s32 $0x1900, s3  }
0xa2: {  	s9 =	sshrl.u32 s1, $0x3  }
0xa3: {  	s9 =	sadd.s32 s4, s9  }
0xa4: {  	[tilespmem:s24], [sflag:$0x3] =	stream.linear.gather [hbm4b:s9+s2], $0x1900, $0x38;
	[tilespmem:$0x19E80] =	vst v63  }
0xa5: {  	_ =	swait.ge [sflag:s25], $0x1900  }
0xa6: {  	p0 =	seq.s32 s0, $0x0;
	[sflag:s25] =	ssyncset.done $0x0  }
0xa7: {  	s9 =	simm.s32 @!p0 $0x4;
	[sflag:s25] =	ssyncadd.s32 $0xFFFFE700  }
0xa8: {  	_ =	swait.ge @!p0 [sflag:s9], $0x1900  }
0xa9: {  	[sflag:s9] =	ssyncset.done @!p0 $0x0  }
0xaa: {  	[sflag:s9] =	ssyncadd.s32 @!p0 $0xFFFFE700;
	s9 =	simm.s32 $0x0  }
0xab: {  	v0 =	vld [tilespmem:s9+$0x13A80];
	_ =	sdelay $0x7  }
0xac: {  	s11 =	simm.s32 $0x10;
	s13 =	simm.s32 $0x80;
	v0 =	vld.idx.msk [tilespmem:v0+s22+$0x0], $0xffff  }
.LBB2_9:
0xad: {  	p1 =	sne.s32 s13, $0x63C0;
	v1 =	vld [tilespmem:s11+$0x13A80];
	_ =	sdelay $0x3  }
.Ltmp5:
0xae: {  	(pc) =	sbr.rel @p1 .LBB2_9-.Ltmp5, $2  }
0xaf: {  	[tilespmem:s9+$0x16C80] =	vst v0;
	s9 =	smov.u32 s11;
	_ =	sdelay $0x2  }
0xb0: {  	s11 =	sshra.s32 s13, $0x2;
	s13 =	sadd.s32 $0x40, s13;
	v0 =	vld.idx.msk [tilespmem:v1+s22+$0x0], $0xffff  }
0xb1: {  	v1 =	vld [tilespmem:s11+$0x13A80];
	_ =	sdelay $0x6  }
0xb2: {  	[tilespmem:s9+$0x16C80] =	vst v0  }
0xb3: {  	v0 =	vld.idx.msk [tilespmem:v1+s22+$0x0], $0xffff  }
0xb4: {  	p1 =	sne.s32 s0, $0x18  }
.Ltmp6:
0xb5: {  	_ = 	snop;
	(pc) =	sbr.rel @p1 .LBB2_12-.Ltmp6, $4  }
0xb6: {  	s31 =	sadd.s32 s10, s3  }
0xb7: {  	s9 =	sshrl.u32 s31, $0x3  }
0xb8: {  	s9 =	sadd.s32 s8, s9;
	[tilespmem:s11+$0x16C80] =	vst v0  }
0xb9: {  	[hbm4b:s9+s2] =	stream.linear.scatter [tilespmem:s26], [sflag:$0x4], $0x1900, $0x38;
	[tilespmem:$0x19E80] =	vst v63  }
.Ltmp7:
0xba: {  	(pc) =	sbr.rel .LBB2_13-.Ltmp7, $4  }
0xbb: {  	_ = 	snop  }
0xbc: {  	_ =	swait.ge [sflag:s28], $0x1900  }
0xbd: {  	[sflag:s28] =	ssyncset.done $0x0  }
0xbe: {  	[sflag:s28] =	ssyncadd.s32 $0xFFFFE700  }
.LBB2_12:
0xbf: {  	s3 =	sshrl.u32 s3, $0x3  }
0xc0: {  	s3 =	sadd.s32 s4, s3  }
.Ltmp8:
0xc1: {  	s3 =	sadd.s32 $0x640, s3;
	(pc) =	sbr.rel @p0 .LBB2_14-.Ltmp8, $4  }
0xc2: {  	[tilespmem:s23], [sflag:$0x2] =	stream.linear.gather [hbm4b:s3+s2], $0x1900, $0x38;
	[tilespmem:$0x19E80] =	vst v63  }
0xc3: {  	_ =	swait.ge [sflag:s28], $0x1900  }
0xc4: {  	[sflag:s28] =	ssyncset.done $0x0  }
0xc5: {  	[sflag:s28] =	ssyncadd.s32 $0xFFFFE700  }
.LBB2_13:
0xc6: {  	_ =	swait.ge [sflag:s29], $0x1900  }
0xc7: {  	[sflag:s29] =	ssyncset.done $0x0  }
0xc8: {  	[sflag:s29] =	ssyncadd.s32 $0xFFFFE700  }
.LBB2_14:
0xc9: {  	s3 =	simm.s32 $0x0  }
0xca: {  	v0 =	vld [tilespmem:s3+$0x15380];
	_ =	sdelay $0x7  }
0xcb: {  	s9 =	simm.s32 $0x10;
	s11 =	simm.s32 $0x80;
	v0 =	vld.idx.msk [tilespmem:v0+s22+$0x0], $0xffff  }
.LBB2_15:
0xcc: {  	p0 =	sne.s32 s11, $0x63C0;
	v1 =	vld [tilespmem:s9+$0x15380];
	_ =	sdelay $0x3  }
.Ltmp9:
0xcd: {  	(pc) =	sbr.rel @p0 .LBB2_15-.Ltmp9, $2  }
0xce: {  	[tilespmem:s3+$0x18580] =	vst v0;
	s3 =	smov.u32 s9;
	_ =	sdelay $0x2  }
0xcf: {  	s9 =	sshra.s32 s11, $0x2;
	s11 =	sadd.s32 $0x40, s11;
	v0 =	vld.idx.msk [tilespmem:v1+s22+$0x0], $0xffff  }
0xd0: {  	v1 =	vld [tilespmem:s9+$0x15380];
	_ =	sdelay $0x6  }
0xd1: {  	[tilespmem:s3+$0x18580] =	vst v0  }
0xd2: {  	s0 =	sadd.s32 $0x1, s0;
	v0 =	vld.idx.msk [tilespmem:v1+s22+$0x0], $0xffff  }
0xd3: {  	p0 =	sne.s32 s0, $0x19  }
.Ltmp10:
0xd4: {  	_ = 	snop;
	(pc) =	sbr.rel @p0 .LBB2_8-.Ltmp10, $4  }
0xd5: {  	s1 =	sadd.s32 s10, s1  }
0xd6: {  	s1 =	sshrl.u32 s1, $0x3  }
0xd7: {  	s1 =	sadd.s32 s8, s1;
	[tilespmem:s9+$0x18580] =	vst v0  }
0xd8: {  	[hbm4b:s1+s2] =	stream.linear.scatter [tilespmem:s30], [sflag:$0x5], $0x1900, $0x38;
	[tilespmem:$0x19E80] =	vst v63  }
0xd9: {  	s0 =	simm.s32 $0x4  }
0xda: {  	_ =	swait.ge [sflag:s0], $0x1900  }
0xdb: {  	[sflag:s0] =	ssyncset.done $0x0  }
0xdc: {  	[sflag:s0] =	ssyncadd.s32 $0xFFFFE700  }
0xdd: {  	_ =	swait.ge [sflag:s29], $0x1900  }
0xde: {  	s1 =	rddreg [dreg:$0x6]  }
0xdf: {  	s31 =	rddreg [dreg:$0x5];
	s1 =	sadd.s32 $0x1, s1  }
0xe0: {  	p0 =	sne.s32 s1, s31  }
.Ltmp11:
0xe1: {  	_ = 	snop;
	(pc) =	sbr.rel @p0 .LBB2_1-.Ltmp11, $3  }
0xe2: {  	_ =	sdelay $0x1  }
0xe3: {  	[sflag:s29] =	ssyncset.done $0x0  }
0xe4: {  	[sflag:s29] =	ssyncadd.s32 $0xFFFFE700  }
0xe5: {  	_ =	sfence.sel $0x180000  }
0xe6: {  	[bflag:$0x0] =	sbarrier.arrive $0xFFFF  }
0xe7: {  	_ =	strace $0x90000047  }
0xe8: {  	s0 =	stileid.u32;
	[bflag:$0x2] =	sbarrier.arrive $0xFFFF  }
0xe9: {  	p0 =	sne.s32 s0, $0x0;
	s0 =	rddreg [dreg:$0x2]  }
0xea: {  	s0 =	sadd.s32 @!p0 $0x100000, s0  }
0xeb: {  	[sflag:s0] =	ssyncadd.tile.s32 @!p0 $0x1;
	_ =	shalt  }
.Lfunc_end2:
_tile_overlayer_lowered:
.L_overlay_start_2:
0xec: {  	(tag) =	ssettag $0x2  }
0xed: {  	s0 =	rddreg [dreg:$0x0];
	s2 =	stileid.u32  }
0xee: {  	s1 =	rddreg [dreg:$0x1];
	p0 =	sne.s32 s2, $0x0  }
0xef: {  	s3 =	rddreg [dreg:$0x2];
	[bflag:$0x3] =	sbarrier.arrive $0xFFFF;
	s2 =	simm.s32 @!p0 $0x1C06  }
0xf0: {  	[timem:s3], [sflag:s2] =	dma.local @!p0 [hbm:s0], s1  }
0xf1: {  	s0 =	simm.s32 @!p0 $0x6  }
0xf2: {  	_ =	swait.ge @!p0 [sflag:s0], s1  }
0xf3: {  	s1 =	ssub.s32 @!p0 $0x0, s1;
	[sflag:s0] =	ssyncset.done @!p0 $0x0  }
0xf4: {  	[sflag:s0] =	ssyncadd.s32 @!p0 s1  }
0xf5: {  	[bflag:$0x3] =	sbarrier.arrive $0xFFFF  }
0xf6: {  	_ =	shalt  }

</sc_bundles>
